<compile_context>
chip_gen: v7x
topology: tpu7x:2x2x1
jax: 0.10.2.dev20260603
libtpu: 0.0.44.dev20260713+nightly
codegen_flags: <defaults>
</compile_context>

<pallas_src>
import functools

import jax
import jax.numpy as jnp
from jax import lax
from jax.experimental import pallas as pl
from jax.experimental.pallas import tpu as pltpu
from jax.experimental.pallas import tpu_sc as plsc

TARGET = 98304
NROWS = 65536
NUP = TARGET - NROWS
D = 128
L = 16

NC, NS = 2, 16
NW = NC * NS
UP_PER_W = NUP // NW
CP_PER_W = NROWS // NW
GB = 128
NB = UP_PER_W // GB
DEPTH = 3

_MESH = plsc.VectorSubcoreMesh(
    core_axis_name="c", subcore_axis_name="s", num_cores=NC, num_subcores=NS
)


@functools.partial(
    pl.kernel,
    out_type=jax.ShapeDtypeStruct((TARGET, D), jnp.float32),
    mesh=_MESH,
    scratch_types=[
        pltpu.VMEM((UP_PER_W,), jnp.int32),
        pltpu.VMEM((UP_PER_W,), jnp.int32),
        [pltpu.VMEM((GB, D), jnp.float32) for _ in range(DEPTH)],
        [pltpu.VMEM((GB, D), jnp.float32) for _ in range(DEPTH)],
        [pltpu.SemaphoreType.DMA for _ in range(DEPTH)],
        [pltpu.SemaphoreType.DMA for _ in range(DEPTH)],
        pltpu.SemaphoreType.DMA,
    ],
)
def _hex_unpool(
    x_hbm, idx0_hbm, idx1_hbm, out_hbm, i0v, i1v, r0, r1, sg, so, si
):
    wid = lax.axis_index("s") * NC + lax.axis_index("c")
    ubase = wid * UP_PER_W
    cbase = wid * CP_PER_W

    di0 = pltpu.async_copy(idx0_hbm.at[pl.ds(ubase, UP_PER_W)], i0v, si)
    di1 = pltpu.async_copy(idx1_hbm.at[pl.ds(ubase, UP_PER_W)], i1v, si)

    nchunks = CP_PER_W // GB
    bufs = r0 + r1
    csems = sg + so
    nbuf = len(bufs)
    loads = [None] * nbuf
    stores = [None] * nbuf
    for b in range(nbuf):
        loads[b] = pltpu.async_copy(x_hbm.at[pl.ds(cbase + b * GB, GB)], bufs[b], csems[b])
    for c in range(nchunks):
        b = c % nbuf
        loads[b].wait()
        stores[b] = pltpu.async_copy(bufs[b], out_hbm.at[pl.ds(cbase + c * GB, GB)], csems[b])
        f = c + 2
        if nbuf <= f < nchunks:
            bf = f % nbuf
            stores[bf].wait()
            loads[bf] = pltpu.async_copy(
                x_hbm.at[pl.ds(cbase + f * GB, GB)], bufs[bf], csems[bf]
            )
            stores[bf] = None
    for st in stores:
        if st is not None:
            st.wait()

    di0.wait()
    di1.wait()

    def start_gathers(j):
        b = j % DEPTH
        isl = pl.ds(j * GB, GB)
        d0 = pltpu.async_copy(x_hbm.at[i0v.at[isl]], r0[b], sg[b])
        d1 = pltpu.async_copy(x_hbm.at[i1v.at[isl]], r1[b], sg[b])
        return d0, d1

    pend = [start_gathers(0), start_gathers(1), None]
    outst = [None] * DEPTH
    for j in range(NB):
        b = j % DEPTH
        if j + 2 < NB:
            bf = (j + 2) % DEPTH
            if outst[bf] is not None:
                outst[bf].wait()
                outst[bf] = None
            pend[bf] = start_gathers(j + 2)
        pend[b][0].wait()
        pend[b][1].wait()

        def avg_body(r, carry, _b=b):
            for c in range(D // L):
                a = r0[_b][r, pl.ds(c * L, L)]
                bb = r1[_b][r, pl.ds(c * L, L)]
                r0[_b][r, pl.ds(c * L, L)] = (a + bb) * 0.5
            return carry

        lax.fori_loop(0, GB, avg_body, 0)

        outst[b] = pltpu.async_copy(
            r0[b], out_hbm.at[pl.ds(NROWS + ubase + j * GB, GB)], so[b]
        )

    for st in outst:
        if st is not None:
            st.wait()


def kernel(x, upsample_indices):
    idx0 = upsample_indices[:, 0]
    idx1 = upsample_indices[:, 1]
    return _hex_unpool(x, idx0, idx1)

# --- scband reference (transcript-rebuilt; emitter-appended) ---
"""Pipeline reference for scband-hex-unpool-33990371181512 (READ-ONLY COPY).

The authoritative reference and input builder live on the scoring server;
editing this copy changes nothing except your own understanding.
"""

import jax, jax.numpy as jnp
import numpy as np

TARGET_SIZE = 98304
N = 65536
D = 128
N_UP = TARGET_SIZE - N


def setup_inputs(seed: int = 0) -> dict:
    key = jax.random.key(seed)
    k1, k2 = jax.random.split(key)
    x = jax.random.normal(k1, (N, D), dtype=jnp.float32)
    upsample_indices = jax.random.randint(k2, (N_UP, 2), 0, N, dtype=jnp.int32)
    return {"x": x, "upsample_indices": upsample_indices}


def reference(x, upsample_indices):
    # Faithful translation of HexUnpool.forward (device arg omitted; jax manages placement)
    limit = x.shape[0]
    new_x = jnp.zeros((TARGET_SIZE, x.shape[1]), dtype=x.dtype)
    new_x = new_x.at[:limit].set(x)
    gathered = x[upsample_indices]              # [N_UP, 2, D] gather
    new_x = new_x.at[limit:].set(jnp.mean(gathered, axis=1))  # scatter-overwrite
    return new_x

if __name__ == "__main__":
    import jax
    _d = setup_inputs()
    print(jax.jit(kernel)(*tuple(_d.values())))

</pallas_src>

<mosaic_0001>
#map = affine_map<(d0, d1) -> (0, 0)>
#map1 = affine_map<(d0, d1) -> (0)>
module attributes {stable_mosaic.version = 14 : i64} {
  func.func @_hex_unpool(%arg0: i32, %arg1: i32, %arg2: memref<65536x128xf32, #tpu.memory_space<hbm>>, %arg3: memref<32768xi32, #tpu.memory_space<hbm>>, %arg4: memref<32768xi32, #tpu.memory_space<hbm>>, %arg5: memref<98304x128xf32, #tpu.memory_space<hbm>>, %arg6: memref<1024xi32, #tpu.memory_space<vmem>>, %arg7: memref<1024xi32, #tpu.memory_space<vmem>>, %arg8: memref<128x128xf32, #tpu.memory_space<vmem>>, %arg9: memref<128x128xf32, #tpu.memory_space<vmem>>, %arg10: memref<128x128xf32, #tpu.memory_space<vmem>>, %arg11: memref<128x128xf32, #tpu.memory_space<vmem>>, %arg12: memref<128x128xf32, #tpu.memory_space<vmem>>, %arg13: memref<128x128xf32, #tpu.memory_space<vmem>>, %arg14: memref<!tpu.dma_semaphore, #tpu.memory_space<semaphore_mem>>, %arg15: memref<!tpu.dma_semaphore, #tpu.memory_space<semaphore_mem>>, %arg16: memref<!tpu.dma_semaphore, #tpu.memory_space<semaphore_mem>>, %arg17: memref<!tpu.dma_semaphore, #tpu.memory_space<semaphore_mem>>, %arg18: memref<!tpu.dma_semaphore, #tpu.memory_space<semaphore_mem>>, %arg19: memref<!tpu.dma_semaphore, #tpu.memory_space<semaphore_mem>>, %arg20: memref<!tpu.dma_semaphore, #tpu.memory_space<semaphore_mem>>) attributes {dimension_semantics = [#tpu.dimension_semantics<core_parallel>, #tpu.dimension_semantics<subcore_parallel>], iteration_bounds = array<i64: 2, 16>, scalar_prefetch = 0 : i64, scratch_operands = 15 : i64, tpu.core_type = #tpu.core_type<sc_vector_subcore>, window_params = [{transform_indices = #map}, {transform_indices = #map1}, {transform_indices = #map1}, {transform_indices = #map}]} {
    %mul3A = arith.constant 2 : i32
    %mul3A_0 = arith.muli %arg1, %mul3A : i32
    %add3A = arith.addi %mul3A_0, %arg0 : i32
    %mul3A_1 = arith.constant 1024 : i32
    %mul3A_2 = arith.muli %add3A, %mul3A_1 : i32
    %mul3A_3 = arith.constant 2048 : i32
    %mul3A_4 = arith.muli %add3A, %mul3A_3 : i32
    %dma_start3A = tpu.memref_slice %arg3[%mul3A_2] : memref<32768xi32, #tpu.memory_space<hbm>> -> memref<1024xi32, #tpu.memory_space<hbm>>
    %dma_start3A_5 = tpu.memref_slice %arg3[%mul3A_2] : memref<32768xi32, #tpu.memory_space<hbm>> -> memref<1024xi32, #tpu.memory_space<hbm>>
    tpu.enqueue_dma source(%dma_start3A_5 : memref<1024xi32, #tpu.memory_space<hbm>>) target(%arg6 : memref<1024xi32, #tpu.memory_space<vmem>>) target_semaphore(%arg20 : memref<!tpu.dma_semaphore, #tpu.memory_space<semaphore_mem>>)
    %dma_start3A_6 = tpu.memref_slice %arg4[%mul3A_2] : memref<32768xi32, #tpu.memory_space<hbm>> -> memref<1024xi32, #tpu.memory_space<hbm>>
    %dma_start3A_7 = tpu.memref_slice %arg4[%mul3A_2] : memref<32768xi32, #tpu.memory_space<hbm>> -> memref<1024xi32, #tpu.memory_space<hbm>>
    tpu.enqueue_dma source(%dma_start3A_7 : memref<1024xi32, #tpu.memory_space<hbm>>) target(%arg7 : memref<1024xi32, #tpu.memory_space<vmem>>) target_semaphore(%arg20 : memref<!tpu.dma_semaphore, #tpu.memory_space<semaphore_mem>>)
    %add3A_8 = arith.constant 0 : i32
    %add3A_9 = arith.addi %mul3A_4, %add3A_8 : i32
    %dma_start3A_10 = arith.constant 0 : i32
    %dma_start3A_11 = tpu.memref_slice %arg2[%add3A_9, %dma_start3A_10] : memref<65536x128xf32, #tpu.memory_space<hbm>> -> memref<128x128xf32, #tpu.memory_space<hbm>>
    %dma_start3A_12 = arith.constant 0 : i32
    %dma_start3A_13 = tpu.memref_slice %arg2[%add3A_9, %dma_start3A_12] : memref<65536x128xf32, #tpu.memory_space<hbm>> -> memref<128x128xf32, #tpu.memory_space<hbm>>
    tpu.enqueue_dma source(%dma_start3A_13 : memref<128x128xf32, #tpu.memory_space<hbm>>) target(%arg8 : memref<128x128xf32, #tpu.memory_space<vmem>>) target_semaphore(%arg14 : memref<!tpu.dma_semaphore, #tpu.memory_space<semaphore_mem>>)
    %add3A_14 = arith.constant 128 : i32
    %add3A_15 = arith.addi %mul3A_4, %add3A_14 : i32
    %dma_start3A_16 = arith.constant 0 : i32
    %dma_start3A_17 = tpu.memref_slice %arg2[%add3A_15, %dma_start3A_16] : memref<65536x128xf32, #tpu.memory_space<hbm>> -> memref<128x128xf32, #tpu.memory_space<hbm>>
    %dma_start3A_18 = arith.constant 0 : i32
    %dma_start3A_19 = tpu.memref_slice %arg2[%add3A_15, %dma_start3A_18] : memref<65536x128xf32, #tpu.memory_space<hbm>> -> memref<128x128xf32, #tpu.memory_space<hbm>>
    tpu.enqueue_dma source(%dma_start3A_19 : memref<128x128xf32, #tpu.memory_space<hbm>>) target(%arg9 : memref<128x128xf32, #tpu.memory_space<vmem>>) target_semaphore(%arg15 : memref<!tpu.dma_semaphore, #tpu.memory_space<semaphore_mem>>)
    %add3A_20 = arith.constant 256 : i32
    %add3A_21 = arith.addi %mul3A_4, %add3A_20 : i32
    %dma_start3A_22 = arith.constant 0 : i32
    %dma_start3A_23 = tpu.memref_slice %arg2[%add3A_21, %dma_start3A_22] : memref<65536x128xf32, #tpu.memory_space<hbm>> -> memref<128x128xf32, #tpu.memory_space<hbm>>
    %dma_start3A_24 = arith.constant 0 : i32
    %dma_start3A_25 = tpu.memref_slice %arg2[%add3A_21, %dma_start3A_24] : memref<65536x128xf32, #tpu.memory_space<hbm>> -> memref<128x128xf32, #tpu.memory_space<hbm>>
    tpu.enqueue_dma source(%dma_start3A_25 : memref<128x128xf32, #tpu.memory_space<hbm>>) target(%arg10 : memref<128x128xf32, #tpu.memory_space<vmem>>) target_semaphore(%arg16 : memref<!tpu.dma_semaphore, #tpu.memory_space<semaphore_mem>>)
    %add3A_26 = arith.constant 384 : i32
    %add3A_27 = arith.addi %mul3A_4, %add3A_26 : i32
    %dma_start3A_28 = arith.constant 0 : i32
    %dma_start3A_29 = tpu.memref_slice %arg2[%add3A_27, %dma_start3A_28] : memref<65536x128xf32, #tpu.memory_space<hbm>> -> memref<128x128xf32, #tpu.memory_space<hbm>>
    %dma_start3A_30 = arith.constant 0 : i32
    %dma_start3A_31 = tpu.memref_slice %arg2[%add3A_27, %dma_start3A_30] : memref<65536x128xf32, #tpu.memory_space<hbm>> -> memref<128x128xf32, #tpu.memory_space<hbm>>
    tpu.enqueue_dma source(%dma_start3A_31 : memref<128x128xf32, #tpu.memory_space<hbm>>) target(%arg11 : memref<128x128xf32, #tpu.memory_space<vmem>>) target_semaphore(%arg17 : memref<!tpu.dma_semaphore, #tpu.memory_space<semaphore_mem>>)
    %add3A_32 = arith.constant 512 : i32
    %add3A_33 = arith.addi %mul3A_4, %add3A_32 : i32
    %dma_start3A_34 = arith.constant 0 : i32
    %dma_start3A_35 = tpu.memref_slice %arg2[%add3A_33, %dma_start3A_34] : memref<65536x128xf32, #tpu.memory_space<hbm>> -> memref<128x128xf32, #tpu.memory_space<hbm>>
    %dma_start3A_36 = arith.constant 0 : i32
    %dma_start3A_37 = tpu.memref_slice %arg2[%add3A_33, %dma_start3A_36] : memref<65536x128xf32, #tpu.memory_space<hbm>> -> memref<128x128xf32, #tpu.memory_space<hbm>>
    tpu.enqueue_dma source(%dma_start3A_37 : memref<128x128xf32, #tpu.memory_space<hbm>>) target(%arg12 : memref<128x128xf32, #tpu.memory_space<vmem>>) target_semaphore(%arg18 : memref<!tpu.dma_semaphore, #tpu.memory_space<semaphore_mem>>)
    %add3A_38 = arith.constant 640 : i32
    %add3A_39 = arith.addi %mul3A_4, %add3A_38 : i32
    %dma_start3A_40 = arith.constant 0 : i32
    %dma_start3A_41 = tpu.memref_slice %arg2[%add3A_39, %dma_start3A_40] : memref<65536x128xf32, #tpu.memory_space<hbm>> -> memref<128x128xf32, #tpu.memory_space<hbm>>
    %dma_start3A_42 = arith.constant 0 : i32
    %dma_start3A_43 = tpu.memref_slice %arg2[%add3A_39, %dma_start3A_42] : memref<65536x128xf32, #tpu.memory_space<hbm>> -> memref<128x128xf32, #tpu.memory_space<hbm>>
    tpu.enqueue_dma source(%dma_start3A_43 : memref<128x128xf32, #tpu.memory_space<hbm>>) target(%arg13 : memref<128x128xf32, #tpu.memory_space<vmem>>) target_semaphore(%arg19 : memref<!tpu.dma_semaphore, #tpu.memory_space<semaphore_mem>>)
    %dma_wait3A = arith.constant 0 : i32
    %dma_wait3A_44 = tpu.memref_slice %arg2[%add3A_9, %dma_wait3A] : memref<65536x128xf32, #tpu.memory_space<hbm>> -> memref<128x128xf32, #tpu.memory_space<hbm>>
    %dma_wait3A_45 = arith.constant 0 : i32
    %dma_wait3A_46 = tpu.memref_slice %arg2[%add3A_9, %dma_wait3A_45] : memref<65536x128xf32, #tpu.memory_space<hbm>> -> memref<128x128xf32, #tpu.memory_space<hbm>>
    tpu.wait_dma2 semaphore(%arg14 : memref<!tpu.dma_semaphore, #tpu.memory_space<semaphore_mem>>) src(%dma_wait3A_46 : memref<128x128xf32, #tpu.memory_space<hbm>>) dst(%arg8 : memref<128x128xf32, #tpu.memory_space<vmem>>)
    %add3A_47 = arith.constant 0 : i32
    %add3A_48 = arith.addi %mul3A_4, %add3A_47 : i32
    %dma_start3A_49 = arith.constant 0 : i32
    %dma_start3A_50 = tpu.memref_slice %arg5[%add3A_48, %dma_start3A_49] : memref<98304x128xf32, #tpu.memory_space<hbm>> -> memref<128x128xf32, #tpu.memory_space<hbm>>
    %dma_start3A_51 = arith.constant 0 : i32
    %dma_start3A_52 = tpu.memref_slice %arg5[%add3A_48, %dma_start3A_51] : memref<98304x128xf32, #tpu.memory_space<hbm>> -> memref<128x128xf32, #tpu.memory_space<hbm>>
    tpu.enqueue_dma source(%arg8 : memref<128x128xf32, #tpu.memory_space<vmem>>) target(%dma_start3A_52 : memref<128x128xf32, #tpu.memory_space<hbm>>) target_semaphore(%arg14 : memref<!tpu.dma_semaphore, #tpu.memory_space<semaphore_mem>>)
    %dma_wait3A_53 = arith.constant 0 : i32
    %dma_wait3A_54 = tpu.memref_slice %arg2[%add3A_15, %dma_wait3A_53] : memref<65536x128xf32, #tpu.memory_space<hbm>> -> memref<128x128xf32, #tpu.memory_space<hbm>>
    %dma_wait3A_55 = arith.constant 0 : i32
    %dma_wait3A_56 = tpu.memref_slice %arg2[%add3A_15, %dma_wait3A_55] : memref<65536x128xf32, #tpu.memory_space<hbm>> -> memref<128x128xf32, #tpu.memory_space<hbm>>
    tpu.wait_dma2 semaphore(%arg15 : memref<!tpu.dma_semaphore, #tpu.memory_space<semaphore_mem>>) src(%dma_wait3A_56 : memref<128x128xf32, #tpu.memory_space<hbm>>) dst(%arg9 : memref<128x128xf32, #tpu.memory_space<vmem>>)
    %add3A_57 = arith.constant 128 : i32
    %add3A_58 = arith.addi %mul3A_4, %add3A_57 : i32
    %dma_start3A_59 = arith.constant 0 : i32
    %dma_start3A_60 = tpu.memref_slice %arg5[%add3A_58, %dma_start3A_59] : memref<98304x128xf32, #tpu.memory_space<hbm>> -> memref<128x128xf32, #tpu.memory_space<hbm>>
    %dma_start3A_61 = arith.constant 0 : i32
    %dma_start3A_62 = tpu.memref_slice %arg5[%add3A_58, %dma_start3A_61] : memref<98304x128xf32, #tpu.memory_space<hbm>> -> memref<128x128xf32, #tpu.memory_space<hbm>>
    tpu.enqueue_dma source(%arg9 : memref<128x128xf32, #tpu.memory_space<vmem>>) target(%dma_start3A_62 : memref<128x128xf32, #tpu.memory_space<hbm>>) target_semaphore(%arg15 : memref<!tpu.dma_semaphore, #tpu.memory_space<semaphore_mem>>)
    %dma_wait3A_63 = arith.constant 0 : i32
    %dma_wait3A_64 = tpu.memref_slice %arg2[%add3A_21, %dma_wait3A_63] : memref<65536x128xf32, #tpu.memory_space<hbm>> -> memref<128x128xf32, #tpu.memory_space<hbm>>
    %dma_wait3A_65 = arith.constant 0 : i32
    %dma_wait3A_66 = tpu.memref_slice %arg2[%add3A_21, %dma_wait3A_65] : memref<65536x128xf32, #tpu.memory_space<hbm>> -> memref<128x128xf32, #tpu.memory_space<hbm>>
    tpu.wait_dma2 semaphore(%arg16 : memref<!tpu.dma_semaphore, #tpu.memory_space<semaphore_mem>>) src(%dma_wait3A_66 : memref<128x128xf32, #tpu.memory_space<hbm>>) dst(%arg10 : memref<128x128xf32, #tpu.memory_space<vmem>>)
    %add3A_67 = arith.constant 256 : i32
    %add3A_68 = arith.addi %mul3A_4, %add3A_67 : i32
    %dma_start3A_69 = arith.constant 0 : i32
    %dma_start3A_70 = tpu.memref_slice %arg5[%add3A_68, %dma_start3A_69] : memref<98304x128xf32, #tpu.memory_space<hbm>> -> memref<128x128xf32, #tpu.memory_space<hbm>>
    %dma_start3A_71 = arith.constant 0 : i32
    %dma_start3A_72 = tpu.memref_slice %arg5[%add3A_68, %dma_start3A_71] : memref<98304x128xf32, #tpu.memory_space<hbm>> -> memref<128x128xf32, #tpu.memory_space<hbm>>
    tpu.enqueue_dma source(%arg10 : memref<128x128xf32, #tpu.memory_space<vmem>>) target(%dma_start3A_72 : memref<128x128xf32, #tpu.memory_space<hbm>>) target_semaphore(%arg16 : memref<!tpu.dma_semaphore, #tpu.memory_space<semaphore_mem>>)
    %dma_wait3A_73 = arith.constant 0 : i32
    %dma_wait3A_74 = tpu.memref_slice %arg2[%add3A_27, %dma_wait3A_73] : memref<65536x128xf32, #tpu.memory_space<hbm>> -> memref<128x128xf32, #tpu.memory_space<hbm>>
    %dma_wait3A_75 = arith.constant 0 : i32
    %dma_wait3A_76 = tpu.memref_slice %arg2[%add3A_27, %dma_wait3A_75] : memref<65536x128xf32, #tpu.memory_space<hbm>> -> memref<128x128xf32, #tpu.memory_space<hbm>>
    tpu.wait_dma2 semaphore(%arg17 : memref<!tpu.dma_semaphore, #tpu.memory_space<semaphore_mem>>) src(%dma_wait3A_76 : memref<128x128xf32, #tpu.memory_space<hbm>>) dst(%arg11 : memref<128x128xf32, #tpu.memory_space<vmem>>)
    %add3A_77 = arith.constant 384 : i32
    %add3A_78 = arith.addi %mul3A_4, %add3A_77 : i32
    %dma_start3A_79 = arith.constant 0 : i32
    %dma_start3A_80 = tpu.memref_slice %arg5[%add3A_78, %dma_start3A_79] : memref<98304x128xf32, #tpu.memory_space<hbm>> -> memref<128x128xf32, #tpu.memory_space<hbm>>
    %dma_start3A_81 = arith.constant 0 : i32
    %dma_start3A_82 = tpu.memref_slice %arg5[%add3A_78, %dma_start3A_81] : memref<98304x128xf32, #tpu.memory_space<hbm>> -> memref<128x128xf32, #tpu.memory_space<hbm>>
    tpu.enqueue_dma source(%arg11 : memref<128x128xf32, #tpu.memory_space<vmem>>) target(%dma_start3A_82 : memref<128x128xf32, #tpu.memory_space<hbm>>) target_semaphore(%arg17 : memref<!tpu.dma_semaphore, #tpu.memory_space<semaphore_mem>>)
    %dma_wait3A_83 = arith.constant 0 : i32
    %dma_wait3A_84 = tpu.memref_slice %arg2[%add3A_33, %dma_wait3A_83] : memref<65536x128xf32, #tpu.memory_space<hbm>> -> memref<128x128xf32, #tpu.memory_space<hbm>>
    %dma_wait3A_85 = arith.constant 0 : i32
    %dma_wait3A_86 = tpu.memref_slice %arg2[%add3A_33, %dma_wait3A_85] : memref<65536x128xf32, #tpu.memory_space<hbm>> -> memref<128x128xf32, #tpu.memory_space<hbm>>
    tpu.wait_dma2 semaphore(%arg18 : memref<!tpu.dma_semaphore, #tpu.memory_space<semaphore_mem>>) src(%dma_wait3A_86 : memref<128x128xf32, #tpu.memory_space<hbm>>) dst(%arg12 : memref<128x128xf32, #tpu.memory_space<vmem>>)
    %add3A_87 = arith.constant 512 : i32
    %add3A_88 = arith.addi %mul3A_4, %add3A_87 : i32
    %dma_start3A_89 = arith.constant 0 : i32
    %dma_start3A_90 = tpu.memref_slice %arg5[%add3A_88, %dma_start3A_89] : memref<98304x128xf32, #tpu.memory_space<hbm>> -> memref<128x128xf32, #tpu.memory_space<hbm>>
    %dma_start3A_91 = arith.constant 0 : i32
    %dma_start3A_92 = tpu.memref_slice %arg5[%add3A_88, %dma_start3A_91] : memref<98304x128xf32, #tpu.memory_space<hbm>> -> memref<128x128xf32, #tpu.memory_space<hbm>>
    tpu.enqueue_dma source(%arg12 : memref<128x128xf32, #tpu.memory_space<vmem>>) target(%dma_start3A_92 : memref<128x128xf32, #tpu.memory_space<hbm>>) target_semaphore(%arg18 : memref<!tpu.dma_semaphore, #tpu.memory_space<semaphore_mem>>)
    %dma_wait3A_93 = arith.constant 0 : i32
    %dma_wait3A_94 = tpu.memref_slice %arg5[%add3A_48, %dma_wait3A_93] : memref<98304x128xf32, #tpu.memory_space<hbm>> -> memref<128x128xf32, #tpu.memory_space<hbm>>
    %dma_wait3A_95 = arith.constant 0 : i32
    %dma_wait3A_96 = tpu.memref_slice %arg5[%add3A_48, %dma_wait3A_95] : memref<98304x128xf32, #tpu.memory_space<hbm>> -> memref<128x128xf32, #tpu.memory_space<hbm>>
    tpu.wait_dma2 semaphore(%arg14 : memref<!tpu.dma_semaphore, #tpu.memory_space<semaphore_mem>>) src(%arg8 : memref<128x128xf32, #tpu.memory_space<vmem>>) dst(%dma_wait3A_96 : memref<128x128xf32, #tpu.memory_space<hbm>>)
    %add3A_97 = arith.constant 768 : i32
    %add3A_98 = arith.addi %mul3A_4, %add3A_97 : i32
    %dma_start3A_99 = arith.constant 0 : i32
    %dma_start3A_100 = tpu.memref_slice %arg2[%add3A_98, %dma_start3A_99] : memref<65536x128xf32, #tpu.memory_space<hbm>> -> memref<128x128xf32, #tpu.memory_space<hbm>>
    %dma_start3A_101 = arith.constant 0 : i32
    %dma_start3A_102 = tpu.memref_slice %arg2[%add3A_98, %dma_start3A_101] : memref<65536x128xf32, #tpu.memory_space<hbm>> -> memref<128x128xf32, #tpu.memory_space<hbm>>
    tpu.enqueue_dma source(%dma_start3A_102 : memref<128x128xf32, #tpu.memory_space<hbm>>) target(%arg8 : memref<128x128xf32, #tpu.memory_space<vmem>>) target_semaphore(%arg14 : memref<!tpu.dma_semaphore, #tpu.memory_space<semaphore_mem>>)
    %dma_wait3A_103 = arith.constant 0 : i32
    %dma_wait3A_104 = tpu.memref_slice %arg2[%add3A_39, %dma_wait3A_103] : memref<65536x128xf32, #tpu.memory_space<hbm>> -> memref<128x128xf32, #tpu.memory_space<hbm>>
    %dma_wait3A_105 = arith.constant 0 : i32
    %dma_wait3A_106 = tpu.memref_slice %arg2[%add3A_39, %dma_wait3A_105] : memref<65536x128xf32, #tpu.memory_space<hbm>> -> memref<128x128xf32, #tpu.memory_space<hbm>>
    tpu.wait_dma2 semaphore(%arg19 : memref<!tpu.dma_semaphore, #tpu.memory_space<semaphore_mem>>) src(%dma_wait3A_106 : memref<128x128xf32, #tpu.memory_space<hbm>>) dst(%arg13 : memref<128x128xf32, #tpu.memory_space<vmem>>)
    %add3A_107 = arith.constant 640 : i32
    %add3A_108 = arith.addi %mul3A_4, %add3A_107 : i32
    %dma_start3A_109 = arith.constant 0 : i32
    %dma_start3A_110 = tpu.memref_slice %arg5[%add3A_108, %dma_start3A_109] : memref<98304x128xf32, #tpu.memory_space<hbm>> -> memref<128x128xf32, #tpu.memory_space<hbm>>
    %dma_start3A_111 = arith.constant 0 : i32
    %dma_start3A_112 = tpu.memref_slice %arg5[%add3A_108, %dma_start3A_111] : memref<98304x128xf32, #tpu.memory_space<hbm>> -> memref<128x128xf32, #tpu.memory_space<hbm>>
    tpu.enqueue_dma source(%arg13 : memref<128x128xf32, #tpu.memory_space<vmem>>) target(%dma_start3A_112 : memref<128x128xf32, #tpu.memory_space<hbm>>) target_semaphore(%arg19 : memref<!tpu.dma_semaphore, #tpu.memory_space<semaphore_mem>>)
    %dma_wait3A_113 = arith.constant 0 : i32
    %dma_wait3A_114 = tpu.memref_slice %arg5[%add3A_58, %dma_wait3A_113] : memref<98304x128xf32, #tpu.memory_space<hbm>> -> memref<128x128xf32, #tpu.memory_space<hbm>>
    %dma_wait3A_115 = arith.constant 0 : i32
    %dma_wait3A_116 = tpu.memref_slice %arg5[%add3A_58, %dma_wait3A_115] : memref<98304x128xf32, #tpu.memory_space<hbm>> -> memref<128x128xf32, #tpu.memory_space<hbm>>
    tpu.wait_dma2 semaphore(%arg15 : memref<!tpu.dma_semaphore, #tpu.memory_space<semaphore_mem>>) src(%arg9 : memref<128x128xf32, #tpu.memory_space<vmem>>) dst(%dma_wait3A_116 : memref<128x128xf32, #tpu.memory_space<hbm>>)
    %add3A_117 = arith.constant 896 : i32
    %add3A_118 = arith.addi %mul3A_4, %add3A_117 : i32
    %dma_start3A_119 = arith.constant 0 : i32
    %dma_start3A_120 = tpu.memref_slice %arg2[%add3A_118, %dma_start3A_119] : memref<65536x128xf32, #tpu.memory_space<hbm>> -> memref<128x128xf32, #tpu.memory_space<hbm>>
    %dma_start3A_121 = arith.constant 0 : i32
    %dma_start3A_122 = tpu.memref_slice %arg2[%add3A_118, %dma_start3A_121] : memref<65536x128xf32, #tpu.memory_space<hbm>> -> memref<128x128xf32, #tpu.memory_space<hbm>>
    tpu.enqueue_dma source(%dma_start3A_122 : memref<128x128xf32, #tpu.memory_space<hbm>>) target(%arg9 : memref<128x128xf32, #tpu.memory_space<vmem>>) target_semaphore(%arg15 : memref<!tpu.dma_semaphore, #tpu.memory_space<semaphore_mem>>)
    %dma_wait3A_123 = arith.constant 0 : i32
    %dma_wait3A_124 = tpu.memref_slice %arg2[%add3A_98, %dma_wait3A_123] : memref<65536x128xf32, #tpu.memory_space<hbm>> -> memref<128x128xf32, #tpu.memory_space<hbm>>
    %dma_wait3A_125 = arith.constant 0 : i32
    %dma_wait3A_126 = tpu.memref_slice %arg2[%add3A_98, %dma_wait3A_125] : memref<65536x128xf32, #tpu.memory_space<hbm>> -> memref<128x128xf32, #tpu.memory_space<hbm>>
    tpu.wait_dma2 semaphore(%arg14 : memref<!tpu.dma_semaphore, #tpu.memory_space<semaphore_mem>>) src(%dma_wait3A_126 : memref<128x128xf32, #tpu.memory_space<hbm>>) dst(%arg8 : memref<128x128xf32, #tpu.memory_space<vmem>>)
    %add3A_127 = arith.constant 768 : i32
    %add3A_128 = arith.addi %mul3A_4, %add3A_127 : i32
    %dma_start3A_129 = arith.constant 0 : i32
    %dma_start3A_130 = tpu.memref_slice %arg5[%add3A_128, %dma_start3A_129] : memref<98304x128xf32, #tpu.memory_space<hbm>> -> memref<128x128xf32, #tpu.memory_space<hbm>>
    %dma_start3A_131 = arith.constant 0 : i32
    %dma_start3A_132 = tpu.memref_slice %arg5[%add3A_128, %dma_start3A_131] : memref<98304x128xf32, #tpu.memory_space<hbm>> -> memref<128x128xf32, #tpu.memory_space<hbm>>
    tpu.enqueue_dma source(%arg8 : memref<128x128xf32, #tpu.memory_space<vmem>>) target(%dma_start3A_132 : memref<128x128xf32, #tpu.memory_space<hbm>>) target_semaphore(%arg14 : memref<!tpu.dma_semaphore, #tpu.memory_space<semaphore_mem>>)
    %dma_wait3A_133 = arith.constant 0 : i32
    %dma_wait3A_134 = tpu.memref_slice %arg5[%add3A_68, %dma_wait3A_133] : memref<98304x128xf32, #tpu.memory_space<hbm>> -> memref<128x128xf32, #tpu.memory_space<hbm>>
    %dma_wait3A_135 = arith.constant 0 : i32
    %dma_wait3A_136 = tpu.memref_slice %arg5[%add3A_68, %dma_wait3A_135] : memref<98304x128xf32, #tpu.memory_space<hbm>> -> memref<128x128xf32, #tpu.memory_space<hbm>>
    tpu.wait_dma2 semaphore(%arg16 : memref<!tpu.dma_semaphore, #tpu.memory_space<semaphore_mem>>) src(%arg10 : memref<128x128xf32, #tpu.memory_space<vmem>>) dst(%dma_wait3A_136 : memref<128x128xf32, #tpu.memory_space<hbm>>)
    %add3A_137 = arith.constant 1024 : i32
    %add3A_138 = arith.addi %mul3A_4, %add3A_137 : i32
    %dma_start3A_139 = arith.constant 0 : i32
    %dma_start3A_140 = tpu.memref_slice %arg2[%add3A_138, %dma_start3A_139] : memref<65536x128xf32, #tpu.memory_space<hbm>> -> memref<128x128xf32, #tpu.memory_space<hbm>>
    %dma_start3A_141 = arith.constant 0 : i32
    %dma_start3A_142 = tpu.memref_slice %arg2[%add3A_138, %dma_start3A_141] : memref<65536x128xf32, #tpu.memory_space<hbm>> -> memref<128x128xf32, #tpu.memory_space<hbm>>
    tpu.enqueue_dma source(%dma_start3A_142 : memref<128x128xf32, #tpu.memory_space<hbm>>) target(%arg10 : memref<128x128xf32, #tpu.memory_space<vmem>>) target_semaphore(%arg16 : memref<!tpu.dma_semaphore, #tpu.memory_space<semaphore_mem>>)
    %dma_wait3A_143 = arith.constant 0 : i32
    %dma_wait3A_144 = tpu.memref_slice %arg2[%add3A_118, %dma_wait3A_143] : memref<65536x128xf32, #tpu.memory_space<hbm>> -> memref<128x128xf32, #tpu.memory_space<hbm>>
    %dma_wait3A_145 = arith.constant 0 : i32
    %dma_wait3A_146 = tpu.memref_slice %arg2[%add3A_118, %dma_wait3A_145] : memref<65536x128xf32, #tpu.memory_space<hbm>> -> memref<128x128xf32, #tpu.memory_space<hbm>>
    tpu.wait_dma2 semaphore(%arg15 : memref<!tpu.dma_semaphore, #tpu.memory_space<semaphore_mem>>) src(%dma_wait3A_146 : memref<128x128xf32, #tpu.memory_space<hbm>>) dst(%arg9 : memref<128x128xf32, #tpu.memory_space<vmem>>)
    %add3A_147 = arith.constant 896 : i32
    %add3A_148 = arith.addi %mul3A_4, %add3A_147 : i32
    %dma_start3A_149 = arith.constant 0 : i32
    %dma_start3A_150 = tpu.memref_slice %arg5[%add3A_148, %dma_start3A_149] : memref<98304x128xf32, #tpu.memory_space<hbm>> -> memref<128x128xf32, #tpu.memory_space<hbm>>
    %dma_start3A_151 = arith.constant 0 : i32
    %dma_start3A_152 = tpu.memref_slice %arg5[%add3A_148, %dma_start3A_151] : memref<98304x128xf32, #tpu.memory_space<hbm>> -> memref<128x128xf32, #tpu.memory_space<hbm>>
    tpu.enqueue_dma source(%arg9 : memref<128x128xf32, #tpu.memory_space<vmem>>) target(%dma_start3A_152 : memref<128x128xf32, #tpu.memory_space<hbm>>) target_semaphore(%arg15 : memref<!tpu.dma_semaphore, #tpu.memory_space<semaphore_mem>>)
    %dma_wait3A_153 = arith.constant 0 : i32
    %dma_wait3A_154 = tpu.memref_slice %arg5[%add3A_78, %dma_wait3A_153] : memref<98304x128xf32, #tpu.memory_space<hbm>> -> memref<128x128xf32, #tpu.memory_space<hbm>>
    %dma_wait3A_155 = arith.constant 0 : i32
    %dma_wait3A_156 = tpu.memref_slice %arg5[%add3A_78, %dma_wait3A_155] : memref<98304x128xf32, #tpu.memory_space<hbm>> -> memref<128x128xf32, #tpu.memory_space<hbm>>
    tpu.wait_dma2 semaphore(%arg17 : memref<!tpu.dma_semaphore, #tpu.memory_space<semaphore_mem>>) src(%arg11 : memref<128x128xf32, #tpu.memory_space<vmem>>) dst(%dma_wait3A_156 : memref<128x128xf32, #tpu.memory_space<hbm>>)
    %add3A_157 = arith.constant 1152 : i32
    %add3A_158 = arith.addi %mul3A_4, %add3A_157 : i32
    %dma_start3A_159 = arith.constant 0 : i32
    %dma_start3A_160 = tpu.memref_slice %arg2[%add3A_158, %dma_start3A_159] : memref<65536x128xf32, #tpu.memory_space<hbm>> -> memref<128x128xf32, #tpu.memory_space<hbm>>
    %dma_start3A_161 = arith.constant 0 : i32
    %dma_start3A_162 = tpu.memref_slice %arg2[%add3A_158, %dma_start3A_161] : memref<65536x128xf32, #tpu.memory_space<hbm>> -> memref<128x128xf32, #tpu.memory_space<hbm>>
    tpu.enqueue_dma source(%dma_start3A_162 : memref<128x128xf32, #tpu.memory_space<hbm>>) target(%arg11 : memref<128x128xf32, #tpu.memory_space<vmem>>) target_semaphore(%arg17 : memref<!tpu.dma_semaphore, #tpu.memory_space<semaphore_mem>>)
    %dma_wait3A_163 = arith.constant 0 : i32
    %dma_wait3A_164 = tpu.memref_slice %arg2[%add3A_138, %dma_wait3A_163] : memref<65536x128xf32, #tpu.memory_space<hbm>> -> memref<128x128xf32, #tpu.memory_space<hbm>>
    %dma_wait3A_165 = arith.constant 0 : i32
    %dma_wait3A_166 = tpu.memref_slice %arg2[%add3A_138, %dma_wait3A_165] : memref<65536x128xf32, #tpu.memory_space<hbm>> -> memref<128x128xf32, #tpu.memory_space<hbm>>
    tpu.wait_dma2 semaphore(%arg16 : memref<!tpu.dma_semaphore, #tpu.memory_space<semaphore_mem>>) src(%dma_wait3A_166 : memref<128x128xf32, #tpu.memory_space<hbm>>) dst(%arg10 : memref<128x128xf32, #tpu.memory_space<vmem>>)
    %add3A_167 = arith.constant 1024 : i32
    %add3A_168 = arith.addi %mul3A_4, %add3A_167 : i32
    %dma_start3A_169 = arith.constant 0 : i32
    %dma_start3A_170 = tpu.memref_slice %arg5[%add3A_168, %dma_start3A_169] : memref<98304x128xf32, #tpu.memory_space<hbm>> -> memref<128x128xf32, #tpu.memory_space<hbm>>
    %dma_start3A_171 = arith.constant 0 : i32
    %dma_start3A_172 = tpu.memref_slice %arg5[%add3A_168, %dma_start3A_171] : memref<98304x128xf32, #tpu.memory_space<hbm>> -> memref<128x128xf32, #tpu.memory_space<hbm>>
    tpu.enqueue_dma source(%arg10 : memref<128x128xf32, #tpu.memory_space<vmem>>) target(%dma_start3A_172 : memref<128x128xf32, #tpu.memory_space<hbm>>) target_semaphore(%arg16 : memref<!tpu.dma_semaphore, #tpu.memory_space<semaphore_mem>>)
    %dma_wait3A_173 = arith.constant 0 : i32
    %dma_wait3A_174 = tpu.memref_slice %arg5[%add3A_88, %dma_wait3A_173] : memref<98304x128xf32, #tpu.memory_space<hbm>> -> memref<128x128xf32, #tpu.memory_space<hbm>>
    %dma_wait3A_175 = arith.constant 0 : i32
    %dma_wait3A_176 = tpu.memref_slice %arg5[%add3A_88, %dma_wait3A_175] : memref<98304x128xf32, #tpu.memory_space<hbm>> -> memref<128x128xf32, #tpu.memory_space<hbm>>
    tpu.wait_dma2 semaphore(%arg18 : memref<!tpu.dma_semaphore, #tpu.memory_space<semaphore_mem>>) src(%arg12 : memref<128x128xf32, #tpu.memory_space<vmem>>) dst(%dma_wait3A_176 : memref<128x128xf32, #tpu.memory_space<hbm>>)
    %add3A_177 = arith.constant 1280 : i32
    %add3A_178 = arith.addi %mul3A_4, %add3A_177 : i32
    %dma_start3A_179 = arith.constant 0 : i32
    %dma_start3A_180 = tpu.memref_slice %arg2[%add3A_178, %dma_start3A_179] : memref<65536x128xf32, #tpu.memory_space<hbm>> -> memref<128x128xf32, #tpu.memory_space<hbm>>
    %dma_start3A_181 = arith.constant 0 : i32
    %dma_start3A_182 = tpu.memref_slice %arg2[%add3A_178, %dma_start3A_181] : memref<65536x128xf32, #tpu.memory_space<hbm>> -> memref<128x128xf32, #tpu.memory_space<hbm>>
    tpu.enqueue_dma source(%dma_start3A_182 : memref<128x128xf32, #tpu.memory_space<hbm>>) target(%arg12 : memref<128x128xf32, #tpu.memory_space<vmem>>) target_semaphore(%arg18 : memref<!tpu.dma_semaphore, #tpu.memory_space<semaphore_mem>>)
    %dma_wait3A_183 = arith.constant 0 : i32
    %dma_wait3A_184 = tpu.memref_slice %arg2[%add3A_158, %dma_wait3A_183] : memref<65536x128xf32, #tpu.memory_space<hbm>> -> memref<128x128xf32, #tpu.memory_space<hbm>>
    %dma_wait3A_185 = arith.constant 0 : i32
    %dma_wait3A_186 = tpu.memref_slice %arg2[%add3A_158, %dma_wait3A_185] : memref<65536x128xf32, #tpu.memory_space<hbm>> -> memref<128x128xf32, #tpu.memory_space<hbm>>
    tpu.wait_dma2 semaphore(%arg17 : memref<!tpu.dma_semaphore, #tpu.memory_space<semaphore_mem>>) src(%dma_wait3A_186 : memref<128x128xf32, #tpu.memory_space<hbm>>) dst(%arg11 : memref<128x128xf32, #tpu.memory_space<vmem>>)
    %add3A_187 = arith.constant 1152 : i32
    %add3A_188 = arith.addi %mul3A_4, %add3A_187 : i32
    %dma_start3A_189 = arith.constant 0 : i32
    %dma_start3A_190 = tpu.memref_slice %arg5[%add3A_188, %dma_start3A_189] : memref<98304x128xf32, #tpu.memory_space<hbm>> -> memref<128x128xf32, #tpu.memory_space<hbm>>
    %dma_start3A_191 = arith.constant 0 : i32
    %dma_start3A_192 = tpu.memref_slice %arg5[%add3A_188, %dma_start3A_191] : memref<98304x128xf32, #tpu.memory_space<hbm>> -> memref<128x128xf32, #tpu.memory_space<hbm>>
    tpu.enqueue_dma source(%arg11 : memref<128x128xf32, #tpu.memory_space<vmem>>) target(%dma_start3A_192 : memref<128x128xf32, #tpu.memory_space<hbm>>) target_semaphore(%arg17 : memref<!tpu.dma_semaphore, #tpu.memory_space<semaphore_mem>>)
    %dma_wait3A_193 = arith.constant 0 : i32
    %dma_wait3A_194 = tpu.memref_slice %arg5[%add3A_108, %dma_wait3A_193] : memref<98304x128xf32, #tpu.memory_space<hbm>> -> memref<128x128xf32, #tpu.memory_space<hbm>>
    %dma_wait3A_195 = arith.constant 0 : i32
    %dma_wait3A_196 = tpu.memref_slice %arg5[%add3A_108, %dma_wait3A_195] : memref<98304x128xf32, #tpu.memory_space<hbm>> -> memref<128x128xf32, #tpu.memory_space<hbm>>
    tpu.wait_dma2 semaphore(%arg19 : memref<!tpu.dma_semaphore, #tpu.memory_space<semaphore_mem>>) src(%arg13 : memref<128x128xf32, #tpu.memory_space<vmem>>) dst(%dma_wait3A_196 : memref<128x128xf32, #tpu.memory_space<hbm>>)
    %add3A_197 = arith.constant 1408 : i32
    %add3A_198 = arith.addi %mul3A_4, %add3A_197 : i32
    %dma_start3A_199 = arith.constant 0 : i32
    %dma_start3A_200 = tpu.memref_slice %arg2[%add3A_198, %dma_start3A_199] : memref<65536x128xf32, #tpu.memory_space<hbm>> -> memref<128x128xf32, #tpu.memory_space<hbm>>
    %dma_start3A_201 = arith.constant 0 : i32
    %dma_start3A_202 = tpu.memref_slice %arg2[%add3A_198, %dma_start3A_201] : memref<65536x128xf32, #tpu.memory_space<hbm>> -> memref<128x128xf32, #tpu.memory_space<hbm>>
    tpu.enqueue_dma source(%dma_start3A_202 : memref<128x128xf32, #tpu.memory_space<hbm>>) target(%arg13 : memref<128x128xf32, #tpu.memory_space<vmem>>) target_semaphore(%arg19 : memref<!tpu.dma_semaphore, #tpu.memory_space<semaphore_mem>>)
    %dma_wait3A_203 = arith.constant 0 : i32
    %dma_wait3A_204 = tpu.memref_slice %arg2[%add3A_178, %dma_wait3A_203] : memref<65536x128xf32, #tpu.memory_space<hbm>> -> memref<128x128xf32, #tpu.memory_space<hbm>>
    %dma_wait3A_205 = arith.constant 0 : i32
    %dma_wait3A_206 = tpu.memref_slice %arg2[%add3A_178, %dma_wait3A_205] : memref<65536x128xf32, #tpu.memory_space<hbm>> -> memref<128x128xf32, #tpu.memory_space<hbm>>
    tpu.wait_dma2 semaphore(%arg18 : memref<!tpu.dma_semaphore, #tpu.memory_space<semaphore_mem>>) src(%dma_wait3A_206 : memref<128x128xf32, #tpu.memory_space<hbm>>) dst(%arg12 : memref<128x128xf32, #tpu.memory_space<vmem>>)
    %add3A_207 = arith.constant 1280 : i32
    %add3A_208 = arith.addi %mul3A_4, %add3A_207 : i32
    %dma_start3A_209 = arith.constant 0 : i32
    %dma_start3A_210 = tpu.memref_slice %arg5[%add3A_208, %dma_start3A_209] : memref<98304x128xf32, #tpu.memory_space<hbm>> -> memref<128x128xf32, #tpu.memory_space<hbm>>
    %dma_start3A_211 = arith.constant 0 : i32
    %dma_start3A_212 = tpu.memref_slice %arg5[%add3A_208, %dma_start3A_211] : memref<98304x128xf32, #tpu.memory_space<hbm>> -> memref<128x128xf32, #tpu.memory_space<hbm>>
    tpu.enqueue_dma source(%arg12 : memref<128x128xf32, #tpu.memory_space<vmem>>) target(%dma_start3A_212 : memref<128x128xf32, #tpu.memory_space<hbm>>) target_semaphore(%arg18 : memref<!tpu.dma_semaphore, #tpu.memory_space<semaphore_mem>>)
    %dma_wait3A_213 = arith.constant 0 : i32
    %dma_wait3A_214 = tpu.memref_slice %arg5[%add3A_128, %dma_wait3A_213] : memref<98304x128xf32, #tpu.memory_space<hbm>> -> memref<128x128xf32, #tpu.memory_space<hbm>>
    %dma_wait3A_215 = arith.constant 0 : i32
    %dma_wait3A_216 = tpu.memref_slice %arg5[%add3A_128, %dma_wait3A_215] : memref<98304x128xf32, #tpu.memory_space<hbm>> -> memref<128x128xf32, #tpu.memory_space<hbm>>
    tpu.wait_dma2 semaphore(%arg14 : memref<!tpu.dma_semaphore, #tpu.memory_space<semaphore_mem>>) src(%arg8 : memref<128x128xf32, #tpu.memory_space<vmem>>) dst(%dma_wait3A_216 : memref<128x128xf32, #tpu.memory_space<hbm>>)
    %add3A_217 = arith.constant 1536 : i32
    %add3A_218 = arith.addi %mul3A_4, %add3A_217 : i32
    %dma_start3A_219 = arith.constant 0 : i32
    %dma_start3A_220 = tpu.memref_slice %arg2[%add3A_218, %dma_start3A_219] : memref<65536x128xf32, #tpu.memory_space<hbm>> -> memref<128x128xf32, #tpu.memory_space<hbm>>
    %dma_start3A_221 = arith.constant 0 : i32
    %dma_start3A_222 = tpu.memref_slice %arg2[%add3A_218, %dma_start3A_221] : memref<65536x128xf32, #tpu.memory_space<hbm>> -> memref<128x128xf32, #tpu.memory_space<hbm>>
    tpu.enqueue_dma source(%dma_start3A_222 : memref<128x128xf32, #tpu.memory_space<hbm>>) target(%arg8 : memref<128x128xf32, #tpu.memory_space<vmem>>) target_semaphore(%arg14 : memref<!tpu.dma_semaphore, #tpu.memory_space<semaphore_mem>>)
    %dma_wait3A_223 = arith.constant 0 : i32
    %dma_wait3A_224 = tpu.memref_slice %arg2[%add3A_198, %dma_wait3A_223] : memref<65536x128xf32, #tpu.memory_space<hbm>> -> memref<128x128xf32, #tpu.memory_space<hbm>>
    %dma_wait3A_225 = arith.constant 0 : i32
    %dma_wait3A_226 = tpu.memref_slice %arg2[%add3A_198, %dma_wait3A_225] : memref<65536x128xf32, #tpu.memory_space<hbm>> -> memref<128x128xf32, #tpu.memory_space<hbm>>
    tpu.wait_dma2 semaphore(%arg19 : memref<!tpu.dma_semaphore, #tpu.memory_space<semaphore_mem>>) src(%dma_wait3A_226 : memref<128x128xf32, #tpu.memory_space<hbm>>) dst(%arg13 : memref<128x128xf32, #tpu.memory_space<vmem>>)
    %add3A_227 = arith.constant 1408 : i32
    %add3A_228 = arith.addi %mul3A_4, %add3A_227 : i32
    %dma_start3A_229 = arith.constant 0 : i32
    %dma_start3A_230 = tpu.memref_slice %arg5[%add3A_228, %dma_start3A_229] : memref<98304x128xf32, #tpu.memory_space<hbm>> -> memref<128x128xf32, #tpu.memory_space<hbm>>
    %dma_start3A_231 = arith.constant 0 : i32
    %dma_start3A_232 = tpu.memref_slice %arg5[%add3A_228, %dma_start3A_231] : memref<98304x128xf32, #tpu.memory_space<hbm>> -> memref<128x128xf32, #tpu.memory_space<hbm>>
    tpu.enqueue_dma source(%arg13 : memref<128x128xf32, #tpu.memory_space<vmem>>) target(%dma_start3A_232 : memref<128x128xf32, #tpu.memory_space<hbm>>) target_semaphore(%arg19 : memref<!tpu.dma_semaphore, #tpu.memory_space<semaphore_mem>>)
    %dma_wait3A_233 = arith.constant 0 : i32
    %dma_wait3A_234 = tpu.memref_slice %arg5[%add3A_148, %dma_wait3A_233] : memref<98304x128xf32, #tpu.memory_space<hbm>> -> memref<128x128xf32, #tpu.memory_space<hbm>>
    %dma_wait3A_235 = arith.constant 0 : i32
    %dma_wait3A_236 = tpu.memref_slice %arg5[%add3A_148, %dma_wait3A_235] : memref<98304x128xf32, #tpu.memory_space<hbm>> -> memref<128x128xf32, #tpu.memory_space<hbm>>
    tpu.wait_dma2 semaphore(%arg15 : memref<!tpu.dma_semaphore, #tpu.memory_space<semaphore_mem>>) src(%arg9 : memref<128x128xf32, #tpu.memory_space<vmem>>) dst(%dma_wait3A_236 : memref<128x128xf32, #tpu.memory_space<hbm>>)
    %add3A_237 = arith.constant 1664 : i32
    %add3A_238 = arith.addi %mul3A_4, %add3A_237 : i32
    %dma_start3A_239 = arith.constant 0 : i32
    %dma_start3A_240 = tpu.memref_slice %arg2[%add3A_238, %dma_start3A_239] : memref<65536x128xf32, #tpu.memory_space<hbm>> -> memref<128x128xf32, #tpu.memory_space<hbm>>
    %dma_start3A_241 = arith.constant 0 : i32
    %dma_start3A_242 = tpu.memref_slice %arg2[%add3A_238, %dma_start3A_241] : memref<65536x128xf32, #tpu.memory_space<hbm>> -> memref<128x128xf32, #tpu.memory_space<hbm>>
    tpu.enqueue_dma source(%dma_start3A_242 : memref<128x128xf32, #tpu.memory_space<hbm>>) target(%arg9 : memref<128x128xf32, #tpu.memory_space<vmem>>) target_semaphore(%arg15 : memref<!tpu.dma_semaphore, #tpu.memory_space<semaphore_mem>>)
    %dma_wait3A_243 = arith.constant 0 : i32
    %dma_wait3A_244 = tpu.memref_slice %arg2[%add3A_218, %dma_wait3A_243] : memref<65536x128xf32, #tpu.memory_space<hbm>> -> memref<128x128xf32, #tpu.memory_space<hbm>>
    %dma_wait3A_245 = arith.constant 0 : i32
    %dma_wait3A_246 = tpu.memref_slice %arg2[%add3A_218, %dma_wait3A_245] : memref<65536x128xf32, #tpu.memory_space<hbm>> -> memref<128x128xf32, #tpu.memory_space<hbm>>
    tpu.wait_dma2 semaphore(%arg14 : memref<!tpu.dma_semaphore, #tpu.memory_space<semaphore_mem>>) src(%dma_wait3A_246 : memref<128x128xf32, #tpu.memory_space<hbm>>) dst(%arg8 : memref<128x128xf32, #tpu.memory_space<vmem>>)
    %add3A_247 = arith.constant 1536 : i32
    %add3A_248 = arith.addi %mul3A_4, %add3A_247 : i32
    %dma_start3A_249 = arith.constant 0 : i32
    %dma_start3A_250 = tpu.memref_slice %arg5[%add3A_248, %dma_start3A_249] : memref<98304x128xf32, #tpu.memory_space<hbm>> -> memref<128x128xf32, #tpu.memory_space<hbm>>
    %dma_start3A_251 = arith.constant 0 : i32
    %dma_start3A_252 = tpu.memref_slice %arg5[%add3A_248, %dma_start3A_251] : memref<98304x128xf32, #tpu.memory_space<hbm>> -> memref<128x128xf32, #tpu.memory_space<hbm>>
    tpu.enqueue_dma source(%arg8 : memref<128x128xf32, #tpu.memory_space<vmem>>) target(%dma_start3A_252 : memref<128x128xf32, #tpu.memory_space<hbm>>) target_semaphore(%arg14 : memref<!tpu.dma_semaphore, #tpu.memory_space<semaphore_mem>>)
    %dma_wait3A_253 = arith.constant 0 : i32
    %dma_wait3A_254 = tpu.memref_slice %arg5[%add3A_168, %dma_wait3A_253] : memref<98304x128xf32, #tpu.memory_space<hbm>> -> memref<128x128xf32, #tpu.memory_space<hbm>>
    %dma_wait3A_255 = arith.constant 0 : i32
    %dma_wait3A_256 = tpu.memref_slice %arg5[%add3A_168, %dma_wait3A_255] : memref<98304x128xf32, #tpu.memory_space<hbm>> -> memref<128x128xf32, #tpu.memory_space<hbm>>
    tpu.wait_dma2 semaphore(%arg16 : memref<!tpu.dma_semaphore, #tpu.memory_space<semaphore_mem>>) src(%arg10 : memref<128x128xf32, #tpu.memory_space<vmem>>) dst(%dma_wait3A_256 : memref<128x128xf32, #tpu.memory_space<hbm>>)
    %add3A_257 = arith.constant 1792 : i32
    %add3A_258 = arith.addi %mul3A_4, %add3A_257 : i32
    %dma_start3A_259 = arith.constant 0 : i32
    %dma_start3A_260 = tpu.memref_slice %arg2[%add3A_258, %dma_start3A_259] : memref<65536x128xf32, #tpu.memory_space<hbm>> -> memref<128x128xf32, #tpu.memory_space<hbm>>
    %dma_start3A_261 = arith.constant 0 : i32
    %dma_start3A_262 = tpu.memref_slice %arg2[%add3A_258, %dma_start3A_261] : memref<65536x128xf32, #tpu.memory_space<hbm>> -> memref<128x128xf32, #tpu.memory_space<hbm>>
    tpu.enqueue_dma source(%dma_start3A_262 : memref<128x128xf32, #tpu.memory_space<hbm>>) target(%arg10 : memref<128x128xf32, #tpu.memory_space<vmem>>) target_semaphore(%arg16 : memref<!tpu.dma_semaphore, #tpu.memory_space<semaphore_mem>>)
    %dma_wait3A_263 = arith.constant 0 : i32
    %dma_wait3A_264 = tpu.memref_slice %arg2[%add3A_238, %dma_wait3A_263] : memref<65536x128xf32, #tpu.memory_space<hbm>> -> memref<128x128xf32, #tpu.memory_space<hbm>>
    %dma_wait3A_265 = arith.constant 0 : i32
    %dma_wait3A_266 = tpu.memref_slice %arg2[%add3A_238, %dma_wait3A_265] : memref<65536x128xf32, #tpu.memory_space<hbm>> -> memref<128x128xf32, #tpu.memory_space<hbm>>
    tpu.wait_dma2 semaphore(%arg15 : memref<!tpu.dma_semaphore, #tpu.memory_space<semaphore_mem>>) src(%dma_wait3A_266 : memref<128x128xf32, #tpu.memory_space<hbm>>) dst(%arg9 : memref<128x128xf32, #tpu.memory_space<vmem>>)
    %add3A_267 = arith.constant 1664 : i32
    %add3A_268 = arith.addi %mul3A_4, %add3A_267 : i32
    %dma_start3A_269 = arith.constant 0 : i32
    %dma_start3A_270 = tpu.memref_slice %arg5[%add3A_268, %dma_start3A_269] : memref<98304x128xf32, #tpu.memory_space<hbm>> -> memref<128x128xf32, #tpu.memory_space<hbm>>
    %dma_start3A_271 = arith.constant 0 : i32
    %dma_start3A_272 = tpu.memref_slice %arg5[%add3A_268, %dma_start3A_271] : memref<98304x128xf32, #tpu.memory_space<hbm>> -> memref<128x128xf32, #tpu.memory_space<hbm>>
    tpu.enqueue_dma source(%arg9 : memref<128x128xf32, #tpu.memory_space<vmem>>) target(%dma_start3A_272 : memref<128x128xf32, #tpu.memory_space<hbm>>) target_semaphore(%arg15 : memref<!tpu.dma_semaphore, #tpu.memory_space<semaphore_mem>>)
    %dma_wait3A_273 = arith.constant 0 : i32
    %dma_wait3A_274 = tpu.memref_slice %arg5[%add3A_188, %dma_wait3A_273] : memref<98304x128xf32, #tpu.memory_space<hbm>> -> memref<128x128xf32, #tpu.memory_space<hbm>>
    %dma_wait3A_275 = arith.constant 0 : i32
    %dma_wait3A_276 = tpu.memref_slice %arg5[%add3A_188, %dma_wait3A_275] : memref<98304x128xf32, #tpu.memory_space<hbm>> -> memref<128x128xf32, #tpu.memory_space<hbm>>
    tpu.wait_dma2 semaphore(%arg17 : memref<!tpu.dma_semaphore, #tpu.memory_space<semaphore_mem>>) src(%arg11 : memref<128x128xf32, #tpu.memory_space<vmem>>) dst(%dma_wait3A_276 : memref<128x128xf32, #tpu.memory_space<hbm>>)
    %add3A_277 = arith.constant 1920 : i32
    %add3A_278 = arith.addi %mul3A_4, %add3A_277 : i32
    %dma_start3A_279 = arith.constant 0 : i32
    %dma_start3A_280 = tpu.memref_slice %arg2[%add3A_278, %dma_start3A_279] : memref<65536x128xf32, #tpu.memory_space<hbm>> -> memref<128x128xf32, #tpu.memory_space<hbm>>
    %dma_start3A_281 = arith.constant 0 : i32
    %dma_start3A_282 = tpu.memref_slice %arg2[%add3A_278, %dma_start3A_281] : memref<65536x128xf32, #tpu.memory_space<hbm>> -> memref<128x128xf32, #tpu.memory_space<hbm>>
    tpu.enqueue_dma source(%dma_start3A_282 : memref<128x128xf32, #tpu.memory_space<hbm>>) target(%arg11 : memref<128x128xf32, #tpu.memory_space<vmem>>) target_semaphore(%arg17 : memref<!tpu.dma_semaphore, #tpu.memory_space<semaphore_mem>>)
    %dma_wait3A_283 = arith.constant 0 : i32
    %dma_wait3A_284 = tpu.memref_slice %arg2[%add3A_258, %dma_wait3A_283] : memref<65536x128xf32, #tpu.memory_space<hbm>> -> memref<128x128xf32, #tpu.memory_space<hbm>>
    %dma_wait3A_285 = arith.constant 0 : i32
    %dma_wait3A_286 = tpu.memref_slice %arg2[%add3A_258, %dma_wait3A_285] : memref<65536x128xf32, #tpu.memory_space<hbm>> -> memref<128x128xf32, #tpu.memory_space<hbm>>
    tpu.wait_dma2 semaphore(%arg16 : memref<!tpu.dma_semaphore, #tpu.memory_space<semaphore_mem>>) src(%dma_wait3A_286 : memref<128x128xf32, #tpu.memory_space<hbm>>) dst(%arg10 : memref<128x128xf32, #tpu.memory_space<vmem>>)
    %add3A_287 = arith.constant 1792 : i32
    %add3A_288 = arith.addi %mul3A_4, %add3A_287 : i32
    %dma_start3A_289 = arith.constant 0 : i32
    %dma_start3A_290 = tpu.memref_slice %arg5[%add3A_288, %dma_start3A_289] : memref<98304x128xf32, #tpu.memory_space<hbm>> -> memref<128x128xf32, #tpu.memory_space<hbm>>
    %dma_start3A_291 = arith.constant 0 : i32
    %dma_start3A_292 = tpu.memref_slice %arg5[%add3A_288, %dma_start3A_291] : memref<98304x128xf32, #tpu.memory_space<hbm>> -> memref<128x128xf32, #tpu.memory_space<hbm>>
    tpu.enqueue_dma source(%arg10 : memref<128x128xf32, #tpu.memory_space<vmem>>) target(%dma_start3A_292 : memref<128x128xf32, #tpu.memory_space<hbm>>) target_semaphore(%arg16 : memref<!tpu.dma_semaphore, #tpu.memory_space<semaphore_mem>>)
    %dma_wait3A_293 = arith.constant 0 : i32
    %dma_wait3A_294 = tpu.memref_slice %arg2[%add3A_278, %dma_wait3A_293] : memref<65536x128xf32, #tpu.memory_space<hbm>> -> memref<128x128xf32, #tpu.memory_space<hbm>>
    %dma_wait3A_295 = arith.constant 0 : i32
    %dma_wait3A_296 = tpu.memref_slice %arg2[%add3A_278, %dma_wait3A_295] : memref<65536x128xf32, #tpu.memory_space<hbm>> -> memref<128x128xf32, #tpu.memory_space<hbm>>
    tpu.wait_dma2 semaphore(%arg17 : memref<!tpu.dma_semaphore, #tpu.memory_space<semaphore_mem>>) src(%dma_wait3A_296 : memref<128x128xf32, #tpu.memory_space<hbm>>) dst(%arg11 : memref<128x128xf32, #tpu.memory_space<vmem>>)
    %add3A_297 = arith.constant 1920 : i32
    %add3A_298 = arith.addi %mul3A_4, %add3A_297 : i32
    %dma_start3A_299 = arith.constant 0 : i32
    %dma_start3A_300 = tpu.memref_slice %arg5[%add3A_298, %dma_start3A_299] : memref<98304x128xf32, #tpu.memory_space<hbm>> -> memref<128x128xf32, #tpu.memory_space<hbm>>
    %dma_start3A_301 = arith.constant 0 : i32
    %dma_start3A_302 = tpu.memref_slice %arg5[%add3A_298, %dma_start3A_301] : memref<98304x128xf32, #tpu.memory_space<hbm>> -> memref<128x128xf32, #tpu.memory_space<hbm>>
    tpu.enqueue_dma source(%arg11 : memref<128x128xf32, #tpu.memory_space<vmem>>) target(%dma_start3A_302 : memref<128x128xf32, #tpu.memory_space<hbm>>) target_semaphore(%arg17 : memref<!tpu.dma_semaphore, #tpu.memory_space<semaphore_mem>>)
    %dma_wait3A_303 = arith.constant 0 : i32
    %dma_wait3A_304 = tpu.memref_slice %arg5[%add3A_248, %dma_wait3A_303] : memref<98304x128xf32, #tpu.memory_space<hbm>> -> memref<128x128xf32, #tpu.memory_space<hbm>>
    %dma_wait3A_305 = arith.constant 0 : i32
    %dma_wait3A_306 = tpu.memref_slice %arg5[%add3A_248, %dma_wait3A_305] : memref<98304x128xf32, #tpu.memory_space<hbm>> -> memref<128x128xf32, #tpu.memory_space<hbm>>
    tpu.wait_dma2 semaphore(%arg14 : memref<!tpu.dma_semaphore, #tpu.memory_space<semaphore_mem>>) src(%arg8 : memref<128x128xf32, #tpu.memory_space<vmem>>) dst(%dma_wait3A_306 : memref<128x128xf32, #tpu.memory_space<hbm>>)
    %dma_wait3A_307 = arith.constant 0 : i32
    %dma_wait3A_308 = tpu.memref_slice %arg5[%add3A_268, %dma_wait3A_307] : memref<98304x128xf32, #tpu.memory_space<hbm>> -> memref<128x128xf32, #tpu.memory_space<hbm>>
    %dma_wait3A_309 = arith.constant 0 : i32
    %dma_wait3A_310 = tpu.memref_slice %arg5[%add3A_268, %dma_wait3A_309] : memref<98304x128xf32, #tpu.memory_space<hbm>> -> memref<128x128xf32, #tpu.memory_space<hbm>>
    tpu.wait_dma2 semaphore(%arg15 : memref<!tpu.dma_semaphore, #tpu.memory_space<semaphore_mem>>) src(%arg9 : memref<128x128xf32, #tpu.memory_space<vmem>>) dst(%dma_wait3A_310 : memref<128x128xf32, #tpu.memory_space<hbm>>)
    %dma_wait3A_311 = arith.constant 0 : i32
    %dma_wait3A_312 = tpu.memref_slice %arg5[%add3A_288, %dma_wait3A_311] : memref<98304x128xf32, #tpu.memory_space<hbm>> -> memref<128x128xf32, #tpu.memory_space<hbm>>
    %dma_wait3A_313 = arith.constant 0 : i32
    %dma_wait3A_314 = tpu.memref_slice %arg5[%add3A_288, %dma_wait3A_313] : memref<98304x128xf32, #tpu.memory_space<hbm>> -> memref<128x128xf32, #tpu.memory_space<hbm>>
    tpu.wait_dma2 semaphore(%arg16 : memref<!tpu.dma_semaphore, #tpu.memory_space<semaphore_mem>>) src(%arg10 : memref<128x128xf32, #tpu.memory_space<vmem>>) dst(%dma_wait3A_314 : memref<128x128xf32, #tpu.memory_space<hbm>>)
    %dma_wait3A_315 = arith.constant 0 : i32
    %dma_wait3A_316 = tpu.memref_slice %arg5[%add3A_298, %dma_wait3A_315] : memref<98304x128xf32, #tpu.memory_space<hbm>> -> memref<128x128xf32, #tpu.memory_space<hbm>>
    %dma_wait3A_317 = arith.constant 0 : i32
    %dma_wait3A_318 = tpu.memref_slice %arg5[%add3A_298, %dma_wait3A_317] : memref<98304x128xf32, #tpu.memory_space<hbm>> -> memref<128x128xf32, #tpu.memory_space<hbm>>
    tpu.wait_dma2 semaphore(%arg17 : memref<!tpu.dma_semaphore, #tpu.memory_space<semaphore_mem>>) src(%arg11 : memref<128x128xf32, #tpu.memory_space<vmem>>) dst(%dma_wait3A_318 : memref<128x128xf32, #tpu.memory_space<hbm>>)
    %dma_wait3A_319 = arith.constant 0 : i32
    %dma_wait3A_320 = tpu.memref_slice %arg5[%add3A_208, %dma_wait3A_319] : memref<98304x128xf32, #tpu.memory_space<hbm>> -> memref<128x128xf32, #tpu.memory_space<hbm>>
    %dma_wait3A_321 = arith.constant 0 : i32
    %dma_wait3A_322 = tpu.memref_slice %arg5[%add3A_208, %dma_wait3A_321] : memref<98304x128xf32, #tpu.memory_space<hbm>> -> memref<128x128xf32, #tpu.memory_space<hbm>>
    tpu.wait_dma2 semaphore(%arg18 : memref<!tpu.dma_semaphore, #tpu.memory_space<semaphore_mem>>) src(%arg12 : memref<128x128xf32, #tpu.memory_space<vmem>>) dst(%dma_wait3A_322 : memref<128x128xf32, #tpu.memory_space<hbm>>)
    %dma_wait3A_323 = arith.constant 0 : i32
    %dma_wait3A_324 = tpu.memref_slice %arg5[%add3A_228, %dma_wait3A_323] : memref<98304x128xf32, #tpu.memory_space<hbm>> -> memref<128x128xf32, #tpu.memory_space<hbm>>
    %dma_wait3A_325 = arith.constant 0 : i32
    %dma_wait3A_326 = tpu.memref_slice %arg5[%add3A_228, %dma_wait3A_325] : memref<98304x128xf32, #tpu.memory_space<hbm>> -> memref<128x128xf32, #tpu.memory_space<hbm>>
    tpu.wait_dma2 semaphore(%arg19 : memref<!tpu.dma_semaphore, #tpu.memory_space<semaphore_mem>>) src(%arg13 : memref<128x128xf32, #tpu.memory_space<vmem>>) dst(%dma_wait3A_326 : memref<128x128xf32, #tpu.memory_space<hbm>>)
    %dma_wait3A_327 = tpu.memref_slice %arg3[%mul3A_2] : memref<32768xi32, #tpu.memory_space<hbm>> -> memref<1024xi32, #tpu.memory_space<hbm>>
    %dma_wait3A_328 = tpu.memref_slice %arg3[%mul3A_2] : memref<32768xi32, #tpu.memory_space<hbm>> -> memref<1024xi32, #tpu.memory_space<hbm>>
    tpu.wait_dma2 semaphore(%arg20 : memref<!tpu.dma_semaphore, #tpu.memory_space<semaphore_mem>>) src(%dma_wait3A_328 : memref<1024xi32, #tpu.memory_space<hbm>>) dst(%arg6 : memref<1024xi32, #tpu.memory_space<vmem>>)
    %dma_wait3A_329 = tpu.memref_slice %arg4[%mul3A_2] : memref<32768xi32, #tpu.memory_space<hbm>> -> memref<1024xi32, #tpu.memory_space<hbm>>
    %dma_wait3A_330 = tpu.memref_slice %arg4[%mul3A_2] : memref<32768xi32, #tpu.memory_space<hbm>> -> memref<1024xi32, #tpu.memory_space<hbm>>
    tpu.wait_dma2 semaphore(%arg20 : memref<!tpu.dma_semaphore, #tpu.memory_space<semaphore_mem>>) src(%dma_wait3A_330 : memref<1024xi32, #tpu.memory_space<hbm>>) dst(%arg7 : memref<1024xi32, #tpu.memory_space<vmem>>)
    %dma_start3A_331 = arith.constant 0 : i32
    %dma_start3A_332 = tpu.memref_slice %arg6[%dma_start3A_331] : memref<1024xi32, #tpu.memory_space<vmem>> -> memref<128xi32, #tpu.memory_space<vmem>>
    %dma_start3A_333 = arith.constant 0 : i32
    %dma_start3A_334 = arith.constant 0 : i32
    %dma_start3A_335 = tpu.memref_slice %arg2[%dma_start3A_333, %dma_start3A_334] : memref<65536x128xf32, #tpu.memory_space<hbm>> -> memref<65536x128xf32, #tpu.memory_space<hbm>>
    tpu.enqueue_indirect_dma source(%dma_start3A_335 : memref<65536x128xf32, #tpu.memory_space<hbm>>) target(%arg8 : memref<128x128xf32, #tpu.memory_space<vmem>>) offsets(%dma_start3A_332 : memref<128xi32, #tpu.memory_space<vmem>>) semaphore(%arg14 : memref<!tpu.dma_semaphore, #tpu.memory_space<semaphore_mem>>)
    %dma_start3A_336 = arith.constant 0 : i32
    %dma_start3A_337 = tpu.memref_slice %arg7[%dma_start3A_336] : memref<1024xi32, #tpu.memory_space<vmem>> -> memref<128xi32, #tpu.memory_space<vmem>>
    %dma_start3A_338 = arith.constant 0 : i32
    %dma_start3A_339 = arith.constant 0 : i32
    %dma_start3A_340 = tpu.memref_slice %arg2[%dma_start3A_338, %dma_start3A_339] : memref<65536x128xf32, #tpu.memory_space<hbm>> -> memref<65536x128xf32, #tpu.memory_space<hbm>>
    tpu.enqueue_indirect_dma source(%dma_start3A_340 : memref<65536x128xf32, #tpu.memory_space<hbm>>) target(%arg11 : memref<128x128xf32, #tpu.memory_space<vmem>>) offsets(%dma_start3A_337 : memref<128xi32, #tpu.memory_space<vmem>>) semaphore(%arg14 : memref<!tpu.dma_semaphore, #tpu.memory_space<semaphore_mem>>)
    %dma_start3A_341 = arith.constant 128 : i32
    %dma_start3A_342 = tpu.memref_slice %arg6[%dma_start3A_341] : memref<1024xi32, #tpu.memory_space<vmem>> -> memref<128xi32, #tpu.memory_space<vmem>>
    %dma_start3A_343 = arith.constant 0 : i32
    %dma_start3A_344 = arith.constant 0 : i32
    %dma_start3A_345 = tpu.memref_slice %arg2[%dma_start3A_343, %dma_start3A_344] : memref<65536x128xf32, #tpu.memory_space<hbm>> -> memref<65536x128xf32, #tpu.memory_space<hbm>>
    tpu.enqueue_indirect_dma source(%dma_start3A_345 : memref<65536x128xf32, #tpu.memory_space<hbm>>) target(%arg9 : memref<128x128xf32, #tpu.memory_space<vmem>>) offsets(%dma_start3A_342 : memref<128xi32, #tpu.memory_space<vmem>>) semaphore(%arg15 : memref<!tpu.dma_semaphore, #tpu.memory_space<semaphore_mem>>)
    %dma_start3A_346 = arith.constant 128 : i32
    %dma_start3A_347 = tpu.memref_slice %arg7[%dma_start3A_346] : memref<1024xi32, #tpu.memory_space<vmem>> -> memref<128xi32, #tpu.memory_space<vmem>>
    %dma_start3A_348 = arith.constant 0 : i32
    %dma_start3A_349 = arith.constant 0 : i32
    %dma_start3A_350 = tpu.memref_slice %arg2[%dma_start3A_348, %dma_start3A_349] : memref<65536x128xf32, #tpu.memory_space<hbm>> -> memref<65536x128xf32, #tpu.memory_space<hbm>>
    tpu.enqueue_indirect_dma source(%dma_start3A_350 : memref<65536x128xf32, #tpu.memory_space<hbm>>) target(%arg12 : memref<128x128xf32, #tpu.memory_space<vmem>>) offsets(%dma_start3A_347 : memref<128xi32, #tpu.memory_space<vmem>>) semaphore(%arg15 : memref<!tpu.dma_semaphore, #tpu.memory_space<semaphore_mem>>)
    %dma_start3A_351 = arith.constant 256 : i32
    %dma_start3A_352 = tpu.memref_slice %arg6[%dma_start3A_351] : memref<1024xi32, #tpu.memory_space<vmem>> -> memref<128xi32, #tpu.memory_space<vmem>>
    %dma_start3A_353 = arith.constant 0 : i32
    %dma_start3A_354 = arith.constant 0 : i32
    %dma_start3A_355 = tpu.memref_slice %arg2[%dma_start3A_353, %dma_start3A_354] : memref<65536x128xf32, #tpu.memory_space<hbm>> -> memref<65536x128xf32, #tpu.memory_space<hbm>>
    tpu.enqueue_indirect_dma source(%dma_start3A_355 : memref<65536x128xf32, #tpu.memory_space<hbm>>) target(%arg10 : memref<128x128xf32, #tpu.memory_space<vmem>>) offsets(%dma_start3A_352 : memref<128xi32, #tpu.memory_space<vmem>>) semaphore(%arg16 : memref<!tpu.dma_semaphore, #tpu.memory_space<semaphore_mem>>)
    %dma_start3A_356 = arith.constant 256 : i32
    %dma_start3A_357 = tpu.memref_slice %arg7[%dma_start3A_356] : memref<1024xi32, #tpu.memory_space<vmem>> -> memref<128xi32, #tpu.memory_space<vmem>>
    %dma_start3A_358 = arith.constant 0 : i32
    %dma_start3A_359 = arith.constant 0 : i32
    %dma_start3A_360 = tpu.memref_slice %arg2[%dma_start3A_358, %dma_start3A_359] : memref<65536x128xf32, #tpu.memory_space<hbm>> -> memref<65536x128xf32, #tpu.memory_space<hbm>>
    tpu.enqueue_indirect_dma source(%dma_start3A_360 : memref<65536x128xf32, #tpu.memory_space<hbm>>) target(%arg13 : memref<128x128xf32, #tpu.memory_space<vmem>>) offsets(%dma_start3A_357 : memref<128xi32, #tpu.memory_space<vmem>>) semaphore(%arg16 : memref<!tpu.dma_semaphore, #tpu.memory_space<semaphore_mem>>)
    %dma_wait3A_361 = arith.constant 0 : i32
    %dma_wait3A_362 = tpu.memref_slice %arg6[%dma_wait3A_361] : memref<1024xi32, #tpu.memory_space<vmem>> -> memref<128xi32, #tpu.memory_space<vmem>>
    %dma_wait3A_363 = arith.constant 0 : i32
    %dma_wait3A_364 = arith.constant 0 : i32
    %dma_wait3A_365 = tpu.memref_slice %arg2[%dma_wait3A_363, %dma_wait3A_364] : memref<65536x128xf32, #tpu.memory_space<hbm>> -> memref<65536x128xf32, #tpu.memory_space<hbm>>
    tpu.wait_indirect_dma semaphore(%arg14 : memref<!tpu.dma_semaphore, #tpu.memory_space<semaphore_mem>>) src(%dma_wait3A_365 : memref<65536x128xf32, #tpu.memory_space<hbm>>) dst(%arg8 : memref<128x128xf32, #tpu.memory_space<vmem>>)
    %dma_wait3A_366 = arith.constant 0 : i32
    %dma_wait3A_367 = tpu.memref_slice %arg7[%dma_wait3A_366] : memref<1024xi32, #tpu.memory_space<vmem>> -> memref<128xi32, #tpu.memory_space<vmem>>
    %dma_wait3A_368 = arith.constant 0 : i32
    %dma_wait3A_369 = arith.constant 0 : i32
    %dma_wait3A_370 = tpu.memref_slice %arg2[%dma_wait3A_368, %dma_wait3A_369] : memref<65536x128xf32, #tpu.memory_space<hbm>> -> memref<65536x128xf32, #tpu.memory_space<hbm>>
    tpu.wait_indirect_dma semaphore(%arg14 : memref<!tpu.dma_semaphore, #tpu.memory_space<semaphore_mem>>) src(%dma_wait3A_370 : memref<65536x128xf32, #tpu.memory_space<hbm>>) dst(%arg11 : memref<128x128xf32, #tpu.memory_space<vmem>>)
    %scan3A = arith.constant 0 : i32
    %scan3A_371 = arith.constant 0 : i32
    %scan3A_372 = arith.constant 128 : i32
    %scan3A_373 = arith.addi %scan3A_371, %scan3A_372 : i32
    %scan3A_374 = arith.constant 1 : i32
    scf.for %scan3A_634 = %scan3A_371 to %scan3A_373 step %scan3A_374  : i32 {
      %get3A = arith.index_cast %scan3A_634 : i32 to index
      %get3A_635 = arith.constant 0 : index
      %get3A_636 = tpu.vector_load %arg8[%get3A, %get3A_635] {strides = array<i32>} : memref<128x128xf32, #tpu.memory_space<vmem>>, vector<1x16xf32>,
      %get3A_637 = vector.shape_cast %get3A_636 : vector<1x16xf32> to vector<16xf32>
      %get3A_638 = arith.index_cast %scan3A_634 : i32 to index
      %get3A_639 = arith.constant 0 : index
      %get3A_640 = tpu.vector_load %arg11[%get3A_638, %get3A_639] {strides = array<i32>} : memref<128x128xf32, #tpu.memory_space<vmem>>, vector<1x16xf32>,
      %get3A_641 = vector.shape_cast %get3A_640 : vector<1x16xf32> to vector<16xf32>
      %add3A_642 = arith.addf %get3A_637, %get3A_641 : vector<16xf32>
      %mul3A_643 = arith.constant 5.000000e-01 : f32
      %mul3A_644 = vector.broadcast %mul3A_643 : f32 to vector<16xf32>
      %mul3A_645 = arith.mulf %add3A_642, %mul3A_644 : vector<16xf32>
      %swap3A = arith.index_cast %scan3A_634 : i32 to index
      %swap3A_646 = arith.constant 0 : index
      %swap3A_647 = tpu.vector_load %arg8[%swap3A, %swap3A_646] {strides = array<i32>} : memref<128x128xf32, #tpu.memory_space<vmem>>, vector<1x16xf32>,
      %swap3A_648 = vector.shape_cast %swap3A_647 : vector<1x16xf32> to vector<16xf32>
      %swap3A_649 = vector.shape_cast %mul3A_645 : vector<16xf32> to vector<1x16xf32>
      tpu.vector_store %arg8[%swap3A, %swap3A_646], %swap3A_649 {strides = array<i32>} : memref<128x128xf32, #tpu.memory_space<vmem>>, vector<1x16xf32>,
      %get3A_650 = arith.index_cast %scan3A_634 : i32 to index
      %get3A_651 = arith.constant 16 : index
      %get3A_652 = tpu.vector_load %arg8[%get3A_650, %get3A_651] {strides = array<i32>} : memref<128x128xf32, #tpu.memory_space<vmem>>, vector<1x16xf32>,
      %get3A_653 = vector.shape_cast %get3A_652 : vector<1x16xf32> to vector<16xf32>
      %get3A_654 = arith.index_cast %scan3A_634 : i32 to index
      %get3A_655 = arith.constant 16 : index
      %get3A_656 = tpu.vector_load %arg11[%get3A_654, %get3A_655] {strides = array<i32>} : memref<128x128xf32, #tpu.memory_space<vmem>>, vector<1x16xf32>,
      %get3A_657 = vector.shape_cast %get3A_656 : vector<1x16xf32> to vector<16xf32>
      %add3A_658 = arith.addf %get3A_653, %get3A_657 : vector<16xf32>
      %mul3A_659 = arith.constant 5.000000e-01 : f32
      %mul3A_660 = vector.broadcast %mul3A_659 : f32 to vector<16xf32>
      %mul3A_661 = arith.mulf %add3A_658, %mul3A_660 : vector<16xf32>
      %swap3A_662 = arith.index_cast %scan3A_634 : i32 to index
      %swap3A_663 = arith.constant 16 : index
      %swap3A_664 = tpu.vector_load %arg8[%swap3A_662, %swap3A_663] {strides = array<i32>} : memref<128x128xf32, #tpu.memory_space<vmem>>, vector<1x16xf32>,
      %swap3A_665 = vector.shape_cast %swap3A_664 : vector<1x16xf32> to vector<16xf32>
      %swap3A_666 = vector.shape_cast %mul3A_661 : vector<16xf32> to vector<1x16xf32>
      tpu.vector_store %arg8[%swap3A_662, %swap3A_663], %swap3A_666 {strides = array<i32>} : memref<128x128xf32, #tpu.memory_space<vmem>>, vector<1x16xf32>,
      %get3A_667 = arith.index_cast %scan3A_634 : i32 to index
      %get3A_668 = arith.constant 32 : index
      %get3A_669 = tpu.vector_load %arg8[%get3A_667, %get3A_668] {strides = array<i32>} : memref<128x128xf32, #tpu.memory_space<vmem>>, vector<1x16xf32>,
      %get3A_670 = vector.shape_cast %get3A_669 : vector<1x16xf32> to vector<16xf32>
      %get3A_671 = arith.index_cast %scan3A_634 : i32 to index
      %get3A_672 = arith.constant 32 : index
      %get3A_673 = tpu.vector_load %arg11[%get3A_671, %get3A_672] {strides = array<i32>} : memref<128x128xf32, #tpu.memory_space<vmem>>, vector<1x16xf32>,
      %get3A_674 = vector.shape_cast %get3A_673 : vector<1x16xf32> to vector<16xf32>
      %add3A_675 = arith.addf %get3A_670, %get3A_674 : vector<16xf32>
      %mul3A_676 = arith.constant 5.000000e-01 : f32
      %mul3A_677 = vector.broadcast %mul3A_676 : f32 to vector<16xf32>
      %mul3A_678 = arith.mulf %add3A_675, %mul3A_677 : vector<16xf32>
      %swap3A_679 = arith.index_cast %scan3A_634 : i32 to index
      %swap3A_680 = arith.constant 32 : index
      %swap3A_681 = tpu.vector_load %arg8[%swap3A_679, %swap3A_680] {strides = array<i32>} : memref<128x128xf32, #tpu.memory_space<vmem>>, vector<1x16xf32>,
      %swap3A_682 = vector.shape_cast %swap3A_681 : vector<1x16xf32> to vector<16xf32>
      %swap3A_683 = vector.shape_cast %mul3A_678 : vector<16xf32> to vector<1x16xf32>
      tpu.vector_store %arg8[%swap3A_679, %swap3A_680], %swap3A_683 {strides = array<i32>} : memref<128x128xf32, #tpu.memory_space<vmem>>, vector<1x16xf32>,
      %get3A_684 = arith.index_cast %scan3A_634 : i32 to index
      %get3A_685 = arith.constant 48 : index
      %get3A_686 = tpu.vector_load %arg8[%get3A_684, %get3A_685] {strides = array<i32>} : memref<128x128xf32, #tpu.memory_space<vmem>>, vector<1x16xf32>,
      %get3A_687 = vector.shape_cast %get3A_686 : vector<1x16xf32> to vector<16xf32>
      %get3A_688 = arith.index_cast %scan3A_634 : i32 to index
      %get3A_689 = arith.constant 48 : index
      %get3A_690 = tpu.vector_load %arg11[%get3A_688, %get3A_689] {strides = array<i32>} : memref<128x128xf32, #tpu.memory_space<vmem>>, vector<1x16xf32>,
      %get3A_691 = vector.shape_cast %get3A_690 : vector<1x16xf32> to vector<16xf32>
      %add3A_692 = arith.addf %get3A_687, %get3A_691 : vector<16xf32>
      %mul3A_693 = arith.constant 5.000000e-01 : f32
      %mul3A_694 = vector.broadcast %mul3A_693 : f32 to vector<16xf32>
      %mul3A_695 = arith.mulf %add3A_692, %mul3A_694 : vector<16xf32>
      %swap3A_696 = arith.index_cast %scan3A_634 : i32 to index
      %swap3A_697 = arith.constant 48 : index
      %swap3A_698 = tpu.vector_load %arg8[%swap3A_696, %swap3A_697] {strides = array<i32>} : memref<128x128xf32, #tpu.memory_space<vmem>>, vector<1x16xf32>,
      %swap3A_699 = vector.shape_cast %swap3A_698 : vector<1x16xf32> to vector<16xf32>
      %swap3A_700 = vector.shape_cast %mul3A_695 : vector<16xf32> to vector<1x16xf32>
      tpu.vector_store %arg8[%swap3A_696, %swap3A_697], %swap3A_700 {strides = array<i32>} : memref<128x128xf32, #tpu.memory_space<vmem>>, vector<1x16xf32>,
      %get3A_701 = arith.index_cast %scan3A_634 : i32 to index
      %get3A_702 = arith.constant 64 : index
      %get3A_703 = tpu.vector_load %arg8[%get3A_701, %get3A_702] {strides = array<i32>} : memref<128x128xf32, #tpu.memory_space<vmem>>, vector<1x16xf32>,
      %get3A_704 = vector.shape_cast %get3A_703 : vector<1x16xf32> to vector<16xf32>
      %get3A_705 = arith.index_cast %scan3A_634 : i32 to index
      %get3A_706 = arith.constant 64 : index
      %get3A_707 = tpu.vector_load %arg11[%get3A_705, %get3A_706] {strides = array<i32>} : memref<128x128xf32, #tpu.memory_space<vmem>>, vector<1x16xf32>,
      %get3A_708 = vector.shape_cast %get3A_707 : vector<1x16xf32> to vector<16xf32>
      %add3A_709 = arith.addf %get3A_704, %get3A_708 : vector<16xf32>
      %mul3A_710 = arith.constant 5.000000e-01 : f32
      %mul3A_711 = vector.broadcast %mul3A_710 : f32 to vector<16xf32>
      %mul3A_712 = arith.mulf %add3A_709, %mul3A_711 : vector<16xf32>
      %swap3A_713 = arith.index_cast %scan3A_634 : i32 to index
      %swap3A_714 = arith.constant 64 : index
      %swap3A_715 = tpu.vector_load %arg8[%swap3A_713, %swap3A_714] {strides = array<i32>} : memref<128x128xf32, #tpu.memory_space<vmem>>, vector<1x16xf32>,
      %swap3A_716 = vector.shape_cast %swap3A_715 : vector<1x16xf32> to vector<16xf32>
      %swap3A_717 = vector.shape_cast %mul3A_712 : vector<16xf32> to vector<1x16xf32>
      tpu.vector_store %arg8[%swap3A_713, %swap3A_714], %swap3A_717 {strides = array<i32>} : memref<128x128xf32, #tpu.memory_space<vmem>>, vector<1x16xf32>,
      %get3A_718 = arith.index_cast %scan3A_634 : i32 to index
      %get3A_719 = arith.constant 80 : index
      %get3A_720 = tpu.vector_load %arg8[%get3A_718, %get3A_719] {strides = array<i32>} : memref<128x128xf32, #tpu.memory_space<vmem>>, vector<1x16xf32>,
      %get3A_721 = vector.shape_cast %get3A_720 : vector<1x16xf32> to vector<16xf32>
      %get3A_722 = arith.index_cast %scan3A_634 : i32 to index
      %get3A_723 = arith.constant 80 : index
      %get3A_724 = tpu.vector_load %arg11[%get3A_722, %get3A_723] {strides = array<i32>} : memref<128x128xf32, #tpu.memory_space<vmem>>, vector<1x16xf32>,
      %get3A_725 = vector.shape_cast %get3A_724 : vector<1x16xf32> to vector<16xf32>
      %add3A_726 = arith.addf %get3A_721, %get3A_725 : vector<16xf32>
      %mul3A_727 = arith.constant 5.000000e-01 : f32
      %mul3A_728 = vector.broadcast %mul3A_727 : f32 to vector<16xf32>
      %mul3A_729 = arith.mulf %add3A_726, %mul3A_728 : vector<16xf32>
      %swap3A_730 = arith.index_cast %scan3A_634 : i32 to index
      %swap3A_731 = arith.constant 80 : index
      %swap3A_732 = tpu.vector_load %arg8[%swap3A_730, %swap3A_731] {strides = array<i32>} : memref<128x128xf32, #tpu.memory_space<vmem>>, vector<1x16xf32>,
      %swap3A_733 = vector.shape_cast %swap3A_732 : vector<1x16xf32> to vector<16xf32>
      %swap3A_734 = vector.shape_cast %mul3A_729 : vector<16xf32> to vector<1x16xf32>
      tpu.vector_store %arg8[%swap3A_730, %swap3A_731], %swap3A_734 {strides = array<i32>} : memref<128x128xf32, #tpu.memory_space<vmem>>, vector<1x16xf32>,
      %get3A_735 = arith.index_cast %scan3A_634 : i32 to index
      %get3A_736 = arith.constant 96 : index
      %get3A_737 = tpu.vector_load %arg8[%get3A_735, %get3A_736] {strides = array<i32>} : memref<128x128xf32, #tpu.memory_space<vmem>>, vector<1x16xf32>,
      %get3A_738 = vector.shape_cast %get3A_737 : vector<1x16xf32> to vector<16xf32>
      %get3A_739 = arith.index_cast %scan3A_634 : i32 to index
      %get3A_740 = arith.constant 96 : index
      %get3A_741 = tpu.vector_load %arg11[%get3A_739, %get3A_740] {strides = array<i32>} : memref<128x128xf32, #tpu.memory_space<vmem>>, vector<1x16xf32>,
      %get3A_742 = vector.shape_cast %get3A_741 : vector<1x16xf32> to vector<16xf32>
      %add3A_743 = arith.addf %get3A_738, %get3A_742 : vector<16xf32>
      %mul3A_744 = arith.constant 5.000000e-01 : f32
      %mul3A_745 = vector.broadcast %mul3A_744 : f32 to vector<16xf32>
      %mul3A_746 = arith.mulf %add3A_743, %mul3A_745 : vector<16xf32>
      %swap3A_747 = arith.index_cast %scan3A_634 : i32 to index
      %swap3A_748 = arith.constant 96 : index
      %swap3A_749 = tpu.vector_load %arg8[%swap3A_747, %swap3A_748] {strides = array<i32>} : memref<128x128xf32, #tpu.memory_space<vmem>>, vector<1x16xf32>,
      %swap3A_750 = vector.shape_cast %swap3A_749 : vector<1x16xf32> to vector<16xf32>
      %swap3A_751 = vector.shape_cast %mul3A_746 : vector<16xf32> to vector<1x16xf32>
      tpu.vector_store %arg8[%swap3A_747, %swap3A_748], %swap3A_751 {strides = array<i32>} : memref<128x128xf32, #tpu.memory_space<vmem>>, vector<1x16xf32>,
      %get3A_752 = arith.index_cast %scan3A_634 : i32 to index
      %get3A_753 = arith.constant 112 : index
      %get3A_754 = tpu.vector_load %arg8[%get3A_752, %get3A_753] {strides = array<i32>} : memref<128x128xf32, #tpu.memory_space<vmem>>, vector<1x16xf32>,
      %get3A_755 = vector.shape_cast %get3A_754 : vector<1x16xf32> to vector<16xf32>
      %get3A_756 = arith.index_cast %scan3A_634 : i32 to index
      %get3A_757 = arith.constant 112 : index
      %get3A_758 = tpu.vector_load %arg11[%get3A_756, %get3A_757] {strides = array<i32>} : memref<128x128xf32, #tpu.memory_space<vmem>>, vector<1x16xf32>,
      %get3A_759 = vector.shape_cast %get3A_758 : vector<1x16xf32> to vector<16xf32>
      %add3A_760 = arith.addf %get3A_755, %get3A_759 : vector<16xf32>
      %mul3A_761 = arith.constant 5.000000e-01 : f32
      %mul3A_762 = vector.broadcast %mul3A_761 : f32 to vector<16xf32>
      %mul3A_763 = arith.mulf %add3A_760, %mul3A_762 : vector<16xf32>
      %swap3A_764 = arith.index_cast %scan3A_634 : i32 to index
      %swap3A_765 = arith.constant 112 : index
      %swap3A_766 = tpu.vector_load %arg8[%swap3A_764, %swap3A_765] {strides = array<i32>} : memref<128x128xf32, #tpu.memory_space<vmem>>, vector<1x16xf32>,
      %swap3A_767 = vector.shape_cast %swap3A_766 : vector<1x16xf32> to vector<16xf32>
      %swap3A_768 = vector.shape_cast %mul3A_763 : vector<16xf32> to vector<1x16xf32>
      tpu.vector_store %arg8[%swap3A_764, %swap3A_765], %swap3A_768 {strides = array<i32>} : memref<128x128xf32, #tpu.memory_space<vmem>>, vector<1x16xf32>,
    }
    %scan3A_375 = arith.constant 128 : i32
    %add3A_376 = arith.constant 65536 : i32
    %add3A_377 = arith.addi %add3A_376, %mul3A_2 : i32
    %add3A_378 = arith.constant 0 : i32
    %add3A_379 = arith.addi %add3A_377, %add3A_378 : i32
    %dma_start3A_380 = arith.constant 0 : i32
    %dma_start3A_381 = tpu.memref_slice %arg5[%add3A_379, %dma_start3A_380] : memref<98304x128xf32, #tpu.memory_space<hbm>> -> memref<128x128xf32, #tpu.memory_space<hbm>>
    %dma_start3A_382 = arith.constant 0 : i32
    %dma_start3A_383 = tpu.memref_slice %arg5[%add3A_379, %dma_start3A_382] : memref<98304x128xf32, #tpu.memory_space<hbm>> -> memref<128x128xf32, #tpu.memory_space<hbm>>
    tpu.enqueue_dma source(%arg8 : memref<128x128xf32, #tpu.memory_space<vmem>>) target(%dma_start3A_383 : memref<128x128xf32, #tpu.memory_space<hbm>>) target_semaphore(%arg17 : memref<!tpu.dma_semaphore, #tpu.memory_space<semaphore_mem>>)
    %dma_wait3A_384 = arith.constant 0 : i32
    %dma_wait3A_385 = tpu.memref_slice %arg5[%add3A_379, %dma_wait3A_384] : memref<98304x128xf32, #tpu.memory_space<hbm>> -> memref<128x128xf32, #tpu.memory_space<hbm>>
    %dma_wait3A_386 = arith.constant 0 : i32
    %dma_wait3A_387 = tpu.memref_slice %arg5[%add3A_379, %dma_wait3A_386] : memref<98304x128xf32, #tpu.memory_space<hbm>> -> memref<128x128xf32, #tpu.memory_space<hbm>>
    tpu.wait_dma2 semaphore(%arg17 : memref<!tpu.dma_semaphore, #tpu.memory_space<semaphore_mem>>) src(%arg8 : memref<128x128xf32, #tpu.memory_space<vmem>>) dst(%dma_wait3A_387 : memref<128x128xf32, #tpu.memory_space<hbm>>)
    %dma_start3A_388 = arith.constant 384 : i32
    %dma_start3A_389 = tpu.memref_slice %arg6[%dma_start3A_388] : memref<1024xi32, #tpu.memory_space<vmem>> -> memref<128xi32, #tpu.memory_space<vmem>>
    %dma_start3A_390 = arith.constant 0 : i32
    %dma_start3A_391 = arith.constant 0 : i32
    %dma_start3A_392 = tpu.memref_slice %arg2[%dma_start3A_390, %dma_start3A_391] : memref<65536x128xf32, #tpu.memory_space<hbm>> -> memref<65536x128xf32, #tpu.memory_space<hbm>>
    tpu.enqueue_indirect_dma source(%dma_start3A_392 : memref<65536x128xf32, #tpu.memory_space<hbm>>) target(%arg8 : memref<128x128xf32, #tpu.memory_space<vmem>>) offsets(%dma_start3A_389 : memref<128xi32, #tpu.memory_space<vmem>>) semaphore(%arg14 : memref<!tpu.dma_semaphore, #tpu.memory_space<semaphore_mem>>)
    %dma_start3A_393 = arith.constant 384 : i32
    %dma_start3A_394 = tpu.memref_slice %arg7[%dma_start3A_393] : memref<1024xi32, #tpu.memory_space<vmem>> -> memref<128xi32, #tpu.memory_space<vmem>>
    %dma_start3A_395 = arith.constant 0 : i32
    %dma_start3A_396 = arith.constant 0 : i32
    %dma_start3A_397 = tpu.memref_slice %arg2[%dma_start3A_395, %dma_start3A_396] : memref<65536x128xf32, #tpu.memory_space<hbm>> -> memref<65536x128xf32, #tpu.memory_space<hbm>>
    tpu.enqueue_indirect_dma source(%dma_start3A_397 : memref<65536x128xf32, #tpu.memory_space<hbm>>) target(%arg11 : memref<128x128xf32, #tpu.memory_space<vmem>>) offsets(%dma_start3A_394 : memref<128xi32, #tpu.memory_space<vmem>>) semaphore(%arg14 : memref<!tpu.dma_semaphore, #tpu.memory_space<semaphore_mem>>)
    %dma_wait3A_398 = arith.constant 128 : i32
    %dma_wait3A_399 = tpu.memref_slice %arg6[%dma_wait3A_398] : memref<1024xi32, #tpu.memory_space<vmem>> -> memref<128xi32, #tpu.memory_space<vmem>>
    %dma_wait3A_400 = arith.constant 0 : i32
    %dma_wait3A_401 = arith.constant 0 : i32
    %dma_wait3A_402 = tpu.memref_slice %arg2[%dma_wait3A_400, %dma_wait3A_401] : memref<65536x128xf32, #tpu.memory_space<hbm>> -> memref<65536x128xf32, #tpu.memory_space<hbm>>
    tpu.wait_indirect_dma semaphore(%arg15 : memref<!tpu.dma_semaphore, #tpu.memory_space<semaphore_mem>>) src(%dma_wait3A_402 : memref<65536x128xf32, #tpu.memory_space<hbm>>) dst(%arg9 : memref<128x128xf32, #tpu.memory_space<vmem>>)
    %dma_wait3A_403 = arith.constant 128 : i32
    %dma_wait3A_404 = tpu.memref_slice %arg7[%dma_wait3A_403] : memref<1024xi32, #tpu.memory_space<vmem>> -> memref<128xi32, #tpu.memory_space<vmem>>
    %dma_wait3A_405 = arith.constant 0 : i32
    %dma_wait3A_406 = arith.constant 0 : i32
    %dma_wait3A_407 = tpu.memref_slice %arg2[%dma_wait3A_405, %dma_wait3A_406] : memref<65536x128xf32, #tpu.memory_space<hbm>> -> memref<65536x128xf32, #tpu.memory_space<hbm>>
    tpu.wait_indirect_dma semaphore(%arg15 : memref<!tpu.dma_semaphore, #tpu.memory_space<semaphore_mem>>) src(%dma_wait3A_407 : memref<65536x128xf32, #tpu.memory_space<hbm>>) dst(%arg12 : memref<128x128xf32, #tpu.memory_space<vmem>>)
    %scan3A_408 = arith.constant 0 : i32
    %scan3A_409 = arith.constant 0 : i32
    %scan3A_410 = arith.constant 128 : i32
    %scan3A_411 = arith.addi %scan3A_409, %scan3A_410 : i32
    %scan3A_412 = arith.constant 1 : i32
    scf.for %scan3A_634 = %scan3A_409 to %scan3A_411 step %scan3A_412  : i32 {
      %get3A = arith.index_cast %scan3A_634 : i32 to index
      %get3A_635 = arith.constant 0 : index
      %get3A_636 = tpu.vector_load %arg9[%get3A, %get3A_635] {strides = array<i32>} : memref<128x128xf32, #tpu.memory_space<vmem>>, vector<1x16xf32>,
      %get3A_637 = vector.shape_cast %get3A_636 : vector<1x16xf32> to vector<16xf32>
      %get3A_638 = arith.index_cast %scan3A_634 : i32 to index
      %get3A_639 = arith.constant 0 : index
      %get3A_640 = tpu.vector_load %arg12[%get3A_638, %get3A_639] {strides = array<i32>} : memref<128x128xf32, #tpu.memory_space<vmem>>, vector<1x16xf32>,
      %get3A_641 = vector.shape_cast %get3A_640 : vector<1x16xf32> to vector<16xf32>
      %add3A_642 = arith.addf %get3A_637, %get3A_641 : vector<16xf32>
      %mul3A_643 = arith.constant 5.000000e-01 : f32
      %mul3A_644 = vector.broadcast %mul3A_643 : f32 to vector<16xf32>
      %mul3A_645 = arith.mulf %add3A_642, %mul3A_644 : vector<16xf32>
      %swap3A = arith.index_cast %scan3A_634 : i32 to index
      %swap3A_646 = arith.constant 0 : index
      %swap3A_647 = tpu.vector_load %arg9[%swap3A, %swap3A_646] {strides = array<i32>} : memref<128x128xf32, #tpu.memory_space<vmem>>, vector<1x16xf32>,
      %swap3A_648 = vector.shape_cast %swap3A_647 : vector<1x16xf32> to vector<16xf32>
      %swap3A_649 = vector.shape_cast %mul3A_645 : vector<16xf32> to vector<1x16xf32>
      tpu.vector_store %arg9[%swap3A, %swap3A_646], %swap3A_649 {strides = array<i32>} : memref<128x128xf32, #tpu.memory_space<vmem>>, vector<1x16xf32>,
      %get3A_650 = arith.index_cast %scan3A_634 : i32 to index
      %get3A_651 = arith.constant 16 : index
      %get3A_652 = tpu.vector_load %arg9[%get3A_650, %get3A_651] {strides = array<i32>} : memref<128x128xf32, #tpu.memory_space<vmem>>, vector<1x16xf32>,
      %get3A_653 = vector.shape_cast %get3A_652 : vector<1x16xf32> to vector<16xf32>
      %get3A_654 = arith.index_cast %scan3A_634 : i32 to index
      %get3A_655 = arith.constant 16 : index
      %get3A_656 = tpu.vector_load %arg12[%get3A_654, %get3A_655] {strides = array<i32>} : memref<128x128xf32, #tpu.memory_space<vmem>>, vector<1x16xf32>,
      %get3A_657 = vector.shape_cast %get3A_656 : vector<1x16xf32> to vector<16xf32>
      %add3A_658 = arith.addf %get3A_653, %get3A_657 : vector<16xf32>
      %mul3A_659 = arith.constant 5.000000e-01 : f32
      %mul3A_660 = vector.broadcast %mul3A_659 : f32 to vector<16xf32>
      %mul3A_661 = arith.mulf %add3A_658, %mul3A_660 : vector<16xf32>
      %swap3A_662 = arith.index_cast %scan3A_634 : i32 to index
      %swap3A_663 = arith.constant 16 : index
      %swap3A_664 = tpu.vector_load %arg9[%swap3A_662, %swap3A_663] {strides = array<i32>} : memref<128x128xf32, #tpu.memory_space<vmem>>, vector<1x16xf32>,
      %swap3A_665 = vector.shape_cast %swap3A_664 : vector<1x16xf32> to vector<16xf32>
      %swap3A_666 = vector.shape_cast %mul3A_661 : vector<16xf32> to vector<1x16xf32>
      tpu.vector_store %arg9[%swap3A_662, %swap3A_663], %swap3A_666 {strides = array<i32>} : memref<128x128xf32, #tpu.memory_space<vmem>>, vector<1x16xf32>,
      %get3A_667 = arith.index_cast %scan3A_634 : i32 to index
      %get3A_668 = arith.constant 32 : index
      %get3A_669 = tpu.vector_load %arg9[%get3A_667, %get3A_668] {strides = array<i32>} : memref<128x128xf32, #tpu.memory_space<vmem>>, vector<1x16xf32>,
      %get3A_670 = vector.shape_cast %get3A_669 : vector<1x16xf32> to vector<16xf32>
      %get3A_671 = arith.index_cast %scan3A_634 : i32 to index
      %get3A_672 = arith.constant 32 : index
      %get3A_673 = tpu.vector_load %arg12[%get3A_671, %get3A_672] {strides = array<i32>} : memref<128x128xf32, #tpu.memory_space<vmem>>, vector<1x16xf32>,
      %get3A_674 = vector.shape_cast %get3A_673 : vector<1x16xf32> to vector<16xf32>
      %add3A_675 = arith.addf %get3A_670, %get3A_674 : vector<16xf32>
      %mul3A_676 = arith.constant 5.000000e-01 : f32
      %mul3A_677 = vector.broadcast %mul3A_676 : f32 to vector<16xf32>
      %mul3A_678 = arith.mulf %add3A_675, %mul3A_677 : vector<16xf32>
      %swap3A_679 = arith.index_cast %scan3A_634 : i32 to index
      %swap3A_680 = arith.constant 32 : index
      %swap3A_681 = tpu.vector_load %arg9[%swap3A_679, %swap3A_680] {strides = array<i32>} : memref<128x128xf32, #tpu.memory_space<vmem>>, vector<1x16xf32>,
      %swap3A_682 = vector.shape_cast %swap3A_681 : vector<1x16xf32> to vector<16xf32>
      %swap3A_683 = vector.shape_cast %mul3A_678 : vector<16xf32> to vector<1x16xf32>
      tpu.vector_store %arg9[%swap3A_679, %swap3A_680], %swap3A_683 {strides = array<i32>} : memref<128x128xf32, #tpu.memory_space<vmem>>, vector<1x16xf32>,
      %get3A_684 = arith.index_cast %scan3A_634 : i32 to index
      %get3A_685 = arith.constant 48 : index
      %get3A_686 = tpu.vector_load %arg9[%get3A_684, %get3A_685] {strides = array<i32>} : memref<128x128xf32, #tpu.memory_space<vmem>>, vector<1x16xf32>,
      %get3A_687 = vector.shape_cast %get3A_686 : vector<1x16xf32> to vector<16xf32>
      %get3A_688 = arith.index_cast %scan3A_634 : i32 to index
      %get3A_689 = arith.constant 48 : index
      %get3A_690 = tpu.vector_load %arg12[%get3A_688, %get3A_689] {strides = array<i32>} : memref<128x128xf32, #tpu.memory_space<vmem>>, vector<1x16xf32>,
      %get3A_691 = vector.shape_cast %get3A_690 : vector<1x16xf32> to vector<16xf32>
      %add3A_692 = arith.addf %get3A_687, %get3A_691 : vector<16xf32>
      %mul3A_693 = arith.constant 5.000000e-01 : f32
      %mul3A_694 = vector.broadcast %mul3A_693 : f32 to vector<16xf32>
      %mul3A_695 = arith.mulf %add3A_692, %mul3A_694 : vector<16xf32>
      %swap3A_696 = arith.index_cast %scan3A_634 : i32 to index
      %swap3A_697 = arith.constant 48 : index
      %swap3A_698 = tpu.vector_load %arg9[%swap3A_696, %swap3A_697] {strides = array<i32>} : memref<128x128xf32, #tpu.memory_space<vmem>>, vector<1x16xf32>,
      %swap3A_699 = vector.shape_cast %swap3A_698 : vector<1x16xf32> to vector<16xf32>
      %swap3A_700 = vector.shape_cast %mul3A_695 : vector<16xf32> to vector<1x16xf32>
      tpu.vector_store %arg9[%swap3A_696, %swap3A_697], %swap3A_700 {strides = array<i32>} : memref<128x128xf32, #tpu.memory_space<vmem>>, vector<1x16xf32>,
      %get3A_701 = arith.index_cast %scan3A_634 : i32 to index
      %get3A_702 = arith.constant 64 : index
      %get3A_703 = tpu.vector_load %arg9[%get3A_701, %get3A_702] {strides = array<i32>} : memref<128x128xf32, #tpu.memory_space<vmem>>, vector<1x16xf32>,
      %get3A_704 = vector.shape_cast %get3A_703 : vector<1x16xf32> to vector<16xf32>
      %get3A_705 = arith.index_cast %scan3A_634 : i32 to index
      %get3A_706 = arith.constant 64 : index
      %get3A_707 = tpu.vector_load %arg12[%get3A_705, %get3A_706] {strides = array<i32>} : memref<128x128xf32, #tpu.memory_space<vmem>>, vector<1x16xf32>,
      %get3A_708 = vector.shape_cast %get3A_707 : vector<1x16xf32> to vector<16xf32>
      %add3A_709 = arith.addf %get3A_704, %get3A_708 : vector<16xf32>
      %mul3A_710 = arith.constant 5.000000e-01 : f32
      %mul3A_711 = vector.broadcast %mul3A_710 : f32 to vector<16xf32>
      %mul3A_712 = arith.mulf %add3A_709, %mul3A_711 : vector<16xf32>
      %swap3A_713 = arith.index_cast %scan3A_634 : i32 to index
      %swap3A_714 = arith.constant 64 : index
      %swap3A_715 = tpu.vector_load %arg9[%swap3A_713, %swap3A_714] {strides = array<i32>} : memref<128x128xf32, #tpu.memory_space<vmem>>, vector<1x16xf32>,
      %swap3A_716 = vector.shape_cast %swap3A_715 : vector<1x16xf32> to vector<16xf32>
      %swap3A_717 = vector.shape_cast %mul3A_712 : vector<16xf32> to vector<1x16xf32>
      tpu.vector_store %arg9[%swap3A_713, %swap3A_714], %swap3A_717 {strides = array<i32>} : memref<128x128xf32, #tpu.memory_space<vmem>>, vector<1x16xf32>,
      %get3A_718 = arith.index_cast %scan3A_634 : i32 to index
      %get3A_719 = arith.constant 80 : index
      %get3A_720 = tpu.vector_load %arg9[%get3A_718, %get3A_719] {strides = array<i32>} : memref<128x128xf32, #tpu.memory_space<vmem>>, vector<1x16xf32>,
      %get3A_721 = vector.shape_cast %get3A_720 : vector<1x16xf32> to vector<16xf32>
      %get3A_722 = arith.index_cast %scan3A_634 : i32 to index
      %get3A_723 = arith.constant 80 : index
      %get3A_724 = tpu.vector_load %arg12[%get3A_722, %get3A_723] {strides = array<i32>} : memref<128x128xf32, #tpu.memory_space<vmem>>, vector<1x16xf32>,
      %get3A_725 = vector.shape_cast %get3A_724 : vector<1x16xf32> to vector<16xf32>
      %add3A_726 = arith.addf %get3A_721, %get3A_725 : vector<16xf32>
      %mul3A_727 = arith.constant 5.000000e-01 : f32
      %mul3A_728 = vector.broadcast %mul3A_727 : f32 to vector<16xf32>
      %mul3A_729 = arith.mulf %add3A_726, %mul3A_728 : vector<16xf32>
      %swap3A_730 = arith.index_cast %scan3A_634 : i32 to index
      %swap3A_731 = arith.constant 80 : index
      %swap3A_732 = tpu.vector_load %arg9[%swap3A_730, %swap3A_731] {strides = array<i32>} : memref<128x128xf32, #tpu.memory_space<vmem>>, vector<1x16xf32>,
      %swap3A_733 = vector.shape_cast %swap3A_732 : vector<1x16xf32> to vector<16xf32>
      %swap3A_734 = vector.shape_cast %mul3A_729 : vector<16xf32> to vector<1x16xf32>
      tpu.vector_store %arg9[%swap3A_730, %swap3A_731], %swap3A_734 {strides = array<i32>} : memref<128x128xf32, #tpu.memory_space<vmem>>, vector<1x16xf32>,
      %get3A_735 = arith.index_cast %scan3A_634 : i32 to index
      %get3A_736 = arith.constant 96 : index
      %get3A_737 = tpu.vector_load %arg9[%get3A_735, %get3A_736] {strides = array<i32>} : memref<128x128xf32, #tpu.memory_space<vmem>>, vector<1x16xf32>,
      %get3A_738 = vector.shape_cast %get3A_737 : vector<1x16xf32> to vector<16xf32>
      %get3A_739 = arith.index_cast %scan3A_634 : i32 to index
      %get3A_740 = arith.constant 96 : index
      %get3A_741 = tpu.vector_load %arg12[%get3A_739, %get3A_740] {strides = array<i32>} : memref<128x128xf32, #tpu.memory_space<vmem>>, vector<1x16xf32>,
      %get3A_742 = vector.shape_cast %get3A_741 : vector<1x16xf32> to vector<16xf32>
      %add3A_743 = arith.addf %get3A_738, %get3A_742 : vector<16xf32>
      %mul3A_744 = arith.constant 5.000000e-01 : f32
      %mul3A_745 = vector.broadcast %mul3A_744 : f32 to vector<16xf32>
      %mul3A_746 = arith.mulf %add3A_743, %mul3A_745 : vector<16xf32>
      %swap3A_747 = arith.index_cast %scan3A_634 : i32 to index
      %swap3A_748 = arith.constant 96 : index
      %swap3A_749 = tpu.vector_load %arg9[%swap3A_747, %swap3A_748] {strides = array<i32>} : memref<128x128xf32, #tpu.memory_space<vmem>>, vector<1x16xf32>,
      %swap3A_750 = vector.shape_cast %swap3A_749 : vector<1x16xf32> to vector<16xf32>
      %swap3A_751 = vector.shape_cast %mul3A_746 : vector<16xf32> to vector<1x16xf32>
      tpu.vector_store %arg9[%swap3A_747, %swap3A_748], %swap3A_751 {strides = array<i32>} : memref<128x128xf32, #tpu.memory_space<vmem>>, vector<1x16xf32>,
      %get3A_752 = arith.index_cast %scan3A_634 : i32 to index
      %get3A_753 = arith.constant 112 : index
      %get3A_754 = tpu.vector_load %arg9[%get3A_752, %get3A_753] {strides = array<i32>} : memref<128x128xf32, #tpu.memory_space<vmem>>, vector<1x16xf32>,
      %get3A_755 = vector.shape_cast %get3A_754 : vector<1x16xf32> to vector<16xf32>
      %get3A_756 = arith.index_cast %scan3A_634 : i32 to index
      %get3A_757 = arith.constant 112 : index
      %get3A_758 = tpu.vector_load %arg12[%get3A_756, %get3A_757] {strides = array<i32>} : memref<128x128xf32, #tpu.memory_space<vmem>>, vector<1x16xf32>,
      %get3A_759 = vector.shape_cast %get3A_758 : vector<1x16xf32> to vector<16xf32>
      %add3A_760 = arith.addf %get3A_755, %get3A_759 : vector<16xf32>
      %mul3A_761 = arith.constant 5.000000e-01 : f32
      %mul3A_762 = vector.broadcast %mul3A_761 : f32 to vector<16xf32>
      %mul3A_763 = arith.mulf %add3A_760, %mul3A_762 : vector<16xf32>
      %swap3A_764 = arith.index_cast %scan3A_634 : i32 to index
      %swap3A_765 = arith.constant 112 : index
      %swap3A_766 = tpu.vector_load %arg9[%swap3A_764, %swap3A_765] {strides = array<i32>} : memref<128x128xf32, #tpu.memory_space<vmem>>, vector<1x16xf32>,
      %swap3A_767 = vector.shape_cast %swap3A_766 : vector<1x16xf32> to vector<16xf32>
      %swap3A_768 = vector.shape_cast %mul3A_763 : vector<16xf32> to vector<1x16xf32>
      tpu.vector_store %arg9[%swap3A_764, %swap3A_765], %swap3A_768 {strides = array<i32>} : memref<128x128xf32, #tpu.memory_space<vmem>>, vector<1x16xf32>,
    }
    %scan3A_413 = arith.constant 128 : i32
    %add3A_414 = arith.constant 65536 : i32
    %add3A_415 = arith.addi %add3A_414, %mul3A_2 : i32
    %add3A_416 = arith.constant 128 : i32
    %add3A_417 = arith.addi %add3A_415, %add3A_416 : i32
    %dma_start3A_418 = arith.constant 0 : i32
    %dma_start3A_419 = tpu.memref_slice %arg5[%add3A_417, %dma_start3A_418] : memref<98304x128xf32, #tpu.memory_space<hbm>> -> memref<128x128xf32, #tpu.memory_space<hbm>>
    %dma_start3A_420 = arith.constant 0 : i32
    %dma_start3A_421 = tpu.memref_slice %arg5[%add3A_417, %dma_start3A_420] : memref<98304x128xf32, #tpu.memory_space<hbm>> -> memref<128x128xf32, #tpu.memory_space<hbm>>
    tpu.enqueue_dma source(%arg9 : memref<128x128xf32, #tpu.memory_space<vmem>>) target(%dma_start3A_421 : memref<128x128xf32, #tpu.memory_space<hbm>>) target_semaphore(%arg18 : memref<!tpu.dma_semaphore, #tpu.memory_space<semaphore_mem>>)
    %dma_wait3A_422 = arith.constant 0 : i32
    %dma_wait3A_423 = tpu.memref_slice %arg5[%add3A_417, %dma_wait3A_422] : memref<98304x128xf32, #tpu.memory_space<hbm>> -> memref<128x128xf32, #tpu.memory_space<hbm>>
    %dma_wait3A_424 = arith.constant 0 : i32
    %dma_wait3A_425 = tpu.memref_slice %arg5[%add3A_417, %dma_wait3A_424] : memref<98304x128xf32, #tpu.memory_space<hbm>> -> memref<128x128xf32, #tpu.memory_space<hbm>>
    tpu.wait_dma2 semaphore(%arg18 : memref<!tpu.dma_semaphore, #tpu.memory_space<semaphore_mem>>) src(%arg9 : memref<128x128xf32, #tpu.memory_space<vmem>>) dst(%dma_wait3A_425 : memref<128x128xf32, #tpu.memory_space<hbm>>)
    %dma_start3A_426 = arith.constant 512 : i32
    %dma_start3A_427 = tpu.memref_slice %arg6[%dma_start3A_426] : memref<1024xi32, #tpu.memory_space<vmem>> -> memref<128xi32, #tpu.memory_space<vmem>>
    %dma_start3A_428 = arith.constant 0 : i32
    %dma_start3A_429 = arith.constant 0 : i32
    %dma_start3A_430 = tpu.memref_slice %arg2[%dma_start3A_428, %dma_start3A_429] : memref<65536x128xf32, #tpu.memory_space<hbm>> -> memref<65536x128xf32, #tpu.memory_space<hbm>>
    tpu.enqueue_indirect_dma source(%dma_start3A_430 : memref<65536x128xf32, #tpu.memory_space<hbm>>) target(%arg9 : memref<128x128xf32, #tpu.memory_space<vmem>>) offsets(%dma_start3A_427 : memref<128xi32, #tpu.memory_space<vmem>>) semaphore(%arg15 : memref<!tpu.dma_semaphore, #tpu.memory_space<semaphore_mem>>)
    %dma_start3A_431 = arith.constant 512 : i32
    %dma_start3A_432 = tpu.memref_slice %arg7[%dma_start3A_431] : memref<1024xi32, #tpu.memory_space<vmem>> -> memref<128xi32, #tpu.memory_space<vmem>>
    %dma_start3A_433 = arith.constant 0 : i32
    %dma_start3A_434 = arith.constant 0 : i32
    %dma_start3A_435 = tpu.memref_slice %arg2[%dma_start3A_433, %dma_start3A_434] : memref<65536x128xf32, #tpu.memory_space<hbm>> -> memref<65536x128xf32, #tpu.memory_space<hbm>>
    tpu.enqueue_indirect_dma source(%dma_start3A_435 : memref<65536x128xf32, #tpu.memory_space<hbm>>) target(%arg12 : memref<128x128xf32, #tpu.memory_space<vmem>>) offsets(%dma_start3A_432 : memref<128xi32, #tpu.memory_space<vmem>>) semaphore(%arg15 : memref<!tpu.dma_semaphore, #tpu.memory_space<semaphore_mem>>)
    %dma_wait3A_436 = arith.constant 256 : i32
    %dma_wait3A_437 = tpu.memref_slice %arg6[%dma_wait3A_436] : memref<1024xi32, #tpu.memory_space<vmem>> -> memref<128xi32, #tpu.memory_space<vmem>>
    %dma_wait3A_438 = arith.constant 0 : i32
    %dma_wait3A_439 = arith.constant 0 : i32
    %dma_wait3A_440 = tpu.memref_slice %arg2[%dma_wait3A_438, %dma_wait3A_439] : memref<65536x128xf32, #tpu.memory_space<hbm>> -> memref<65536x128xf32, #tpu.memory_space<hbm>>
    tpu.wait_indirect_dma semaphore(%arg16 : memref<!tpu.dma_semaphore, #tpu.memory_space<semaphore_mem>>) src(%dma_wait3A_440 : memref<65536x128xf32, #tpu.memory_space<hbm>>) dst(%arg10 : memref<128x128xf32, #tpu.memory_space<vmem>>)
    %dma_wait3A_441 = arith.constant 256 : i32
    %dma_wait3A_442 = tpu.memref_slice %arg7[%dma_wait3A_441] : memref<1024xi32, #tpu.memory_space<vmem>> -> memref<128xi32, #tpu.memory_space<vmem>>
    %dma_wait3A_443 = arith.constant 0 : i32
    %dma_wait3A_444 = arith.constant 0 : i32
    %dma_wait3A_445 = tpu.memref_slice %arg2[%dma_wait3A_443, %dma_wait3A_444] : memref<65536x128xf32, #tpu.memory_space<hbm>> -> memref<65536x128xf32, #tpu.memory_space<hbm>>
    tpu.wait_indirect_dma semaphore(%arg16 : memref<!tpu.dma_semaphore, #tpu.memory_space<semaphore_mem>>) src(%dma_wait3A_445 : memref<65536x128xf32, #tpu.memory_space<hbm>>) dst(%arg13 : memref<128x128xf32, #tpu.memory_space<vmem>>)
    %scan3A_446 = arith.constant 0 : i32
    %scan3A_447 = arith.constant 0 : i32
    %scan3A_448 = arith.constant 128 : i32
    %scan3A_449 = arith.addi %scan3A_447, %scan3A_448 : i32
    %scan3A_450 = arith.constant 1 : i32
    scf.for %scan3A_634 = %scan3A_447 to %scan3A_449 step %scan3A_450  : i32 {
      %get3A = arith.index_cast %scan3A_634 : i32 to index
      %get3A_635 = arith.constant 0 : index
      %get3A_636 = tpu.vector_load %arg10[%get3A, %get3A_635] {strides = array<i32>} : memref<128x128xf32, #tpu.memory_space<vmem>>, vector<1x16xf32>,
      %get3A_637 = vector.shape_cast %get3A_636 : vector<1x16xf32> to vector<16xf32>
      %get3A_638 = arith.index_cast %scan3A_634 : i32 to index
      %get3A_639 = arith.constant 0 : index
      %get3A_640 = tpu.vector_load %arg13[%get3A_638, %get3A_639] {strides = array<i32>} : memref<128x128xf32, #tpu.memory_space<vmem>>, vector<1x16xf32>,
      %get3A_641 = vector.shape_cast %get3A_640 : vector<1x16xf32> to vector<16xf32>
      %add3A_642 = arith.addf %get3A_637, %get3A_641 : vector<16xf32>
      %mul3A_643 = arith.constant 5.000000e-01 : f32
      %mul3A_644 = vector.broadcast %mul3A_643 : f32 to vector<16xf32>
      %mul3A_645 = arith.mulf %add3A_642, %mul3A_644 : vector<16xf32>
      %swap3A = arith.index_cast %scan3A_634 : i32 to index
      %swap3A_646 = arith.constant 0 : index
      %swap3A_647 = tpu.vector_load %arg10[%swap3A, %swap3A_646] {strides = array<i32>} : memref<128x128xf32, #tpu.memory_space<vmem>>, vector<1x16xf32>,
      %swap3A_648 = vector.shape_cast %swap3A_647 : vector<1x16xf32> to vector<16xf32>
      %swap3A_649 = vector.shape_cast %mul3A_645 : vector<16xf32> to vector<1x16xf32>
      tpu.vector_store %arg10[%swap3A, %swap3A_646], %swap3A_649 {strides = array<i32>} : memref<128x128xf32, #tpu.memory_space<vmem>>, vector<1x16xf32>,
      %get3A_650 = arith.index_cast %scan3A_634 : i32 to index
      %get3A_651 = arith.constant 16 : index
      %get3A_652 = tpu.vector_load %arg10[%get3A_650, %get3A_651] {strides = array<i32>} : memref<128x128xf32, #tpu.memory_space<vmem>>, vector<1x16xf32>,
      %get3A_653 = vector.shape_cast %get3A_652 : vector<1x16xf32> to vector<16xf32>
      %get3A_654 = arith.index_cast %scan3A_634 : i32 to index
      %get3A_655 = arith.constant 16 : index
      %get3A_656 = tpu.vector_load %arg13[%get3A_654, %get3A_655] {strides = array<i32>} : memref<128x128xf32, #tpu.memory_space<vmem>>, vector<1x16xf32>,
      %get3A_657 = vector.shape_cast %get3A_656 : vector<1x16xf32> to vector<16xf32>
      %add3A_658 = arith.addf %get3A_653, %get3A_657 : vector<16xf32>
      %mul3A_659 = arith.constant 5.000000e-01 : f32
      %mul3A_660 = vector.broadcast %mul3A_659 : f32 to vector<16xf32>
      %mul3A_661 = arith.mulf %add3A_658, %mul3A_660 : vector<16xf32>
      %swap3A_662 = arith.index_cast %scan3A_634 : i32 to index
      %swap3A_663 = arith.constant 16 : index
      %swap3A_664 = tpu.vector_load %arg10[%swap3A_662, %swap3A_663] {strides = array<i32>} : memref<128x128xf32, #tpu.memory_space<vmem>>, vector<1x16xf32>,
      %swap3A_665 = vector.shape_cast %swap3A_664 : vector<1x16xf32> to vector<16xf32>
      %swap3A_666 = vector.shape_cast %mul3A_661 : vector<16xf32> to vector<1x16xf32>
      tpu.vector_store %arg10[%swap3A_662, %swap3A_663], %swap3A_666 {strides = array<i32>} : memref<128x128xf32, #tpu.memory_space<vmem>>, vector<1x16xf32>,
      %get3A_667 = arith.index_cast %scan3A_634 : i32 to index
      %get3A_668 = arith.constant 32 : index
      %get3A_669 = tpu.vector_load %arg10[%get3A_667, %get3A_668] {strides = array<i32>} : memref<128x128xf32, #tpu.memory_space<vmem>>, vector<1x16xf32>,
      %get3A_670 = vector.shape_cast %get3A_669 : vector<1x16xf32> to vector<16xf32>
      %get3A_671 = arith.index_cast %scan3A_634 : i32 to index
      %get3A_672 = arith.constant 32 : index
      %get3A_673 = tpu.vector_load %arg13[%get3A_671, %get3A_672] {strides = array<i32>} : memref<128x128xf32, #tpu.memory_space<vmem>>, vector<1x16xf32>,
      %get3A_674 = vector.shape_cast %get3A_673 : vector<1x16xf32> to vector<16xf32>
      %add3A_675 = arith.addf %get3A_670, %get3A_674 : vector<16xf32>
      %mul3A_676 = arith.constant 5.000000e-01 : f32
      %mul3A_677 = vector.broadcast %mul3A_676 : f32 to vector<16xf32>
      %mul3A_678 = arith.mulf %add3A_675, %mul3A_677 : vector<16xf32>
      %swap3A_679 = arith.index_cast %scan3A_634 : i32 to index
      %swap3A_680 = arith.constant 32 : index
      %swap3A_681 = tpu.vector_load %arg10[%swap3A_679, %swap3A_680] {strides = array<i32>} : memref<128x128xf32, #tpu.memory_space<vmem>>, vector<1x16xf32>,
      %swap3A_682 = vector.shape_cast %swap3A_681 : vector<1x16xf32> to vector<16xf32>
      %swap3A_683 = vector.shape_cast %mul3A_678 : vector<16xf32> to vector<1x16xf32>
      tpu.vector_store %arg10[%swap3A_679, %swap3A_680], %swap3A_683 {strides = array<i32>} : memref<128x128xf32, #tpu.memory_space<vmem>>, vector<1x16xf32>,
      %get3A_684 = arith.index_cast %scan3A_634 : i32 to index
      %get3A_685 = arith.constant 48 : index
      %get3A_686 = tpu.vector_load %arg10[%get3A_684, %get3A_685] {strides = array<i32>} : memref<128x128xf32, #tpu.memory_space<vmem>>, vector<1x16xf32>,
      %get3A_687 = vector.shape_cast %get3A_686 : vector<1x16xf32> to vector<16xf32>
      %get3A_688 = arith.index_cast %scan3A_634 : i32 to index
      %get3A_689 = arith.constant 48 : index
      %get3A_690 = tpu.vector_load %arg13[%get3A_688, %get3A_689] {strides = array<i32>} : memref<128x128xf32, #tpu.memory_space<vmem>>, vector<1x16xf32>,
      %get3A_691 = vector.shape_cast %get3A_690 : vector<1x16xf32> to vector<16xf32>
      %add3A_692 = arith.addf %get3A_687, %get3A_691 : vector<16xf32>
      %mul3A_693 = arith.constant 5.000000e-01 : f32
      %mul3A_694 = vector.broadcast %mul3A_693 : f32 to vector<16xf32>
      %mul3A_695 = arith.mulf %add3A_692, %mul3A_694 : vector<16xf32>
      %swap3A_696 = arith.index_cast %scan3A_634 : i32 to index
      %swap3A_697 = arith.constant 48 : index
      %swap3A_698 = tpu.vector_load %arg10[%swap3A_696, %swap3A_697] {strides = array<i32>} : memref<128x128xf32, #tpu.memory_space<vmem>>, vector<1x16xf32>,
      %swap3A_699 = vector.shape_cast %swap3A_698 : vector<1x16xf32> to vector<16xf32>
      %swap3A_700 = vector.shape_cast %mul3A_695 : vector<16xf32> to vector<1x16xf32>
      tpu.vector_store %arg10[%swap3A_696, %swap3A_697], %swap3A_700 {strides = array<i32>} : memref<128x128xf32, #tpu.memory_space<vmem>>, vector<1x16xf32>,
      %get3A_701 = arith.index_cast %scan3A_634 : i32 to index
      %get3A_702 = arith.constant 64 : index
      %get3A_703 = tpu.vector_load %arg10[%get3A_701, %get3A_702] {strides = array<i32>} : memref<128x128xf32, #tpu.memory_space<vmem>>, vector<1x16xf32>,
      %get3A_704 = vector.shape_cast %get3A_703 : vector<1x16xf32> to vector<16xf32>
      %get3A_705 = arith.index_cast %scan3A_634 : i32 to index
      %get3A_706 = arith.constant 64 : index
      %get3A_707 = tpu.vector_load %arg13[%get3A_705, %get3A_706] {strides = array<i32>} : memref<128x128xf32, #tpu.memory_space<vmem>>, vector<1x16xf32>,
      %get3A_708 = vector.shape_cast %get3A_707 : vector<1x16xf32> to vector<16xf32>
      %add3A_709 = arith.addf %get3A_704, %get3A_708 : vector<16xf32>
      %mul3A_710 = arith.constant 5.000000e-01 : f32
      %mul3A_711 = vector.broadcast %mul3A_710 : f32 to vector<16xf32>
      %mul3A_712 = arith.mulf %add3A_709, %mul3A_711 : vector<16xf32>
      %swap3A_713 = arith.index_cast %scan3A_634 : i32 to index
      %swap3A_714 = arith.constant 64 : index
      %swap3A_715 = tpu.vector_load %arg10[%swap3A_713, %swap3A_714] {strides = array<i32>} : memref<128x128xf32, #tpu.memory_space<vmem>>, vector<1x16xf32>,
      %swap3A_716 = vector.shape_cast %swap3A_715 : vector<1x16xf32> to vector<16xf32>
      %swap3A_717 = vector.shape_cast %mul3A_712 : vector<16xf32> to vector<1x16xf32>
      tpu.vector_store %arg10[%swap3A_713, %swap3A_714], %swap3A_717 {strides = array<i32>} : memref<128x128xf32, #tpu.memory_space<vmem>>, vector<1x16xf32>,
      %get3A_718 = arith.index_cast %scan3A_634 : i32 to index
      %get3A_719 = arith.constant 80 : index
      %get3A_720 = tpu.vector_load %arg10[%get3A_718, %get3A_719] {strides = array<i32>} : memref<128x128xf32, #tpu.memory_space<vmem>>, vector<1x16xf32>,
      %get3A_721 = vector.shape_cast %get3A_720 : vector<1x16xf32> to vector<16xf32>
      %get3A_722 = arith.index_cast %scan3A_634 : i32 to index
      %get3A_723 = arith.constant 80 : index
      %get3A_724 = tpu.vector_load %arg13[%get3A_722, %get3A_723] {strides = array<i32>} : memref<128x128xf32, #tpu.memory_space<vmem>>, vector<1x16xf32>,
      %get3A_725 = vector.shape_cast %get3A_724 : vector<1x16xf32> to vector<16xf32>
      %add3A_726 = arith.addf %get3A_721, %get3A_725 : vector<16xf32>
      %mul3A_727 = arith.constant 5.000000e-01 : f32
      %mul3A_728 = vector.broadcast %mul3A_727 : f32 to vector<16xf32>
      %mul3A_729 = arith.mulf %add3A_726, %mul3A_728 : vector<16xf32>
      %swap3A_730 = arith.index_cast %scan3A_634 : i32 to index
      %swap3A_731 = arith.constant 80 : index
      %swap3A_732 = tpu.vector_load %arg10[%swap3A_730, %swap3A_731] {strides = array<i32>} : memref<128x128xf32, #tpu.memory_space<vmem>>, vector<1x16xf32>,
      %swap3A_733 = vector.shape_cast %swap3A_732 : vector<1x16xf32> to vector<16xf32>
      %swap3A_734 = vector.shape_cast %mul3A_729 : vector<16xf32> to vector<1x16xf32>
      tpu.vector_store %arg10[%swap3A_730, %swap3A_731], %swap3A_734 {strides = array<i32>} : memref<128x128xf32, #tpu.memory_space<vmem>>, vector<1x16xf32>,
      %get3A_735 = arith.index_cast %scan3A_634 : i32 to index
      %get3A_736 = arith.constant 96 : index
      %get3A_737 = tpu.vector_load %arg10[%get3A_735, %get3A_736] {strides = array<i32>} : memref<128x128xf32, #tpu.memory_space<vmem>>, vector<1x16xf32>,
      %get3A_738 = vector.shape_cast %get3A_737 : vector<1x16xf32> to vector<16xf32>
      %get3A_739 = arith.index_cast %scan3A_634 : i32 to index
      %get3A_740 = arith.constant 96 : index
      %get3A_741 = tpu.vector_load %arg13[%get3A_739, %get3A_740] {strides = array<i32>} : memref<128x128xf32, #tpu.memory_space<vmem>>, vector<1x16xf32>,
      %get3A_742 = vector.shape_cast %get3A_741 : vector<1x16xf32> to vector<16xf32>
      %add3A_743 = arith.addf %get3A_738, %get3A_742 : vector<16xf32>
      %mul3A_744 = arith.constant 5.000000e-01 : f32
      %mul3A_745 = vector.broadcast %mul3A_744 : f32 to vector<16xf32>
      %mul3A_746 = arith.mulf %add3A_743, %mul3A_745 : vector<16xf32>
      %swap3A_747 = arith.index_cast %scan3A_634 : i32 to index
      %swap3A_748 = arith.constant 96 : index
      %swap3A_749 = tpu.vector_load %arg10[%swap3A_747, %swap3A_748] {strides = array<i32>} : memref<128x128xf32, #tpu.memory_space<vmem>>, vector<1x16xf32>,
      %swap3A_750 = vector.shape_cast %swap3A_749 : vector<1x16xf32> to vector<16xf32>
      %swap3A_751 = vector.shape_cast %mul3A_746 : vector<16xf32> to vector<1x16xf32>
      tpu.vector_store %arg10[%swap3A_747, %swap3A_748], %swap3A_751 {strides = array<i32>} : memref<128x128xf32, #tpu.memory_space<vmem>>, vector<1x16xf32>,
      %get3A_752 = arith.index_cast %scan3A_634 : i32 to index
      %get3A_753 = arith.constant 112 : index
      %get3A_754 = tpu.vector_load %arg10[%get3A_752, %get3A_753] {strides = array<i32>} : memref<128x128xf32, #tpu.memory_space<vmem>>, vector<1x16xf32>,
      %get3A_755 = vector.shape_cast %get3A_754 : vector<1x16xf32> to vector<16xf32>
      %get3A_756 = arith.index_cast %scan3A_634 : i32 to index
      %get3A_757 = arith.constant 112 : index
      %get3A_758 = tpu.vector_load %arg13[%get3A_756, %get3A_757] {strides = array<i32>} : memref<128x128xf32, #tpu.memory_space<vmem>>, vector<1x16xf32>,
      %get3A_759 = vector.shape_cast %get3A_758 : vector<1x16xf32> to vector<16xf32>
      %add3A_760 = arith.addf %get3A_755, %get3A_759 : vector<16xf32>
      %mul3A_761 = arith.constant 5.000000e-01 : f32
      %mul3A_762 = vector.broadcast %mul3A_761 : f32 to vector<16xf32>
      %mul3A_763 = arith.mulf %add3A_760, %mul3A_762 : vector<16xf32>
      %swap3A_764 = arith.index_cast %scan3A_634 : i32 to index
      %swap3A_765 = arith.constant 112 : index
      %swap3A_766 = tpu.vector_load %arg10[%swap3A_764, %swap3A_765] {strides = array<i32>} : memref<128x128xf32, #tpu.memory_space<vmem>>, vector<1x16xf32>,
      %swap3A_767 = vector.shape_cast %swap3A_766 : vector<1x16xf32> to vector<16xf32>
      %swap3A_768 = vector.shape_cast %mul3A_763 : vector<16xf32> to vector<1x16xf32>
      tpu.vector_store %arg10[%swap3A_764, %swap3A_765], %swap3A_768 {strides = array<i32>} : memref<128x128xf32, #tpu.memory_space<vmem>>, vector<1x16xf32>,
    }
    %scan3A_451 = arith.constant 128 : i32
    %add3A_452 = arith.constant 65536 : i32
    %add3A_453 = arith.addi %add3A_452, %mul3A_2 : i32
    %add3A_454 = arith.constant 256 : i32
    %add3A_455 = arith.addi %add3A_453, %add3A_454 : i32
    %dma_start3A_456 = arith.constant 0 : i32
    %dma_start3A_457 = tpu.memref_slice %arg5[%add3A_455, %dma_start3A_456] : memref<98304x128xf32, #tpu.memory_space<hbm>> -> memref<128x128xf32, #tpu.memory_space<hbm>>
    %dma_start3A_458 = arith.constant 0 : i32
    %dma_start3A_459 = tpu.memref_slice %arg5[%add3A_455, %dma_start3A_458] : memref<98304x128xf32, #tpu.memory_space<hbm>> -> memref<128x128xf32, #tpu.memory_space<hbm>>
    tpu.enqueue_dma source(%arg10 : memref<128x128xf32, #tpu.memory_space<vmem>>) target(%dma_start3A_459 : memref<128x128xf32, #tpu.memory_space<hbm>>) target_semaphore(%arg19 : memref<!tpu.dma_semaphore, #tpu.memory_space<semaphore_mem>>)
    %dma_wait3A_460 = arith.constant 0 : i32
    %dma_wait3A_461 = tpu.memref_slice %arg5[%add3A_455, %dma_wait3A_460] : memref<98304x128xf32, #tpu.memory_space<hbm>> -> memref<128x128xf32, #tpu.memory_space<hbm>>
    %dma_wait3A_462 = arith.constant 0 : i32
    %dma_wait3A_463 = tpu.memref_slice %arg5[%add3A_455, %dma_wait3A_462] : memref<98304x128xf32, #tpu.memory_space<hbm>> -> memref<128x128xf32, #tpu.memory_space<hbm>>
    tpu.wait_dma2 semaphore(%arg19 : memref<!tpu.dma_semaphore, #tpu.memory_space<semaphore_mem>>) src(%arg10 : memref<128x128xf32, #tpu.memory_space<vmem>>) dst(%dma_wait3A_463 : memref<128x128xf32, #tpu.memory_space<hbm>>)
    %dma_start3A_464 = arith.constant 640 : i32
    %dma_start3A_465 = tpu.memref_slice %arg6[%dma_start3A_464] : memref<1024xi32, #tpu.memory_space<vmem>> -> memref<128xi32, #tpu.memory_space<vmem>>
    %dma_start3A_466 = arith.constant 0 : i32
    %dma_start3A_467 = arith.constant 0 : i32
    %dma_start3A_468 = tpu.memref_slice %arg2[%dma_start3A_466, %dma_start3A_467] : memref<65536x128xf32, #tpu.memory_space<hbm>> -> memref<65536x128xf32, #tpu.memory_space<hbm>>
    tpu.enqueue_indirect_dma source(%dma_start3A_468 : memref<65536x128xf32, #tpu.memory_space<hbm>>) target(%arg10 : memref<128x128xf32, #tpu.memory_space<vmem>>) offsets(%dma_start3A_465 : memref<128xi32, #tpu.memory_space<vmem>>) semaphore(%arg16 : memref<!tpu.dma_semaphore, #tpu.memory_space<semaphore_mem>>)
    %dma_start3A_469 = arith.constant 640 : i32
    %dma_start3A_470 = tpu.memref_slice %arg7[%dma_start3A_469] : memref<1024xi32, #tpu.memory_space<vmem>> -> memref<128xi32, #tpu.memory_space<vmem>>
    %dma_start3A_471 = arith.constant 0 : i32
    %dma_start3A_472 = arith.constant 0 : i32
    %dma_start3A_473 = tpu.memref_slice %arg2[%dma_start3A_471, %dma_start3A_472] : memref<65536x128xf32, #tpu.memory_space<hbm>> -> memref<65536x128xf32, #tpu.memory_space<hbm>>
    tpu.enqueue_indirect_dma source(%dma_start3A_473 : memref<65536x128xf32, #tpu.memory_space<hbm>>) target(%arg13 : memref<128x128xf32, #tpu.memory_space<vmem>>) offsets(%dma_start3A_470 : memref<128xi32, #tpu.memory_space<vmem>>) semaphore(%arg16 : memref<!tpu.dma_semaphore, #tpu.memory_space<semaphore_mem>>)
    %dma_wait3A_474 = arith.constant 384 : i32
    %dma_wait3A_475 = tpu.memref_slice %arg6[%dma_wait3A_474] : memref<1024xi32, #tpu.memory_space<vmem>> -> memref<128xi32, #tpu.memory_space<vmem>>
    %dma_wait3A_476 = arith.constant 0 : i32
    %dma_wait3A_477 = arith.constant 0 : i32
    %dma_wait3A_478 = tpu.memref_slice %arg2[%dma_wait3A_476, %dma_wait3A_477] : memref<65536x128xf32, #tpu.memory_space<hbm>> -> memref<65536x128xf32, #tpu.memory_space<hbm>>
    tpu.wait_indirect_dma semaphore(%arg14 : memref<!tpu.dma_semaphore, #tpu.memory_space<semaphore_mem>>) src(%dma_wait3A_478 : memref<65536x128xf32, #tpu.memory_space<hbm>>) dst(%arg8 : memref<128x128xf32, #tpu.memory_space<vmem>>)
    %dma_wait3A_479 = arith.constant 384 : i32
    %dma_wait3A_480 = tpu.memref_slice %arg7[%dma_wait3A_479] : memref<1024xi32, #tpu.memory_space<vmem>> -> memref<128xi32, #tpu.memory_space<vmem>>
    %dma_wait3A_481 = arith.constant 0 : i32
    %dma_wait3A_482 = arith.constant 0 : i32
    %dma_wait3A_483 = tpu.memref_slice %arg2[%dma_wait3A_481, %dma_wait3A_482] : memref<65536x128xf32, #tpu.memory_space<hbm>> -> memref<65536x128xf32, #tpu.memory_space<hbm>>
    tpu.wait_indirect_dma semaphore(%arg14 : memref<!tpu.dma_semaphore, #tpu.memory_space<semaphore_mem>>) src(%dma_wait3A_483 : memref<65536x128xf32, #tpu.memory_space<hbm>>) dst(%arg11 : memref<128x128xf32, #tpu.memory_space<vmem>>)
    %scan3A_484 = arith.constant 0 : i32
    %scan3A_485 = arith.constant 0 : i32
    %scan3A_486 = arith.constant 128 : i32
    %scan3A_487 = arith.addi %scan3A_485, %scan3A_486 : i32
    %scan3A_488 = arith.constant 1 : i32
    scf.for %scan3A_634 = %scan3A_485 to %scan3A_487 step %scan3A_488  : i32 {
      %get3A = arith.index_cast %scan3A_634 : i32 to index
      %get3A_635 = arith.constant 0 : index
      %get3A_636 = tpu.vector_load %arg8[%get3A, %get3A_635] {strides = array<i32>} : memref<128x128xf32, #tpu.memory_space<vmem>>, vector<1x16xf32>,
      %get3A_637 = vector.shape_cast %get3A_636 : vector<1x16xf32> to vector<16xf32>
      %get3A_638 = arith.index_cast %scan3A_634 : i32 to index
      %get3A_639 = arith.constant 0 : index
      %get3A_640 = tpu.vector_load %arg11[%get3A_638, %get3A_639] {strides = array<i32>} : memref<128x128xf32, #tpu.memory_space<vmem>>, vector<1x16xf32>,
      %get3A_641 = vector.shape_cast %get3A_640 : vector<1x16xf32> to vector<16xf32>
      %add3A_642 = arith.addf %get3A_637, %get3A_641 : vector<16xf32>
      %mul3A_643 = arith.constant 5.000000e-01 : f32
      %mul3A_644 = vector.broadcast %mul3A_643 : f32 to vector<16xf32>
      %mul3A_645 = arith.mulf %add3A_642, %mul3A_644 : vector<16xf32>
      %swap3A = arith.index_cast %scan3A_634 : i32 to index
      %swap3A_646 = arith.constant 0 : index
      %swap3A_647 = tpu.vector_load %arg8[%swap3A, %swap3A_646] {strides = array<i32>} : memref<128x128xf32, #tpu.memory_space<vmem>>, vector<1x16xf32>,
      %swap3A_648 = vector.shape_cast %swap3A_647 : vector<1x16xf32> to vector<16xf32>
      %swap3A_649 = vector.shape_cast %mul3A_645 : vector<16xf32> to vector<1x16xf32>
      tpu.vector_store %arg8[%swap3A, %swap3A_646], %swap3A_649 {strides = array<i32>} : memref<128x128xf32, #tpu.memory_space<vmem>>, vector<1x16xf32>,
      %get3A_650 = arith.index_cast %scan3A_634 : i32 to index
      %get3A_651 = arith.constant 16 : index
      %get3A_652 = tpu.vector_load %arg8[%get3A_650, %get3A_651] {strides = array<i32>} : memref<128x128xf32, #tpu.memory_space<vmem>>, vector<1x16xf32>,
      %get3A_653 = vector.shape_cast %get3A_652 : vector<1x16xf32> to vector<16xf32>
      %get3A_654 = arith.index_cast %scan3A_634 : i32 to index
      %get3A_655 = arith.constant 16 : index
      %get3A_656 = tpu.vector_load %arg11[%get3A_654, %get3A_655] {strides = array<i32>} : memref<128x128xf32, #tpu.memory_space<vmem>>, vector<1x16xf32>,
      %get3A_657 = vector.shape_cast %get3A_656 : vector<1x16xf32> to vector<16xf32>
      %add3A_658 = arith.addf %get3A_653, %get3A_657 : vector<16xf32>
      %mul3A_659 = arith.constant 5.000000e-01 : f32
      %mul3A_660 = vector.broadcast %mul3A_659 : f32 to vector<16xf32>
      %mul3A_661 = arith.mulf %add3A_658, %mul3A_660 : vector<16xf32>
      %swap3A_662 = arith.index_cast %scan3A_634 : i32 to index
      %swap3A_663 = arith.constant 16 : index
      %swap3A_664 = tpu.vector_load %arg8[%swap3A_662, %swap3A_663] {strides = array<i32>} : memref<128x128xf32, #tpu.memory_space<vmem>>, vector<1x16xf32>,
      %swap3A_665 = vector.shape_cast %swap3A_664 : vector<1x16xf32> to vector<16xf32>
      %swap3A_666 = vector.shape_cast %mul3A_661 : vector<16xf32> to vector<1x16xf32>
      tpu.vector_store %arg8[%swap3A_662, %swap3A_663], %swap3A_666 {strides = array<i32>} : memref<128x128xf32, #tpu.memory_space<vmem>>, vector<1x16xf32>,
      %get3A_667 = arith.index_cast %scan3A_634 : i32 to index
      %get3A_668 = arith.constant 32 : index
      %get3A_669 = tpu.vector_load %arg8[%get3A_667, %get3A_668] {strides = array<i32>} : memref<128x128xf32, #tpu.memory_space<vmem>>, vector<1x16xf32>,
      %get3A_670 = vector.shape_cast %get3A_669 : vector<1x16xf32> to vector<16xf32>
      %get3A_671 = arith.index_cast %scan3A_634 : i32 to index
      %get3A_672 = arith.constant 32 : index
      %get3A_673 = tpu.vector_load %arg11[%get3A_671, %get3A_672] {strides = array<i32>} : memref<128x128xf32, #tpu.memory_space<vmem>>, vector<1x16xf32>,
      %get3A_674 = vector.shape_cast %get3A_673 : vector<1x16xf32> to vector<16xf32>
      %add3A_675 = arith.addf %get3A_670, %get3A_674 : vector<16xf32>
      %mul3A_676 = arith.constant 5.000000e-01 : f32
      %mul3A_677 = vector.broadcast %mul3A_676 : f32 to vector<16xf32>
      %mul3A_678 = arith.mulf %add3A_675, %mul3A_677 : vector<16xf32>
      %swap3A_679 = arith.index_cast %scan3A_634 : i32 to index
      %swap3A_680 = arith.constant 32 : index
      %swap3A_681 = tpu.vector_load %arg8[%swap3A_679, %swap3A_680] {strides = array<i32>} : memref<128x128xf32, #tpu.memory_space<vmem>>, vector<1x16xf32>,
      %swap3A_682 = vector.shape_cast %swap3A_681 : vector<1x16xf32> to vector<16xf32>
      %swap3A_683 = vector.shape_cast %mul3A_678 : vector<16xf32> to vector<1x16xf32>
      tpu.vector_store %arg8[%swap3A_679, %swap3A_680], %swap3A_683 {strides = array<i32>} : memref<128x128xf32, #tpu.memory_space<vmem>>, vector<1x16xf32>,
      %get3A_684 = arith.index_cast %scan3A_634 : i32 to index
      %get3A_685 = arith.constant 48 : index
      %get3A_686 = tpu.vector_load %arg8[%get3A_684, %get3A_685] {strides = array<i32>} : memref<128x128xf32, #tpu.memory_space<vmem>>, vector<1x16xf32>,
      %get3A_687 = vector.shape_cast %get3A_686 : vector<1x16xf32> to vector<16xf32>
      %get3A_688 = arith.index_cast %scan3A_634 : i32 to index
      %get3A_689 = arith.constant 48 : index
      %get3A_690 = tpu.vector_load %arg11[%get3A_688, %get3A_689] {strides = array<i32>} : memref<128x128xf32, #tpu.memory_space<vmem>>, vector<1x16xf32>,
      %get3A_691 = vector.shape_cast %get3A_690 : vector<1x16xf32> to vector<16xf32>
      %add3A_692 = arith.addf %get3A_687, %get3A_691 : vector<16xf32>
      %mul3A_693 = arith.constant 5.000000e-01 : f32
      %mul3A_694 = vector.broadcast %mul3A_693 : f32 to vector<16xf32>
      %mul3A_695 = arith.mulf %add3A_692, %mul3A_694 : vector<16xf32>
      %swap3A_696 = arith.index_cast %scan3A_634 : i32 to index
      %swap3A_697 = arith.constant 48 : index
      %swap3A_698 = tpu.vector_load %arg8[%swap3A_696, %swap3A_697] {strides = array<i32>} : memref<128x128xf32, #tpu.memory_space<vmem>>, vector<1x16xf32>,
      %swap3A_699 = vector.shape_cast %swap3A_698 : vector<1x16xf32> to vector<16xf32>
      %swap3A_700 = vector.shape_cast %mul3A_695 : vector<16xf32> to vector<1x16xf32>
      tpu.vector_store %arg8[%swap3A_696, %swap3A_697], %swap3A_700 {strides = array<i32>} : memref<128x128xf32, #tpu.memory_space<vmem>>, vector<1x16xf32>,
      %get3A_701 = arith.index_cast %scan3A_634 : i32 to index
      %get3A_702 = arith.constant 64 : index
      %get3A_703 = tpu.vector_load %arg8[%get3A_701, %get3A_702] {strides = array<i32>} : memref<128x128xf32, #tpu.memory_space<vmem>>, vector<1x16xf32>,
      %get3A_704 = vector.shape_cast %get3A_703 : vector<1x16xf32> to vector<16xf32>
      %get3A_705 = arith.index_cast %scan3A_634 : i32 to index
      %get3A_706 = arith.constant 64 : index
      %get3A_707 = tpu.vector_load %arg11[%get3A_705, %get3A_706] {strides = array<i32>} : memref<128x128xf32, #tpu.memory_space<vmem>>, vector<1x16xf32>,
      %get3A_708 = vector.shape_cast %get3A_707 : vector<1x16xf32> to vector<16xf32>
      %add3A_709 = arith.addf %get3A_704, %get3A_708 : vector<16xf32>
      %mul3A_710 = arith.constant 5.000000e-01 : f32
      %mul3A_711 = vector.broadcast %mul3A_710 : f32 to vector<16xf32>
      %mul3A_712 = arith.mulf %add3A_709, %mul3A_711 : vector<16xf32>
      %swap3A_713 = arith.index_cast %scan3A_634 : i32 to index
      %swap3A_714 = arith.constant 64 : index
      %swap3A_715 = tpu.vector_load %arg8[%swap3A_713, %swap3A_714] {strides = array<i32>} : memref<128x128xf32, #tpu.memory_space<vmem>>, vector<1x16xf32>,
      %swap3A_716 = vector.shape_cast %swap3A_715 : vector<1x16xf32> to vector<16xf32>
      %swap3A_717 = vector.shape_cast %mul3A_712 : vector<16xf32> to vector<1x16xf32>
      tpu.vector_store %arg8[%swap3A_713, %swap3A_714], %swap3A_717 {strides = array<i32>} : memref<128x128xf32, #tpu.memory_space<vmem>>, vector<1x16xf32>,
      %get3A_718 = arith.index_cast %scan3A_634 : i32 to index
      %get3A_719 = arith.constant 80 : index
      %get3A_720 = tpu.vector_load %arg8[%get3A_718, %get3A_719] {strides = array<i32>} : memref<128x128xf32, #tpu.memory_space<vmem>>, vector<1x16xf32>,
      %get3A_721 = vector.shape_cast %get3A_720 : vector<1x16xf32> to vector<16xf32>
      %get3A_722 = arith.index_cast %scan3A_634 : i32 to index
      %get3A_723 = arith.constant 80 : index
      %get3A_724 = tpu.vector_load %arg11[%get3A_722, %get3A_723] {strides = array<i32>} : memref<128x128xf32, #tpu.memory_space<vmem>>, vector<1x16xf32>,
      %get3A_725 = vector.shape_cast %get3A_724 : vector<1x16xf32> to vector<16xf32>
      %add3A_726 = arith.addf %get3A_721, %get3A_725 : vector<16xf32>
      %mul3A_727 = arith.constant 5.000000e-01 : f32
      %mul3A_728 = vector.broadcast %mul3A_727 : f32 to vector<16xf32>
      %mul3A_729 = arith.mulf %add3A_726, %mul3A_728 : vector<16xf32>
      %swap3A_730 = arith.index_cast %scan3A_634 : i32 to index
      %swap3A_731 = arith.constant 80 : index
      %swap3A_732 = tpu.vector_load %arg8[%swap3A_730, %swap3A_731] {strides = array<i32>} : memref<128x128xf32, #tpu.memory_space<vmem>>, vector<1x16xf32>,
      %swap3A_733 = vector.shape_cast %swap3A_732 : vector<1x16xf32> to vector<16xf32>
      %swap3A_734 = vector.shape_cast %mul3A_729 : vector<16xf32> to vector<1x16xf32>
      tpu.vector_store %arg8[%swap3A_730, %swap3A_731], %swap3A_734 {strides = array<i32>} : memref<128x128xf32, #tpu.memory_space<vmem>>, vector<1x16xf32>,
      %get3A_735 = arith.index_cast %scan3A_634 : i32 to index
      %get3A_736 = arith.constant 96 : index
      %get3A_737 = tpu.vector_load %arg8[%get3A_735, %get3A_736] {strides = array<i32>} : memref<128x128xf32, #tpu.memory_space<vmem>>, vector<1x16xf32>,
      %get3A_738 = vector.shape_cast %get3A_737 : vector<1x16xf32> to vector<16xf32>
      %get3A_739 = arith.index_cast %scan3A_634 : i32 to index
      %get3A_740 = arith.constant 96 : index
      %get3A_741 = tpu.vector_load %arg11[%get3A_739, %get3A_740] {strides = array<i32>} : memref<128x128xf32, #tpu.memory_space<vmem>>, vector<1x16xf32>,
      %get3A_742 = vector.shape_cast %get3A_741 : vector<1x16xf32> to vector<16xf32>
      %add3A_743 = arith.addf %get3A_738, %get3A_742 : vector<16xf32>
      %mul3A_744 = arith.constant 5.000000e-01 : f32
      %mul3A_745 = vector.broadcast %mul3A_744 : f32 to vector<16xf32>
      %mul3A_746 = arith.mulf %add3A_743, %mul3A_745 : vector<16xf32>
      %swap3A_747 = arith.index_cast %scan3A_634 : i32 to index
      %swap3A_748 = arith.constant 96 : index
      %swap3A_749 = tpu.vector_load %arg8[%swap3A_747, %swap3A_748] {strides = array<i32>} : memref<128x128xf32, #tpu.memory_space<vmem>>, vector<1x16xf32>,
      %swap3A_750 = vector.shape_cast %swap3A_749 : vector<1x16xf32> to vector<16xf32>
      %swap3A_751 = vector.shape_cast %mul3A_746 : vector<16xf32> to vector<1x16xf32>
      tpu.vector_store %arg8[%swap3A_747, %swap3A_748], %swap3A_751 {strides = array<i32>} : memref<128x128xf32, #tpu.memory_space<vmem>>, vector<1x16xf32>,
      %get3A_752 = arith.index_cast %scan3A_634 : i32 to index
      %get3A_753 = arith.constant 112 : index
      %get3A_754 = tpu.vector_load %arg8[%get3A_752, %get3A_753] {strides = array<i32>} : memref<128x128xf32, #tpu.memory_space<vmem>>, vector<1x16xf32>,
      %get3A_755 = vector.shape_cast %get3A_754 : vector<1x16xf32> to vector<16xf32>
      %get3A_756 = arith.index_cast %scan3A_634 : i32 to index
      %get3A_757 = arith.constant 112 : index
      %get3A_758 = tpu.vector_load %arg11[%get3A_756, %get3A_757] {strides = array<i32>} : memref<128x128xf32, #tpu.memory_space<vmem>>, vector<1x16xf32>,
      %get3A_759 = vector.shape_cast %get3A_758 : vector<1x16xf32> to vector<16xf32>
      %add3A_760 = arith.addf %get3A_755, %get3A_759 : vector<16xf32>
      %mul3A_761 = arith.constant 5.000000e-01 : f32
      %mul3A_762 = vector.broadcast %mul3A_761 : f32 to vector<16xf32>
      %mul3A_763 = arith.mulf %add3A_760, %mul3A_762 : vector<16xf32>
      %swap3A_764 = arith.index_cast %scan3A_634 : i32 to index
      %swap3A_765 = arith.constant 112 : index
      %swap3A_766 = tpu.vector_load %arg8[%swap3A_764, %swap3A_765] {strides = array<i32>} : memref<128x128xf32, #tpu.memory_space<vmem>>, vector<1x16xf32>,
      %swap3A_767 = vector.shape_cast %swap3A_766 : vector<1x16xf32> to vector<16xf32>
      %swap3A_768 = vector.shape_cast %mul3A_763 : vector<16xf32> to vector<1x16xf32>
      tpu.vector_store %arg8[%swap3A_764, %swap3A_765], %swap3A_768 {strides = array<i32>} : memref<128x128xf32, #tpu.memory_space<vmem>>, vector<1x16xf32>,
    }
    %scan3A_489 = arith.constant 128 : i32
    %add3A_490 = arith.constant 65536 : i32
    %add3A_491 = arith.addi %add3A_490, %mul3A_2 : i32
    %add3A_492 = arith.constant 384 : i32
    %add3A_493 = arith.addi %add3A_491, %add3A_492 : i32
    %dma_start3A_494 = arith.constant 0 : i32
    %dma_start3A_495 = tpu.memref_slice %arg5[%add3A_493, %dma_start3A_494] : memref<98304x128xf32, #tpu.memory_space<hbm>> -> memref<128x128xf32, #tpu.memory_space<hbm>>
    %dma_start3A_496 = arith.constant 0 : i32
    %dma_start3A_497 = tpu.memref_slice %arg5[%add3A_493, %dma_start3A_496] : memref<98304x128xf32, #tpu.memory_space<hbm>> -> memref<128x128xf32, #tpu.memory_space<hbm>>
    tpu.enqueue_dma source(%arg8 : memref<128x128xf32, #tpu.memory_space<vmem>>) target(%dma_start3A_497 : memref<128x128xf32, #tpu.memory_space<hbm>>) target_semaphore(%arg17 : memref<!tpu.dma_semaphore, #tpu.memory_space<semaphore_mem>>)
    %dma_wait3A_498 = arith.constant 0 : i32
    %dma_wait3A_499 = tpu.memref_slice %arg5[%add3A_493, %dma_wait3A_498] : memref<98304x128xf32, #tpu.memory_space<hbm>> -> memref<128x128xf32, #tpu.memory_space<hbm>>
    %dma_wait3A_500 = arith.constant 0 : i32
    %dma_wait3A_501 = tpu.memref_slice %arg5[%add3A_493, %dma_wait3A_500] : memref<98304x128xf32, #tpu.memory_space<hbm>> -> memref<128x128xf32, #tpu.memory_space<hbm>>
    tpu.wait_dma2 semaphore(%arg17 : memref<!tpu.dma_semaphore, #tpu.memory_space<semaphore_mem>>) src(%arg8 : memref<128x128xf32, #tpu.memory_space<vmem>>) dst(%dma_wait3A_501 : memref<128x128xf32, #tpu.memory_space<hbm>>)
    %dma_start3A_502 = arith.constant 768 : i32
    %dma_start3A_503 = tpu.memref_slice %arg6[%dma_start3A_502] : memref<1024xi32, #tpu.memory_space<vmem>> -> memref<128xi32, #tpu.memory_space<vmem>>
    %dma_start3A_504 = arith.constant 0 : i32
    %dma_start3A_505 = arith.constant 0 : i32
    %dma_start3A_506 = tpu.memref_slice %arg2[%dma_start3A_504, %dma_start3A_505] : memref<65536x128xf32, #tpu.memory_space<hbm>> -> memref<65536x128xf32, #tpu.memory_space<hbm>>
    tpu.enqueue_indirect_dma source(%dma_start3A_506 : memref<65536x128xf32, #tpu.memory_space<hbm>>) target(%arg8 : memref<128x128xf32, #tpu.memory_space<vmem>>) offsets(%dma_start3A_503 : memref<128xi32, #tpu.memory_space<vmem>>) semaphore(%arg14 : memref<!tpu.dma_semaphore, #tpu.memory_space<semaphore_mem>>)
    %dma_start3A_507 = arith.constant 768 : i32
    %dma_start3A_508 = tpu.memref_slice %arg7[%dma_start3A_507] : memref<1024xi32, #tpu.memory_space<vmem>> -> memref<128xi32, #tpu.memory_space<vmem>>
    %dma_start3A_509 = arith.constant 0 : i32
    %dma_start3A_510 = arith.constant 0 : i32
    %dma_start3A_511 = tpu.memref_slice %arg2[%dma_start3A_509, %dma_start3A_510] : memref<65536x128xf32, #tpu.memory_space<hbm>> -> memref<65536x128xf32, #tpu.memory_space<hbm>>
    tpu.enqueue_indirect_dma source(%dma_start3A_511 : memref<65536x128xf32, #tpu.memory_space<hbm>>) target(%arg11 : memref<128x128xf32, #tpu.memory_space<vmem>>) offsets(%dma_start3A_508 : memref<128xi32, #tpu.memory_space<vmem>>) semaphore(%arg14 : memref<!tpu.dma_semaphore, #tpu.memory_space<semaphore_mem>>)
    %dma_wait3A_512 = arith.constant 512 : i32
    %dma_wait3A_513 = tpu.memref_slice %arg6[%dma_wait3A_512] : memref<1024xi32, #tpu.memory_space<vmem>> -> memref<128xi32, #tpu.memory_space<vmem>>
    %dma_wait3A_514 = arith.constant 0 : i32
    %dma_wait3A_515 = arith.constant 0 : i32
    %dma_wait3A_516 = tpu.memref_slice %arg2[%dma_wait3A_514, %dma_wait3A_515] : memref<65536x128xf32, #tpu.memory_space<hbm>> -> memref<65536x128xf32, #tpu.memory_space<hbm>>
    tpu.wait_indirect_dma semaphore(%arg15 : memref<!tpu.dma_semaphore, #tpu.memory_space<semaphore_mem>>) src(%dma_wait3A_516 : memref<65536x128xf32, #tpu.memory_space<hbm>>) dst(%arg9 : memref<128x128xf32, #tpu.memory_space<vmem>>)
    %dma_wait3A_517 = arith.constant 512 : i32
    %dma_wait3A_518 = tpu.memref_slice %arg7[%dma_wait3A_517] : memref<1024xi32, #tpu.memory_space<vmem>> -> memref<128xi32, #tpu.memory_space<vmem>>
    %dma_wait3A_519 = arith.constant 0 : i32
    %dma_wait3A_520 = arith.constant 0 : i32
    %dma_wait3A_521 = tpu.memref_slice %arg2[%dma_wait3A_519, %dma_wait3A_520] : memref<65536x128xf32, #tpu.memory_space<hbm>> -> memref<65536x128xf32, #tpu.memory_space<hbm>>
    tpu.wait_indirect_dma semaphore(%arg15 : memref<!tpu.dma_semaphore, #tpu.memory_space<semaphore_mem>>) src(%dma_wait3A_521 : memref<65536x128xf32, #tpu.memory_space<hbm>>) dst(%arg12 : memref<128x128xf32, #tpu.memory_space<vmem>>)
    %scan3A_522 = arith.constant 0 : i32
    %scan3A_523 = arith.constant 0 : i32
    %scan3A_524 = arith.constant 128 : i32
    %scan3A_525 = arith.addi %scan3A_523, %scan3A_524 : i32
    %scan3A_526 = arith.constant 1 : i32
    scf.for %scan3A_634 = %scan3A_523 to %scan3A_525 step %scan3A_526  : i32 {
      %get3A = arith.index_cast %scan3A_634 : i32 to index
      %get3A_635 = arith.constant 0 : index
      %get3A_636 = tpu.vector_load %arg9[%get3A, %get3A_635] {strides = array<i32>} : memref<128x128xf32, #tpu.memory_space<vmem>>, vector<1x16xf32>,
      %get3A_637 = vector.shape_cast %get3A_636 : vector<1x16xf32> to vector<16xf32>
      %get3A_638 = arith.index_cast %scan3A_634 : i32 to index
      %get3A_639 = arith.constant 0 : index
      %get3A_640 = tpu.vector_load %arg12[%get3A_638, %get3A_639] {strides = array<i32>} : memref<128x128xf32, #tpu.memory_space<vmem>>, vector<1x16xf32>,
      %get3A_641 = vector.shape_cast %get3A_640 : vector<1x16xf32> to vector<16xf32>
      %add3A_642 = arith.addf %get3A_637, %get3A_641 : vector<16xf32>
      %mul3A_643 = arith.constant 5.000000e-01 : f32
      %mul3A_644 = vector.broadcast %mul3A_643 : f32 to vector<16xf32>
      %mul3A_645 = arith.mulf %add3A_642, %mul3A_644 : vector<16xf32>
      %swap3A = arith.index_cast %scan3A_634 : i32 to index
      %swap3A_646 = arith.constant 0 : index
      %swap3A_647 = tpu.vector_load %arg9[%swap3A, %swap3A_646] {strides = array<i32>} : memref<128x128xf32, #tpu.memory_space<vmem>>, vector<1x16xf32>,
      %swap3A_648 = vector.shape_cast %swap3A_647 : vector<1x16xf32> to vector<16xf32>
      %swap3A_649 = vector.shape_cast %mul3A_645 : vector<16xf32> to vector<1x16xf32>
      tpu.vector_store %arg9[%swap3A, %swap3A_646], %swap3A_649 {strides = array<i32>} : memref<128x128xf32, #tpu.memory_space<vmem>>, vector<1x16xf32>,
      %get3A_650 = arith.index_cast %scan3A_634 : i32 to index
      %get3A_651 = arith.constant 16 : index
      %get3A_652 = tpu.vector_load %arg9[%get3A_650, %get3A_651] {strides = array<i32>} : memref<128x128xf32, #tpu.memory_space<vmem>>, vector<1x16xf32>,
      %get3A_653 = vector.shape_cast %get3A_652 : vector<1x16xf32> to vector<16xf32>
      %get3A_654 = arith.index_cast %scan3A_634 : i32 to index
      %get3A_655 = arith.constant 16 : index
      %get3A_656 = tpu.vector_load %arg12[%get3A_654, %get3A_655] {strides = array<i32>} : memref<128x128xf32, #tpu.memory_space<vmem>>, vector<1x16xf32>,
      %get3A_657 = vector.shape_cast %get3A_656 : vector<1x16xf32> to vector<16xf32>
      %add3A_658 = arith.addf %get3A_653, %get3A_657 : vector<16xf32>
      %mul3A_659 = arith.constant 5.000000e-01 : f32
      %mul3A_660 = vector.broadcast %mul3A_659 : f32 to vector<16xf32>
      %mul3A_661 = arith.mulf %add3A_658, %mul3A_660 : vector<16xf32>
      %swap3A_662 = arith.index_cast %scan3A_634 : i32 to index
      %swap3A_663 = arith.constant 16 : index
      %swap3A_664 = tpu.vector_load %arg9[%swap3A_662, %swap3A_663] {strides = array<i32>} : memref<128x128xf32, #tpu.memory_space<vmem>>, vector<1x16xf32>,
      %swap3A_665 = vector.shape_cast %swap3A_664 : vector<1x16xf32> to vector<16xf32>
      %swap3A_666 = vector.shape_cast %mul3A_661 : vector<16xf32> to vector<1x16xf32>
      tpu.vector_store %arg9[%swap3A_662, %swap3A_663], %swap3A_666 {strides = array<i32>} : memref<128x128xf32, #tpu.memory_space<vmem>>, vector<1x16xf32>,
      %get3A_667 = arith.index_cast %scan3A_634 : i32 to index
      %get3A_668 = arith.constant 32 : index
      %get3A_669 = tpu.vector_load %arg9[%get3A_667, %get3A_668] {strides = array<i32>} : memref<128x128xf32, #tpu.memory_space<vmem>>, vector<1x16xf32>,
      %get3A_670 = vector.shape_cast %get3A_669 : vector<1x16xf32> to vector<16xf32>
      %get3A_671 = arith.index_cast %scan3A_634 : i32 to index
      %get3A_672 = arith.constant 32 : index
      %get3A_673 = tpu.vector_load %arg12[%get3A_671, %get3A_672] {strides = array<i32>} : memref<128x128xf32, #tpu.memory_space<vmem>>, vector<1x16xf32>,
      %get3A_674 = vector.shape_cast %get3A_673 : vector<1x16xf32> to vector<16xf32>
      %add3A_675 = arith.addf %get3A_670, %get3A_674 : vector<16xf32>
      %mul3A_676 = arith.constant 5.000000e-01 : f32
      %mul3A_677 = vector.broadcast %mul3A_676 : f32 to vector<16xf32>
      %mul3A_678 = arith.mulf %add3A_675, %mul3A_677 : vector<16xf32>
      %swap3A_679 = arith.index_cast %scan3A_634 : i32 to index
      %swap3A_680 = arith.constant 32 : index
      %swap3A_681 = tpu.vector_load %arg9[%swap3A_679, %swap3A_680] {strides = array<i32>} : memref<128x128xf32, #tpu.memory_space<vmem>>, vector<1x16xf32>,
      %swap3A_682 = vector.shape_cast %swap3A_681 : vector<1x16xf32> to vector<16xf32>
      %swap3A_683 = vector.shape_cast %mul3A_678 : vector<16xf32> to vector<1x16xf32>
      tpu.vector_store %arg9[%swap3A_679, %swap3A_680], %swap3A_683 {strides = array<i32>} : memref<128x128xf32, #tpu.memory_space<vmem>>, vector<1x16xf32>,
      %get3A_684 = arith.index_cast %scan3A_634 : i32 to index
      %get3A_685 = arith.constant 48 : index
      %get3A_686 = tpu.vector_load %arg9[%get3A_684, %get3A_685] {strides = array<i32>} : memref<128x128xf32, #tpu.memory_space<vmem>>, vector<1x16xf32>,
      %get3A_687 = vector.shape_cast %get3A_686 : vector<1x16xf32> to vector<16xf32>
      %get3A_688 = arith.index_cast %scan3A_634 : i32 to index
      %get3A_689 = arith.constant 48 : index
      %get3A_690 = tpu.vector_load %arg12[%get3A_688, %get3A_689] {strides = array<i32>} : memref<128x128xf32, #tpu.memory_space<vmem>>, vector<1x16xf32>,
      %get3A_691 = vector.shape_cast %get3A_690 : vector<1x16xf32> to vector<16xf32>
      %add3A_692 = arith.addf %get3A_687, %get3A_691 : vector<16xf32>
      %mul3A_693 = arith.constant 5.000000e-01 : f32
      %mul3A_694 = vector.broadcast %mul3A_693 : f32 to vector<16xf32>
      %mul3A_695 = arith.mulf %add3A_692, %mul3A_694 : vector<16xf32>
      %swap3A_696 = arith.index_cast %scan3A_634 : i32 to index
      %swap3A_697 = arith.constant 48 : index
      %swap3A_698 = tpu.vector_load %arg9[%swap3A_696, %swap3A_697] {strides = array<i32>} : memref<128x128xf32, #tpu.memory_space<vmem>>, vector<1x16xf32>,
      %swap3A_699 = vector.shape_cast %swap3A_698 : vector<1x16xf32> to vector<16xf32>
      %swap3A_700 = vector.shape_cast %mul3A_695 : vector<16xf32> to vector<1x16xf32>
      tpu.vector_store %arg9[%swap3A_696, %swap3A_697], %swap3A_700 {strides = array<i32>} : memref<128x128xf32, #tpu.memory_space<vmem>>, vector<1x16xf32>,
      %get3A_701 = arith.index_cast %scan3A_634 : i32 to index
      %get3A_702 = arith.constant 64 : index
      %get3A_703 = tpu.vector_load %arg9[%get3A_701, %get3A_702] {strides = array<i32>} : memref<128x128xf32, #tpu.memory_space<vmem>>, vector<1x16xf32>,
      %get3A_704 = vector.shape_cast %get3A_703 : vector<1x16xf32> to vector<16xf32>
      %get3A_705 = arith.index_cast %scan3A_634 : i32 to index
      %get3A_706 = arith.constant 64 : index
      %get3A_707 = tpu.vector_load %arg12[%get3A_705, %get3A_706] {strides = array<i32>} : memref<128x128xf32, #tpu.memory_space<vmem>>, vector<1x16xf32>,
      %get3A_708 = vector.shape_cast %get3A_707 : vector<1x16xf32> to vector<16xf32>
      %add3A_709 = arith.addf %get3A_704, %get3A_708 : vector<16xf32>
      %mul3A_710 = arith.constant 5.000000e-01 : f32
      %mul3A_711 = vector.broadcast %mul3A_710 : f32 to vector<16xf32>
      %mul3A_712 = arith.mulf %add3A_709, %mul3A_711 : vector<16xf32>
      %swap3A_713 = arith.index_cast %scan3A_634 : i32 to index
      %swap3A_714 = arith.constant 64 : index
      %swap3A_715 = tpu.vector_load %arg9[%swap3A_713, %swap3A_714] {strides = array<i32>} : memref<128x128xf32, #tpu.memory_space<vmem>>, vector<1x16xf32>,
      %swap3A_716 = vector.shape_cast %swap3A_715 : vector<1x16xf32> to vector<16xf32>
      %swap3A_717 = vector.shape_cast %mul3A_712 : vector<16xf32> to vector<1x16xf32>
      tpu.vector_store %arg9[%swap3A_713, %swap3A_714], %swap3A_717 {strides = array<i32>} : memref<128x128xf32, #tpu.memory_space<vmem>>, vector<1x16xf32>,
      %get3A_718 = arith.index_cast %scan3A_634 : i32 to index
      %get3A_719 = arith.constant 80 : index
      %get3A_720 = tpu.vector_load %arg9[%get3A_718, %get3A_719] {strides = array<i32>} : memref<128x128xf32, #tpu.memory_space<vmem>>, vector<1x16xf32>,
      %get3A_721 = vector.shape_cast %get3A_720 : vector<1x16xf32> to vector<16xf32>
      %get3A_722 = arith.index_cast %scan3A_634 : i32 to index
      %get3A_723 = arith.constant 80 : index
      %get3A_724 = tpu.vector_load %arg12[%get3A_722, %get3A_723] {strides = array<i32>} : memref<128x128xf32, #tpu.memory_space<vmem>>, vector<1x16xf32>,
      %get3A_725 = vector.shape_cast %get3A_724 : vector<1x16xf32> to vector<16xf32>
      %add3A_726 = arith.addf %get3A_721, %get3A_725 : vector<16xf32>
      %mul3A_727 = arith.constant 5.000000e-01 : f32
      %mul3A_728 = vector.broadcast %mul3A_727 : f32 to vector<16xf32>
      %mul3A_729 = arith.mulf %add3A_726, %mul3A_728 : vector<16xf32>
      %swap3A_730 = arith.index_cast %scan3A_634 : i32 to index
      %swap3A_731 = arith.constant 80 : index
      %swap3A_732 = tpu.vector_load %arg9[%swap3A_730, %swap3A_731] {strides = array<i32>} : memref<128x128xf32, #tpu.memory_space<vmem>>, vector<1x16xf32>,
      %swap3A_733 = vector.shape_cast %swap3A_732 : vector<1x16xf32> to vector<16xf32>
      %swap3A_734 = vector.shape_cast %mul3A_729 : vector<16xf32> to vector<1x16xf32>
      tpu.vector_store %arg9[%swap3A_730, %swap3A_731], %swap3A_734 {strides = array<i32>} : memref<128x128xf32, #tpu.memory_space<vmem>>, vector<1x16xf32>,
      %get3A_735 = arith.index_cast %scan3A_634 : i32 to index
      %get3A_736 = arith.constant 96 : index
      %get3A_737 = tpu.vector_load %arg9[%get3A_735, %get3A_736] {strides = array<i32>} : memref<128x128xf32, #tpu.memory_space<vmem>>, vector<1x16xf32>,
      %get3A_738 = vector.shape_cast %get3A_737 : vector<1x16xf32> to vector<16xf32>
      %get3A_739 = arith.index_cast %scan3A_634 : i32 to index
      %get3A_740 = arith.constant 96 : index
      %get3A_741 = tpu.vector_load %arg12[%get3A_739, %get3A_740] {strides = array<i32>} : memref<128x128xf32, #tpu.memory_space<vmem>>, vector<1x16xf32>,
      %get3A_742 = vector.shape_cast %get3A_741 : vector<1x16xf32> to vector<16xf32>
      %add3A_743 = arith.addf %get3A_738, %get3A_742 : vector<16xf32>
      %mul3A_744 = arith.constant 5.000000e-01 : f32
      %mul3A_745 = vector.broadcast %mul3A_744 : f32 to vector<16xf32>
      %mul3A_746 = arith.mulf %add3A_743, %mul3A_745 : vector<16xf32>
      %swap3A_747 = arith.index_cast %scan3A_634 : i32 to index
      %swap3A_748 = arith.constant 96 : index
      %swap3A_749 = tpu.vector_load %arg9[%swap3A_747, %swap3A_748] {strides = array<i32>} : memref<128x128xf32, #tpu.memory_space<vmem>>, vector<1x16xf32>,
      %swap3A_750 = vector.shape_cast %swap3A_749 : vector<1x16xf32> to vector<16xf32>
      %swap3A_751 = vector.shape_cast %mul3A_746 : vector<16xf32> to vector<1x16xf32>
      tpu.vector_store %arg9[%swap3A_747, %swap3A_748], %swap3A_751 {strides = array<i32>} : memref<128x128xf32, #tpu.memory_space<vmem>>, vector<1x16xf32>,
      %get3A_752 = arith.index_cast %scan3A_634 : i32 to index
      %get3A_753 = arith.constant 112 : index
      %get3A_754 = tpu.vector_load %arg9[%get3A_752, %get3A_753] {strides = array<i32>} : memref<128x128xf32, #tpu.memory_space<vmem>>, vector<1x16xf32>,
      %get3A_755 = vector.shape_cast %get3A_754 : vector<1x16xf32> to vector<16xf32>
      %get3A_756 = arith.index_cast %scan3A_634 : i32 to index
      %get3A_757 = arith.constant 112 : index
      %get3A_758 = tpu.vector_load %arg12[%get3A_756, %get3A_757] {strides = array<i32>} : memref<128x128xf32, #tpu.memory_space<vmem>>, vector<1x16xf32>,
      %get3A_759 = vector.shape_cast %get3A_758 : vector<1x16xf32> to vector<16xf32>
      %add3A_760 = arith.addf %get3A_755, %get3A_759 : vector<16xf32>
      %mul3A_761 = arith.constant 5.000000e-01 : f32
      %mul3A_762 = vector.broadcast %mul3A_761 : f32 to vector<16xf32>
      %mul3A_763 = arith.mulf %add3A_760, %mul3A_762 : vector<16xf32>
      %swap3A_764 = arith.index_cast %scan3A_634 : i32 to index
      %swap3A_765 = arith.constant 112 : index
      %swap3A_766 = tpu.vector_load %arg9[%swap3A_764, %swap3A_765] {strides = array<i32>} : memref<128x128xf32, #tpu.memory_space<vmem>>, vector<1x16xf32>,
      %swap3A_767 = vector.shape_cast %swap3A_766 : vector<1x16xf32> to vector<16xf32>
      %swap3A_768 = vector.shape_cast %mul3A_763 : vector<16xf32> to vector<1x16xf32>
      tpu.vector_store %arg9[%swap3A_764, %swap3A_765], %swap3A_768 {strides = array<i32>} : memref<128x128xf32, #tpu.memory_space<vmem>>, vector<1x16xf32>,
    }
    %scan3A_527 = arith.constant 128 : i32
    %add3A_528 = arith.constant 65536 : i32
    %add3A_529 = arith.addi %add3A_528, %mul3A_2 : i32
    %add3A_530 = arith.constant 512 : i32
    %add3A_531 = arith.addi %add3A_529, %add3A_530 : i32
    %dma_start3A_532 = arith.constant 0 : i32
    %dma_start3A_533 = tpu.memref_slice %arg5[%add3A_531, %dma_start3A_532] : memref<98304x128xf32, #tpu.memory_space<hbm>> -> memref<128x128xf32, #tpu.memory_space<hbm>>
    %dma_start3A_534 = arith.constant 0 : i32
    %dma_start3A_535 = tpu.memref_slice %arg5[%add3A_531, %dma_start3A_534] : memref<98304x128xf32, #tpu.memory_space<hbm>> -> memref<128x128xf32, #tpu.memory_space<hbm>>
    tpu.enqueue_dma source(%arg9 : memref<128x128xf32, #tpu.memory_space<vmem>>) target(%dma_start3A_535 : memref<128x128xf32, #tpu.memory_space<hbm>>) target_semaphore(%arg18 : memref<!tpu.dma_semaphore, #tpu.memory_space<semaphore_mem>>)
    %dma_wait3A_536 = arith.constant 0 : i32
    %dma_wait3A_537 = tpu.memref_slice %arg5[%add3A_531, %dma_wait3A_536] : memref<98304x128xf32, #tpu.memory_space<hbm>> -> memref<128x128xf32, #tpu.memory_space<hbm>>
    %dma_wait3A_538 = arith.constant 0 : i32
    %dma_wait3A_539 = tpu.memref_slice %arg5[%add3A_531, %dma_wait3A_538] : memref<98304x128xf32, #tpu.memory_space<hbm>> -> memref<128x128xf32, #tpu.memory_space<hbm>>
    tpu.wait_dma2 semaphore(%arg18 : memref<!tpu.dma_semaphore, #tpu.memory_space<semaphore_mem>>) src(%arg9 : memref<128x128xf32, #tpu.memory_space<vmem>>) dst(%dma_wait3A_539 : memref<128x128xf32, #tpu.memory_space<hbm>>)
    %dma_start3A_540 = arith.constant 896 : i32
    %dma_start3A_541 = tpu.memref_slice %arg6[%dma_start3A_540] : memref<1024xi32, #tpu.memory_space<vmem>> -> memref<128xi32, #tpu.memory_space<vmem>>
    %dma_start3A_542 = arith.constant 0 : i32
    %dma_start3A_543 = arith.constant 0 : i32
    %dma_start3A_544 = tpu.memref_slice %arg2[%dma_start3A_542, %dma_start3A_543] : memref<65536x128xf32, #tpu.memory_space<hbm>> -> memref<65536x128xf32, #tpu.memory_space<hbm>>
    tpu.enqueue_indirect_dma source(%dma_start3A_544 : memref<65536x128xf32, #tpu.memory_space<hbm>>) target(%arg9 : memref<128x128xf32, #tpu.memory_space<vmem>>) offsets(%dma_start3A_541 : memref<128xi32, #tpu.memory_space<vmem>>) semaphore(%arg15 : memref<!tpu.dma_semaphore, #tpu.memory_space<semaphore_mem>>)
    %dma_start3A_545 = arith.constant 896 : i32
    %dma_start3A_546 = tpu.memref_slice %arg7[%dma_start3A_545] : memref<1024xi32, #tpu.memory_space<vmem>> -> memref<128xi32, #tpu.memory_space<vmem>>
    %dma_start3A_547 = arith.constant 0 : i32
    %dma_start3A_548 = arith.constant 0 : i32
    %dma_start3A_549 = tpu.memref_slice %arg2[%dma_start3A_547, %dma_start3A_548] : memref<65536x128xf32, #tpu.memory_space<hbm>> -> memref<65536x128xf32, #tpu.memory_space<hbm>>
    tpu.enqueue_indirect_dma source(%dma_start3A_549 : memref<65536x128xf32, #tpu.memory_space<hbm>>) target(%arg12 : memref<128x128xf32, #tpu.memory_space<vmem>>) offsets(%dma_start3A_546 : memref<128xi32, #tpu.memory_space<vmem>>) semaphore(%arg15 : memref<!tpu.dma_semaphore, #tpu.memory_space<semaphore_mem>>)
    %dma_wait3A_550 = arith.constant 640 : i32
    %dma_wait3A_551 = tpu.memref_slice %arg6[%dma_wait3A_550] : memref<1024xi32, #tpu.memory_space<vmem>> -> memref<128xi32, #tpu.memory_space<vmem>>
    %dma_wait3A_552 = arith.constant 0 : i32
    %dma_wait3A_553 = arith.constant 0 : i32
    %dma_wait3A_554 = tpu.memref_slice %arg2[%dma_wait3A_552, %dma_wait3A_553] : memref<65536x128xf32, #tpu.memory_space<hbm>> -> memref<65536x128xf32, #tpu.memory_space<hbm>>
    tpu.wait_indirect_dma semaphore(%arg16 : memref<!tpu.dma_semaphore, #tpu.memory_space<semaphore_mem>>) src(%dma_wait3A_554 : memref<65536x128xf32, #tpu.memory_space<hbm>>) dst(%arg10 : memref<128x128xf32, #tpu.memory_space<vmem>>)
    %dma_wait3A_555 = arith.constant 640 : i32
    %dma_wait3A_556 = tpu.memref_slice %arg7[%dma_wait3A_555] : memref<1024xi32, #tpu.memory_space<vmem>> -> memref<128xi32, #tpu.memory_space<vmem>>
    %dma_wait3A_557 = arith.constant 0 : i32
    %dma_wait3A_558 = arith.constant 0 : i32
    %dma_wait3A_559 = tpu.memref_slice %arg2[%dma_wait3A_557, %dma_wait3A_558] : memref<65536x128xf32, #tpu.memory_space<hbm>> -> memref<65536x128xf32, #tpu.memory_space<hbm>>
    tpu.wait_indirect_dma semaphore(%arg16 : memref<!tpu.dma_semaphore, #tpu.memory_space<semaphore_mem>>) src(%dma_wait3A_559 : memref<65536x128xf32, #tpu.memory_space<hbm>>) dst(%arg13 : memref<128x128xf32, #tpu.memory_space<vmem>>)
    %scan3A_560 = arith.constant 0 : i32
    %scan3A_561 = arith.constant 0 : i32
    %scan3A_562 = arith.constant 128 : i32
    %scan3A_563 = arith.addi %scan3A_561, %scan3A_562 : i32
    %scan3A_564 = arith.constant 1 : i32
    scf.for %scan3A_634 = %scan3A_561 to %scan3A_563 step %scan3A_564  : i32 {
      %get3A = arith.index_cast %scan3A_634 : i32 to index
      %get3A_635 = arith.constant 0 : index
      %get3A_636 = tpu.vector_load %arg10[%get3A, %get3A_635] {strides = array<i32>} : memref<128x128xf32, #tpu.memory_space<vmem>>, vector<1x16xf32>,
      %get3A_637 = vector.shape_cast %get3A_636 : vector<1x16xf32> to vector<16xf32>
      %get3A_638 = arith.index_cast %scan3A_634 : i32 to index
      %get3A_639 = arith.constant 0 : index
      %get3A_640 = tpu.vector_load %arg13[%get3A_638, %get3A_639] {strides = array<i32>} : memref<128x128xf32, #tpu.memory_space<vmem>>, vector<1x16xf32>,
      %get3A_641 = vector.shape_cast %get3A_640 : vector<1x16xf32> to vector<16xf32>
      %add3A_642 = arith.addf %get3A_637, %get3A_641 : vector<16xf32>
      %mul3A_643 = arith.constant 5.000000e-01 : f32
      %mul3A_644 = vector.broadcast %mul3A_643 : f32 to vector<16xf32>
      %mul3A_645 = arith.mulf %add3A_642, %mul3A_644 : vector<16xf32>
      %swap3A = arith.index_cast %scan3A_634 : i32 to index
      %swap3A_646 = arith.constant 0 : index
      %swap3A_647 = tpu.vector_load %arg10[%swap3A, %swap3A_646] {strides = array<i32>} : memref<128x128xf32, #tpu.memory_space<vmem>>, vector<1x16xf32>,
      %swap3A_648 = vector.shape_cast %swap3A_647 : vector<1x16xf32> to vector<16xf32>
      %swap3A_649 = vector.shape_cast %mul3A_645 : vector<16xf32> to vector<1x16xf32>
      tpu.vector_store %arg10[%swap3A, %swap3A_646], %swap3A_649 {strides = array<i32>} : memref<128x128xf32, #tpu.memory_space<vmem>>, vector<1x16xf32>,
      %get3A_650 = arith.index_cast %scan3A_634 : i32 to index
      %get3A_651 = arith.constant 16 : index
      %get3A_652 = tpu.vector_load %arg10[%get3A_650, %get3A_651] {strides = array<i32>} : memref<128x128xf32, #tpu.memory_space<vmem>>, vector<1x16xf32>,
      %get3A_653 = vector.shape_cast %get3A_652 : vector<1x16xf32> to vector<16xf32>
      %get3A_654 = arith.index_cast %scan3A_634 : i32 to index
      %get3A_655 = arith.constant 16 : index
      %get3A_656 = tpu.vector_load %arg13[%get3A_654, %get3A_655] {strides = array<i32>} : memref<128x128xf32, #tpu.memory_space<vmem>>, vector<1x16xf32>,
      %get3A_657 = vector.shape_cast %get3A_656 : vector<1x16xf32> to vector<16xf32>
      %add3A_658 = arith.addf %get3A_653, %get3A_657 : vector<16xf32>
      %mul3A_659 = arith.constant 5.000000e-01 : f32
      %mul3A_660 = vector.broadcast %mul3A_659 : f32 to vector<16xf32>
      %mul3A_661 = arith.mulf %add3A_658, %mul3A_660 : vector<16xf32>
      %swap3A_662 = arith.index_cast %scan3A_634 : i32 to index
      %swap3A_663 = arith.constant 16 : index
      %swap3A_664 = tpu.vector_load %arg10[%swap3A_662, %swap3A_663] {strides = array<i32>} : memref<128x128xf32, #tpu.memory_space<vmem>>, vector<1x16xf32>,
      %swap3A_665 = vector.shape_cast %swap3A_664 : vector<1x16xf32> to vector<16xf32>
      %swap3A_666 = vector.shape_cast %mul3A_661 : vector<16xf32> to vector<1x16xf32>
      tpu.vector_store %arg10[%swap3A_662, %swap3A_663], %swap3A_666 {strides = array<i32>} : memref<128x128xf32, #tpu.memory_space<vmem>>, vector<1x16xf32>,
      %get3A_667 = arith.index_cast %scan3A_634 : i32 to index
      %get3A_668 = arith.constant 32 : index
      %get3A_669 = tpu.vector_load %arg10[%get3A_667, %get3A_668] {strides = array<i32>} : memref<128x128xf32, #tpu.memory_space<vmem>>, vector<1x16xf32>,
      %get3A_670 = vector.shape_cast %get3A_669 : vector<1x16xf32> to vector<16xf32>
      %get3A_671 = arith.index_cast %scan3A_634 : i32 to index
      %get3A_672 = arith.constant 32 : index
      %get3A_673 = tpu.vector_load %arg13[%get3A_671, %get3A_672] {strides = array<i32>} : memref<128x128xf32, #tpu.memory_space<vmem>>, vector<1x16xf32>,
      %get3A_674 = vector.shape_cast %get3A_673 : vector<1x16xf32> to vector<16xf32>
      %add3A_675 = arith.addf %get3A_670, %get3A_674 : vector<16xf32>
      %mul3A_676 = arith.constant 5.000000e-01 : f32
      %mul3A_677 = vector.broadcast %mul3A_676 : f32 to vector<16xf32>
      %mul3A_678 = arith.mulf %add3A_675, %mul3A_677 : vector<16xf32>
      %swap3A_679 = arith.index_cast %scan3A_634 : i32 to index
      %swap3A_680 = arith.constant 32 : index
      %swap3A_681 = tpu.vector_load %arg10[%swap3A_679, %swap3A_680] {strides = array<i32>} : memref<128x128xf32, #tpu.memory_space<vmem>>, vector<1x16xf32>,
      %swap3A_682 = vector.shape_cast %swap3A_681 : vector<1x16xf32> to vector<16xf32>
      %swap3A_683 = vector.shape_cast %mul3A_678 : vector<16xf32> to vector<1x16xf32>
      tpu.vector_store %arg10[%swap3A_679, %swap3A_680], %swap3A_683 {strides = array<i32>} : memref<128x128xf32, #tpu.memory_space<vmem>>, vector<1x16xf32>,
      %get3A_684 = arith.index_cast %scan3A_634 : i32 to index
      %get3A_685 = arith.constant 48 : index
      %get3A_686 = tpu.vector_load %arg10[%get3A_684, %get3A_685] {strides = array<i32>} : memref<128x128xf32, #tpu.memory_space<vmem>>, vector<1x16xf32>,
      %get3A_687 = vector.shape_cast %get3A_686 : vector<1x16xf32> to vector<16xf32>
      %get3A_688 = arith.index_cast %scan3A_634 : i32 to index
      %get3A_689 = arith.constant 48 : index
      %get3A_690 = tpu.vector_load %arg13[%get3A_688, %get3A_689] {strides = array<i32>} : memref<128x128xf32, #tpu.memory_space<vmem>>, vector<1x16xf32>,
      %get3A_691 = vector.shape_cast %get3A_690 : vector<1x16xf32> to vector<16xf32>
      %add3A_692 = arith.addf %get3A_687, %get3A_691 : vector<16xf32>
      %mul3A_693 = arith.constant 5.000000e-01 : f32
      %mul3A_694 = vector.broadcast %mul3A_693 : f32 to vector<16xf32>
      %mul3A_695 = arith.mulf %add3A_692, %mul3A_694 : vector<16xf32>
      %swap3A_696 = arith.index_cast %scan3A_634 : i32 to index
      %swap3A_697 = arith.constant 48 : index
      %swap3A_698 = tpu.vector_load %arg10[%swap3A_696, %swap3A_697] {strides = array<i32>} : memref<128x128xf32, #tpu.memory_space<vmem>>, vector<1x16xf32>,
      %swap3A_699 = vector.shape_cast %swap3A_698 : vector<1x16xf32> to vector<16xf32>
      %swap3A_700 = vector.shape_cast %mul3A_695 : vector<16xf32> to vector<1x16xf32>
      tpu.vector_store %arg10[%swap3A_696, %swap3A_697], %swap3A_700 {strides = array<i32>} : memref<128x128xf32, #tpu.memory_space<vmem>>, vector<1x16xf32>,
      %get3A_701 = arith.index_cast %scan3A_634 : i32 to index
      %get3A_702 = arith.constant 64 : index
      %get3A_703 = tpu.vector_load %arg10[%get3A_701, %get3A_702] {strides = array<i32>} : memref<128x128xf32, #tpu.memory_space<vmem>>, vector<1x16xf32>,
      %get3A_704 = vector.shape_cast %get3A_703 : vector<1x16xf32> to vector<16xf32>
      %get3A_705 = arith.index_cast %scan3A_634 : i32 to index
      %get3A_706 = arith.constant 64 : index
      %get3A_707 = tpu.vector_load %arg13[%get3A_705, %get3A_706] {strides = array<i32>} : memref<128x128xf32, #tpu.memory_space<vmem>>, vector<1x16xf32>,
      %get3A_708 = vector.shape_cast %get3A_707 : vector<1x16xf32> to vector<16xf32>
      %add3A_709 = arith.addf %get3A_704, %get3A_708 : vector<16xf32>
      %mul3A_710 = arith.constant 5.000000e-01 : f32
      %mul3A_711 = vector.broadcast %mul3A_710 : f32 to vector<16xf32>
      %mul3A_712 = arith.mulf %add3A_709, %mul3A_711 : vector<16xf32>
      %swap3A_713 = arith.index_cast %scan3A_634 : i32 to index
      %swap3A_714 = arith.constant 64 : index
      %swap3A_715 = tpu.vector_load %arg10[%swap3A_713, %swap3A_714] {strides = array<i32>} : memref<128x128xf32, #tpu.memory_space<vmem>>, vector<1x16xf32>,
      %swap3A_716 = vector.shape_cast %swap3A_715 : vector<1x16xf32> to vector<16xf32>
      %swap3A_717 = vector.shape_cast %mul3A_712 : vector<16xf32> to vector<1x16xf32>
      tpu.vector_store %arg10[%swap3A_713, %swap3A_714], %swap3A_717 {strides = array<i32>} : memref<128x128xf32, #tpu.memory_space<vmem>>, vector<1x16xf32>,
      %get3A_718 = arith.index_cast %scan3A_634 : i32 to index
      %get3A_719 = arith.constant 80 : index
      %get3A_720 = tpu.vector_load %arg10[%get3A_718, %get3A_719] {strides = array<i32>} : memref<128x128xf32, #tpu.memory_space<vmem>>, vector<1x16xf32>,
      %get3A_721 = vector.shape_cast %get3A_720 : vector<1x16xf32> to vector<16xf32>
      %get3A_722 = arith.index_cast %scan3A_634 : i32 to index
      %get3A_723 = arith.constant 80 : index
      %get3A_724 = tpu.vector_load %arg13[%get3A_722, %get3A_723] {strides = array<i32>} : memref<128x128xf32, #tpu.memory_space<vmem>>, vector<1x16xf32>,
      %get3A_725 = vector.shape_cast %get3A_724 : vector<1x16xf32> to vector<16xf32>
      %add3A_726 = arith.addf %get3A_721, %get3A_725 : vector<16xf32>
      %mul3A_727 = arith.constant 5.000000e-01 : f32
      %mul3A_728 = vector.broadcast %mul3A_727 : f32 to vector<16xf32>
      %mul3A_729 = arith.mulf %add3A_726, %mul3A_728 : vector<16xf32>
      %swap3A_730 = arith.index_cast %scan3A_634 : i32 to index
      %swap3A_731 = arith.constant 80 : index
      %swap3A_732 = tpu.vector_load %arg10[%swap3A_730, %swap3A_731] {strides = array<i32>} : memref<128x128xf32, #tpu.memory_space<vmem>>, vector<1x16xf32>,
      %swap3A_733 = vector.shape_cast %swap3A_732 : vector<1x16xf32> to vector<16xf32>
      %swap3A_734 = vector.shape_cast %mul3A_729 : vector<16xf32> to vector<1x16xf32>
      tpu.vector_store %arg10[%swap3A_730, %swap3A_731], %swap3A_734 {strides = array<i32>} : memref<128x128xf32, #tpu.memory_space<vmem>>, vector<1x16xf32>,
      %get3A_735 = arith.index_cast %scan3A_634 : i32 to index
      %get3A_736 = arith.constant 96 : index
      %get3A_737 = tpu.vector_load %arg10[%get3A_735, %get3A_736] {strides = array<i32>} : memref<128x128xf32, #tpu.memory_space<vmem>>, vector<1x16xf32>,
      %get3A_738 = vector.shape_cast %get3A_737 : vector<1x16xf32> to vector<16xf32>
      %get3A_739 = arith.index_cast %scan3A_634 : i32 to index
      %get3A_740 = arith.constant 96 : index
      %get3A_741 = tpu.vector_load %arg13[%get3A_739, %get3A_740] {strides = array<i32>} : memref<128x128xf32, #tpu.memory_space<vmem>>, vector<1x16xf32>,
      %get3A_742 = vector.shape_cast %get3A_741 : vector<1x16xf32> to vector<16xf32>
      %add3A_743 = arith.addf %get3A_738, %get3A_742 : vector<16xf32>
      %mul3A_744 = arith.constant 5.000000e-01 : f32
      %mul3A_745 = vector.broadcast %mul3A_744 : f32 to vector<16xf32>
      %mul3A_746 = arith.mulf %add3A_743, %mul3A_745 : vector<16xf32>
      %swap3A_747 = arith.index_cast %scan3A_634 : i32 to index
      %swap3A_748 = arith.constant 96 : index
      %swap3A_749 = tpu.vector_load %arg10[%swap3A_747, %swap3A_748] {strides = array<i32>} : memref<128x128xf32, #tpu.memory_space<vmem>>, vector<1x16xf32>,
      %swap3A_750 = vector.shape_cast %swap3A_749 : vector<1x16xf32> to vector<16xf32>
      %swap3A_751 = vector.shape_cast %mul3A_746 : vector<16xf32> to vector<1x16xf32>
      tpu.vector_store %arg10[%swap3A_747, %swap3A_748], %swap3A_751 {strides = array<i32>} : memref<128x128xf32, #tpu.memory_space<vmem>>, vector<1x16xf32>,
      %get3A_752 = arith.index_cast %scan3A_634 : i32 to index
      %get3A_753 = arith.constant 112 : index
      %get3A_754 = tpu.vector_load %arg10[%get3A_752, %get3A_753] {strides = array<i32>} : memref<128x128xf32, #tpu.memory_space<vmem>>, vector<1x16xf32>,
      %get3A_755 = vector.shape_cast %get3A_754 : vector<1x16xf32> to vector<16xf32>
      %get3A_756 = arith.index_cast %scan3A_634 : i32 to index
      %get3A_757 = arith.constant 112 : index
      %get3A_758 = tpu.vector_load %arg13[%get3A_756, %get3A_757] {strides = array<i32>} : memref<128x128xf32, #tpu.memory_space<vmem>>, vector<1x16xf32>,
      %get3A_759 = vector.shape_cast %get3A_758 : vector<1x16xf32> to vector<16xf32>
      %add3A_760 = arith.addf %get3A_755, %get3A_759 : vector<16xf32>
      %mul3A_761 = arith.constant 5.000000e-01 : f32
      %mul3A_762 = vector.broadcast %mul3A_761 : f32 to vector<16xf32>
      %mul3A_763 = arith.mulf %add3A_760, %mul3A_762 : vector<16xf32>
      %swap3A_764 = arith.index_cast %scan3A_634 : i32 to index
      %swap3A_765 = arith.constant 112 : index
      %swap3A_766 = tpu.vector_load %arg10[%swap3A_764, %swap3A_765] {strides = array<i32>} : memref<128x128xf32, #tpu.memory_space<vmem>>, vector<1x16xf32>,
      %swap3A_767 = vector.shape_cast %swap3A_766 : vector<1x16xf32> to vector<16xf32>
      %swap3A_768 = vector.shape_cast %mul3A_763 : vector<16xf32> to vector<1x16xf32>
      tpu.vector_store %arg10[%swap3A_764, %swap3A_765], %swap3A_768 {strides = array<i32>} : memref<128x128xf32, #tpu.memory_space<vmem>>, vector<1x16xf32>,
    }
    %scan3A_565 = arith.constant 128 : i32
    %add3A_566 = arith.constant 65536 : i32
    %add3A_567 = arith.addi %add3A_566, %mul3A_2 : i32
    %add3A_568 = arith.constant 640 : i32
    %add3A_569 = arith.addi %add3A_567, %add3A_568 : i32
    %dma_start3A_570 = arith.constant 0 : i32
    %dma_start3A_571 = tpu.memref_slice %arg5[%add3A_569, %dma_start3A_570] : memref<98304x128xf32, #tpu.memory_space<hbm>> -> memref<128x128xf32, #tpu.memory_space<hbm>>
    %dma_start3A_572 = arith.constant 0 : i32
    %dma_start3A_573 = tpu.memref_slice %arg5[%add3A_569, %dma_start3A_572] : memref<98304x128xf32, #tpu.memory_space<hbm>> -> memref<128x128xf32, #tpu.memory_space<hbm>>
    tpu.enqueue_dma source(%arg10 : memref<128x128xf32, #tpu.memory_space<vmem>>) target(%dma_start3A_573 : memref<128x128xf32, #tpu.memory_space<hbm>>) target_semaphore(%arg19 : memref<!tpu.dma_semaphore, #tpu.memory_space<semaphore_mem>>)
    %dma_wait3A_574 = arith.constant 768 : i32
    %dma_wait3A_575 = tpu.memref_slice %arg6[%dma_wait3A_574] : memref<1024xi32, #tpu.memory_space<vmem>> -> memref<128xi32, #tpu.memory_space<vmem>>
    %dma_wait3A_576 = arith.constant 0 : i32
    %dma_wait3A_577 = arith.constant 0 : i32
    %dma_wait3A_578 = tpu.memref_slice %arg2[%dma_wait3A_576, %dma_wait3A_577] : memref<65536x128xf32, #tpu.memory_space<hbm>> -> memref<65536x128xf32, #tpu.memory_space<hbm>>
    tpu.wait_indirect_dma semaphore(%arg14 : memref<!tpu.dma_semaphore, #tpu.memory_space<semaphore_mem>>) src(%dma_wait3A_578 : memref<65536x128xf32, #tpu.memory_space<hbm>>) dst(%arg8 : memref<128x128xf32, #tpu.memory_space<vmem>>)
    %dma_wait3A_579 = arith.constant 768 : i32
    %dma_wait3A_580 = tpu.memref_slice %arg7[%dma_wait3A_579] : memref<1024xi32, #tpu.memory_space<vmem>> -> memref<128xi32, #tpu.memory_space<vmem>>
    %dma_wait3A_581 = arith.constant 0 : i32
    %dma_wait3A_582 = arith.constant 0 : i32
    %dma_wait3A_583 = tpu.memref_slice %arg2[%dma_wait3A_581, %dma_wait3A_582] : memref<65536x128xf32, #tpu.memory_space<hbm>> -> memref<65536x128xf32, #tpu.memory_space<hbm>>
    tpu.wait_indirect_dma semaphore(%arg14 : memref<!tpu.dma_semaphore, #tpu.memory_space<semaphore_mem>>) src(%dma_wait3A_583 : memref<65536x128xf32, #tpu.memory_space<hbm>>) dst(%arg11 : memref<128x128xf32, #tpu.memory_space<vmem>>)
    %scan3A_584 = arith.constant 0 : i32
    %scan3A_585 = arith.constant 0 : i32
    %scan3A_586 = arith.constant 128 : i32
    %scan3A_587 = arith.addi %scan3A_585, %scan3A_586 : i32
    %scan3A_588 = arith.constant 1 : i32
    scf.for %scan3A_634 = %scan3A_585 to %scan3A_587 step %scan3A_588  : i32 {
      %get3A = arith.index_cast %scan3A_634 : i32 to index
      %get3A_635 = arith.constant 0 : index
      %get3A_636 = tpu.vector_load %arg8[%get3A, %get3A_635] {strides = array<i32>} : memref<128x128xf32, #tpu.memory_space<vmem>>, vector<1x16xf32>,
      %get3A_637 = vector.shape_cast %get3A_636 : vector<1x16xf32> to vector<16xf32>
      %get3A_638 = arith.index_cast %scan3A_634 : i32 to index
      %get3A_639 = arith.constant 0 : index
      %get3A_640 = tpu.vector_load %arg11[%get3A_638, %get3A_639] {strides = array<i32>} : memref<128x128xf32, #tpu.memory_space<vmem>>, vector<1x16xf32>,
      %get3A_641 = vector.shape_cast %get3A_640 : vector<1x16xf32> to vector<16xf32>
      %add3A_642 = arith.addf %get3A_637, %get3A_641 : vector<16xf32>
      %mul3A_643 = arith.constant 5.000000e-01 : f32
      %mul3A_644 = vector.broadcast %mul3A_643 : f32 to vector<16xf32>
      %mul3A_645 = arith.mulf %add3A_642, %mul3A_644 : vector<16xf32>
      %swap3A = arith.index_cast %scan3A_634 : i32 to index
      %swap3A_646 = arith.constant 0 : index
      %swap3A_647 = tpu.vector_load %arg8[%swap3A, %swap3A_646] {strides = array<i32>} : memref<128x128xf32, #tpu.memory_space<vmem>>, vector<1x16xf32>,
      %swap3A_648 = vector.shape_cast %swap3A_647 : vector<1x16xf32> to vector<16xf32>
      %swap3A_649 = vector.shape_cast %mul3A_645 : vector<16xf32> to vector<1x16xf32>
      tpu.vector_store %arg8[%swap3A, %swap3A_646], %swap3A_649 {strides = array<i32>} : memref<128x128xf32, #tpu.memory_space<vmem>>, vector<1x16xf32>,
      %get3A_650 = arith.index_cast %scan3A_634 : i32 to index
      %get3A_651 = arith.constant 16 : index
      %get3A_652 = tpu.vector_load %arg8[%get3A_650, %get3A_651] {strides = array<i32>} : memref<128x128xf32, #tpu.memory_space<vmem>>, vector<1x16xf32>,
      %get3A_653 = vector.shape_cast %get3A_652 : vector<1x16xf32> to vector<16xf32>
      %get3A_654 = arith.index_cast %scan3A_634 : i32 to index
      %get3A_655 = arith.constant 16 : index
      %get3A_656 = tpu.vector_load %arg11[%get3A_654, %get3A_655] {strides = array<i32>} : memref<128x128xf32, #tpu.memory_space<vmem>>, vector<1x16xf32>,
      %get3A_657 = vector.shape_cast %get3A_656 : vector<1x16xf32> to vector<16xf32>
      %add3A_658 = arith.addf %get3A_653, %get3A_657 : vector<16xf32>
      %mul3A_659 = arith.constant 5.000000e-01 : f32
      %mul3A_660 = vector.broadcast %mul3A_659 : f32 to vector<16xf32>
      %mul3A_661 = arith.mulf %add3A_658, %mul3A_660 : vector<16xf32>
      %swap3A_662 = arith.index_cast %scan3A_634 : i32 to index
      %swap3A_663 = arith.constant 16 : index
      %swap3A_664 = tpu.vector_load %arg8[%swap3A_662, %swap3A_663] {strides = array<i32>} : memref<128x128xf32, #tpu.memory_space<vmem>>, vector<1x16xf32>,
      %swap3A_665 = vector.shape_cast %swap3A_664 : vector<1x16xf32> to vector<16xf32>
      %swap3A_666 = vector.shape_cast %mul3A_661 : vector<16xf32> to vector<1x16xf32>
      tpu.vector_store %arg8[%swap3A_662, %swap3A_663], %swap3A_666 {strides = array<i32>} : memref<128x128xf32, #tpu.memory_space<vmem>>, vector<1x16xf32>,
      %get3A_667 = arith.index_cast %scan3A_634 : i32 to index
      %get3A_668 = arith.constant 32 : index
      %get3A_669 = tpu.vector_load %arg8[%get3A_667, %get3A_668] {strides = array<i32>} : memref<128x128xf32, #tpu.memory_space<vmem>>, vector<1x16xf32>,
      %get3A_670 = vector.shape_cast %get3A_669 : vector<1x16xf32> to vector<16xf32>
      %get3A_671 = arith.index_cast %scan3A_634 : i32 to index
      %get3A_672 = arith.constant 32 : index
      %get3A_673 = tpu.vector_load %arg11[%get3A_671, %get3A_672] {strides = array<i32>} : memref<128x128xf32, #tpu.memory_space<vmem>>, vector<1x16xf32>,
      %get3A_674 = vector.shape_cast %get3A_673 : vector<1x16xf32> to vector<16xf32>
      %add3A_675 = arith.addf %get3A_670, %get3A_674 : vector<16xf32>
      %mul3A_676 = arith.constant 5.000000e-01 : f32
      %mul3A_677 = vector.broadcast %mul3A_676 : f32 to vector<16xf32>
      %mul3A_678 = arith.mulf %add3A_675, %mul3A_677 : vector<16xf32>
      %swap3A_679 = arith.index_cast %scan3A_634 : i32 to index
      %swap3A_680 = arith.constant 32 : index
      %swap3A_681 = tpu.vector_load %arg8[%swap3A_679, %swap3A_680] {strides = array<i32>} : memref<128x128xf32, #tpu.memory_space<vmem>>, vector<1x16xf32>,
      %swap3A_682 = vector.shape_cast %swap3A_681 : vector<1x16xf32> to vector<16xf32>
      %swap3A_683 = vector.shape_cast %mul3A_678 : vector<16xf32> to vector<1x16xf32>
      tpu.vector_store %arg8[%swap3A_679, %swap3A_680], %swap3A_683 {strides = array<i32>} : memref<128x128xf32, #tpu.memory_space<vmem>>, vector<1x16xf32>,
      %get3A_684 = arith.index_cast %scan3A_634 : i32 to index
      %get3A_685 = arith.constant 48 : index
      %get3A_686 = tpu.vector_load %arg8[%get3A_684, %get3A_685] {strides = array<i32>} : memref<128x128xf32, #tpu.memory_space<vmem>>, vector<1x16xf32>,
      %get3A_687 = vector.shape_cast %get3A_686 : vector<1x16xf32> to vector<16xf32>
      %get3A_688 = arith.index_cast %scan3A_634 : i32 to index
      %get3A_689 = arith.constant 48 : index
      %get3A_690 = tpu.vector_load %arg11[%get3A_688, %get3A_689] {strides = array<i32>} : memref<128x128xf32, #tpu.memory_space<vmem>>, vector<1x16xf32>,
      %get3A_691 = vector.shape_cast %get3A_690 : vector<1x16xf32> to vector<16xf32>
      %add3A_692 = arith.addf %get3A_687, %get3A_691 : vector<16xf32>
      %mul3A_693 = arith.constant 5.000000e-01 : f32
      %mul3A_694 = vector.broadcast %mul3A_693 : f32 to vector<16xf32>
      %mul3A_695 = arith.mulf %add3A_692, %mul3A_694 : vector<16xf32>
      %swap3A_696 = arith.index_cast %scan3A_634 : i32 to index
      %swap3A_697 = arith.constant 48 : index
      %swap3A_698 = tpu.vector_load %arg8[%swap3A_696, %swap3A_697] {strides = array<i32>} : memref<128x128xf32, #tpu.memory_space<vmem>>, vector<1x16xf32>,
      %swap3A_699 = vector.shape_cast %swap3A_698 : vector<1x16xf32> to vector<16xf32>
      %swap3A_700 = vector.shape_cast %mul3A_695 : vector<16xf32> to vector<1x16xf32>
      tpu.vector_store %arg8[%swap3A_696, %swap3A_697], %swap3A_700 {strides = array<i32>} : memref<128x128xf32, #tpu.memory_space<vmem>>, vector<1x16xf32>,
      %get3A_701 = arith.index_cast %scan3A_634 : i32 to index
      %get3A_702 = arith.constant 64 : index
      %get3A_703 = tpu.vector_load %arg8[%get3A_701, %get3A_702] {strides = array<i32>} : memref<128x128xf32, #tpu.memory_space<vmem>>, vector<1x16xf32>,
      %get3A_704 = vector.shape_cast %get3A_703 : vector<1x16xf32> to vector<16xf32>
      %get3A_705 = arith.index_cast %scan3A_634 : i32 to index
      %get3A_706 = arith.constant 64 : index
      %get3A_707 = tpu.vector_load %arg11[%get3A_705, %get3A_706] {strides = array<i32>} : memref<128x128xf32, #tpu.memory_space<vmem>>, vector<1x16xf32>,
      %get3A_708 = vector.shape_cast %get3A_707 : vector<1x16xf32> to vector<16xf32>
      %add3A_709 = arith.addf %get3A_704, %get3A_708 : vector<16xf32>
      %mul3A_710 = arith.constant 5.000000e-01 : f32
      %mul3A_711 = vector.broadcast %mul3A_710 : f32 to vector<16xf32>
      %mul3A_712 = arith.mulf %add3A_709, %mul3A_711 : vector<16xf32>
      %swap3A_713 = arith.index_cast %scan3A_634 : i32 to index
      %swap3A_714 = arith.constant 64 : index
      %swap3A_715 = tpu.vector_load %arg8[%swap3A_713, %swap3A_714] {strides = array<i32>} : memref<128x128xf32, #tpu.memory_space<vmem>>, vector<1x16xf32>,
      %swap3A_716 = vector.shape_cast %swap3A_715 : vector<1x16xf32> to vector<16xf32>
      %swap3A_717 = vector.shape_cast %mul3A_712 : vector<16xf32> to vector<1x16xf32>
      tpu.vector_store %arg8[%swap3A_713, %swap3A_714], %swap3A_717 {strides = array<i32>} : memref<128x128xf32, #tpu.memory_space<vmem>>, vector<1x16xf32>,
      %get3A_718 = arith.index_cast %scan3A_634 : i32 to index
      %get3A_719 = arith.constant 80 : index
      %get3A_720 = tpu.vector_load %arg8[%get3A_718, %get3A_719] {strides = array<i32>} : memref<128x128xf32, #tpu.memory_space<vmem>>, vector<1x16xf32>,
      %get3A_721 = vector.shape_cast %get3A_720 : vector<1x16xf32> to vector<16xf32>
      %get3A_722 = arith.index_cast %scan3A_634 : i32 to index
      %get3A_723 = arith.constant 80 : index
      %get3A_724 = tpu.vector_load %arg11[%get3A_722, %get3A_723] {strides = array<i32>} : memref<128x128xf32, #tpu.memory_space<vmem>>, vector<1x16xf32>,
      %get3A_725 = vector.shape_cast %get3A_724 : vector<1x16xf32> to vector<16xf32>
      %add3A_726 = arith.addf %get3A_721, %get3A_725 : vector<16xf32>
      %mul3A_727 = arith.constant 5.000000e-01 : f32
      %mul3A_728 = vector.broadcast %mul3A_727 : f32 to vector<16xf32>
      %mul3A_729 = arith.mulf %add3A_726, %mul3A_728 : vector<16xf32>
      %swap3A_730 = arith.index_cast %scan3A_634 : i32 to index
      %swap3A_731 = arith.constant 80 : index
      %swap3A_732 = tpu.vector_load %arg8[%swap3A_730, %swap3A_731] {strides = array<i32>} : memref<128x128xf32, #tpu.memory_space<vmem>>, vector<1x16xf32>,
      %swap3A_733 = vector.shape_cast %swap3A_732 : vector<1x16xf32> to vector<16xf32>
      %swap3A_734 = vector.shape_cast %mul3A_729 : vector<16xf32> to vector<1x16xf32>
      tpu.vector_store %arg8[%swap3A_730, %swap3A_731], %swap3A_734 {strides = array<i32>} : memref<128x128xf32, #tpu.memory_space<vmem>>, vector<1x16xf32>,
      %get3A_735 = arith.index_cast %scan3A_634 : i32 to index
      %get3A_736 = arith.constant 96 : index
      %get3A_737 = tpu.vector_load %arg8[%get3A_735, %get3A_736] {strides = array<i32>} : memref<128x128xf32, #tpu.memory_space<vmem>>, vector<1x16xf32>,
      %get3A_738 = vector.shape_cast %get3A_737 : vector<1x16xf32> to vector<16xf32>
      %get3A_739 = arith.index_cast %scan3A_634 : i32 to index
      %get3A_740 = arith.constant 96 : index
      %get3A_741 = tpu.vector_load %arg11[%get3A_739, %get3A_740] {strides = array<i32>} : memref<128x128xf32, #tpu.memory_space<vmem>>, vector<1x16xf32>,
      %get3A_742 = vector.shape_cast %get3A_741 : vector<1x16xf32> to vector<16xf32>
      %add3A_743 = arith.addf %get3A_738, %get3A_742 : vector<16xf32>
      %mul3A_744 = arith.constant 5.000000e-01 : f32
      %mul3A_745 = vector.broadcast %mul3A_744 : f32 to vector<16xf32>
      %mul3A_746 = arith.mulf %add3A_743, %mul3A_745 : vector<16xf32>
      %swap3A_747 = arith.index_cast %scan3A_634 : i32 to index
      %swap3A_748 = arith.constant 96 : index
      %swap3A_749 = tpu.vector_load %arg8[%swap3A_747, %swap3A_748] {strides = array<i32>} : memref<128x128xf32, #tpu.memory_space<vmem>>, vector<1x16xf32>,
      %swap3A_750 = vector.shape_cast %swap3A_749 : vector<1x16xf32> to vector<16xf32>
      %swap3A_751 = vector.shape_cast %mul3A_746 : vector<16xf32> to vector<1x16xf32>
      tpu.vector_store %arg8[%swap3A_747, %swap3A_748], %swap3A_751 {strides = array<i32>} : memref<128x128xf32, #tpu.memory_space<vmem>>, vector<1x16xf32>,
      %get3A_752 = arith.index_cast %scan3A_634 : i32 to index
      %get3A_753 = arith.constant 112 : index
      %get3A_754 = tpu.vector_load %arg8[%get3A_752, %get3A_753] {strides = array<i32>} : memref<128x128xf32, #tpu.memory_space<vmem>>, vector<1x16xf32>,
      %get3A_755 = vector.shape_cast %get3A_754 : vector<1x16xf32> to vector<16xf32>
      %get3A_756 = arith.index_cast %scan3A_634 : i32 to index
      %get3A_757 = arith.constant 112 : index
      %get3A_758 = tpu.vector_load %arg11[%get3A_756, %get3A_757] {strides = array<i32>} : memref<128x128xf32, #tpu.memory_space<vmem>>, vector<1x16xf32>,
      %get3A_759 = vector.shape_cast %get3A_758 : vector<1x16xf32> to vector<16xf32>
      %add3A_760 = arith.addf %get3A_755, %get3A_759 : vector<16xf32>
      %mul3A_761 = arith.constant 5.000000e-01 : f32
      %mul3A_762 = vector.broadcast %mul3A_761 : f32 to vector<16xf32>
      %mul3A_763 = arith.mulf %add3A_760, %mul3A_762 : vector<16xf32>
      %swap3A_764 = arith.index_cast %scan3A_634 : i32 to index
      %swap3A_765 = arith.constant 112 : index
      %swap3A_766 = tpu.vector_load %arg8[%swap3A_764, %swap3A_765] {strides = array<i32>} : memref<128x128xf32, #tpu.memory_space<vmem>>, vector<1x16xf32>,
      %swap3A_767 = vector.shape_cast %swap3A_766 : vector<1x16xf32> to vector<16xf32>
      %swap3A_768 = vector.shape_cast %mul3A_763 : vector<16xf32> to vector<1x16xf32>
      tpu.vector_store %arg8[%swap3A_764, %swap3A_765], %swap3A_768 {strides = array<i32>} : memref<128x128xf32, #tpu.memory_space<vmem>>, vector<1x16xf32>,
    }
    %scan3A_589 = arith.constant 128 : i32
    %add3A_590 = arith.constant 65536 : i32
    %add3A_591 = arith.addi %add3A_590, %mul3A_2 : i32
    %add3A_592 = arith.constant 768 : i32
    %add3A_593 = arith.addi %add3A_591, %add3A_592 : i32
    %dma_start3A_594 = arith.constant 0 : i32
    %dma_start3A_595 = tpu.memref_slice %arg5[%add3A_593, %dma_start3A_594] : memref<98304x128xf32, #tpu.memory_space<hbm>> -> memref<128x128xf32, #tpu.memory_space<hbm>>
    %dma_start3A_596 = arith.constant 0 : i32
    %dma_start3A_597 = tpu.memref_slice %arg5[%add3A_593, %dma_start3A_596] : memref<98304x128xf32, #tpu.memory_space<hbm>> -> memref<128x128xf32, #tpu.memory_space<hbm>>
    tpu.enqueue_dma source(%arg8 : memref<128x128xf32, #tpu.memory_space<vmem>>) target(%dma_start3A_597 : memref<128x128xf32, #tpu.memory_space<hbm>>) target_semaphore(%arg17 : memref<!tpu.dma_semaphore, #tpu.memory_space<semaphore_mem>>)
    %dma_wait3A_598 = arith.constant 896 : i32
    %dma_wait3A_599 = tpu.memref_slice %arg6[%dma_wait3A_598] : memref<1024xi32, #tpu.memory_space<vmem>> -> memref<128xi32, #tpu.memory_space<vmem>>
    %dma_wait3A_600 = arith.constant 0 : i32
    %dma_wait3A_601 = arith.constant 0 : i32
    %dma_wait3A_602 = tpu.memref_slice %arg2[%dma_wait3A_600, %dma_wait3A_601] : memref<65536x128xf32, #tpu.memory_space<hbm>> -> memref<65536x128xf32, #tpu.memory_space<hbm>>
    tpu.wait_indirect_dma semaphore(%arg15 : memref<!tpu.dma_semaphore, #tpu.memory_space<semaphore_mem>>) src(%dma_wait3A_602 : memref<65536x128xf32, #tpu.memory_space<hbm>>) dst(%arg9 : memref<128x128xf32, #tpu.memory_space<vmem>>)
    %dma_wait3A_603 = arith.constant 896 : i32
    %dma_wait3A_604 = tpu.memref_slice %arg7[%dma_wait3A_603] : memref<1024xi32, #tpu.memory_space<vmem>> -> memref<128xi32, #tpu.memory_space<vmem>>
    %dma_wait3A_605 = arith.constant 0 : i32
    %dma_wait3A_606 = arith.constant 0 : i32
    %dma_wait3A_607 = tpu.memref_slice %arg2[%dma_wait3A_605, %dma_wait3A_606] : memref<65536x128xf32, #tpu.memory_space<hbm>> -> memref<65536x128xf32, #tpu.memory_space<hbm>>
    tpu.wait_indirect_dma semaphore(%arg15 : memref<!tpu.dma_semaphore, #tpu.memory_space<semaphore_mem>>) src(%dma_wait3A_607 : memref<65536x128xf32, #tpu.memory_space<hbm>>) dst(%arg12 : memref<128x128xf32, #tpu.memory_space<vmem>>)
    %scan3A_608 = arith.constant 0 : i32
    %scan3A_609 = arith.constant 0 : i32
    %scan3A_610 = arith.constant 128 : i32
    %scan3A_611 = arith.addi %scan3A_609, %scan3A_610 : i32
    %scan3A_612 = arith.constant 1 : i32
    scf.for %scan3A_634 = %scan3A_609 to %scan3A_611 step %scan3A_612  : i32 {
      %get3A = arith.index_cast %scan3A_634 : i32 to index
      %get3A_635 = arith.constant 0 : index
      %get3A_636 = tpu.vector_load %arg9[%get3A, %get3A_635] {strides = array<i32>} : memref<128x128xf32, #tpu.memory_space<vmem>>, vector<1x16xf32>,
      %get3A_637 = vector.shape_cast %get3A_636 : vector<1x16xf32> to vector<16xf32>
      %get3A_638 = arith.index_cast %scan3A_634 : i32 to index
      %get3A_639 = arith.constant 0 : index
      %get3A_640 = tpu.vector_load %arg12[%get3A_638, %get3A_639] {strides = array<i32>} : memref<128x128xf32, #tpu.memory_space<vmem>>, vector<1x16xf32>,
      %get3A_641 = vector.shape_cast %get3A_640 : vector<1x16xf32> to vector<16xf32>
      %add3A_642 = arith.addf %get3A_637, %get3A_641 : vector<16xf32>
      %mul3A_643 = arith.constant 5.000000e-01 : f32
      %mul3A_644 = vector.broadcast %mul3A_643 : f32 to vector<16xf32>
      %mul3A_645 = arith.mulf %add3A_642, %mul3A_644 : vector<16xf32>
      %swap3A = arith.index_cast %scan3A_634 : i32 to index
      %swap3A_646 = arith.constant 0 : index
      %swap3A_647 = tpu.vector_load %arg9[%swap3A, %swap3A_646] {strides = array<i32>} : memref<128x128xf32, #tpu.memory_space<vmem>>, vector<1x16xf32>,
      %swap3A_648 = vector.shape_cast %swap3A_647 : vector<1x16xf32> to vector<16xf32>
      %swap3A_649 = vector.shape_cast %mul3A_645 : vector<16xf32> to vector<1x16xf32>
      tpu.vector_store %arg9[%swap3A, %swap3A_646], %swap3A_649 {strides = array<i32>} : memref<128x128xf32, #tpu.memory_space<vmem>>, vector<1x16xf32>,
      %get3A_650 = arith.index_cast %scan3A_634 : i32 to index
      %get3A_651 = arith.constant 16 : index
      %get3A_652 = tpu.vector_load %arg9[%get3A_650, %get3A_651] {strides = array<i32>} : memref<128x128xf32, #tpu.memory_space<vmem>>, vector<1x16xf32>,
      %get3A_653 = vector.shape_cast %get3A_652 : vector<1x16xf32> to vector<16xf32>
      %get3A_654 = arith.index_cast %scan3A_634 : i32 to index
      %get3A_655 = arith.constant 16 : index
      %get3A_656 = tpu.vector_load %arg12[%get3A_654, %get3A_655] {strides = array<i32>} : memref<128x128xf32, #tpu.memory_space<vmem>>, vector<1x16xf32>,
      %get3A_657 = vector.shape_cast %get3A_656 : vector<1x16xf32> to vector<16xf32>
      %add3A_658 = arith.addf %get3A_653, %get3A_657 : vector<16xf32>
      %mul3A_659 = arith.constant 5.000000e-01 : f32
      %mul3A_660 = vector.broadcast %mul3A_659 : f32 to vector<16xf32>
      %mul3A_661 = arith.mulf %add3A_658, %mul3A_660 : vector<16xf32>
      %swap3A_662 = arith.index_cast %scan3A_634 : i32 to index
      %swap3A_663 = arith.constant 16 : index
      %swap3A_664 = tpu.vector_load %arg9[%swap3A_662, %swap3A_663] {strides = array<i32>} : memref<128x128xf32, #tpu.memory_space<vmem>>, vector<1x16xf32>,
      %swap3A_665 = vector.shape_cast %swap3A_664 : vector<1x16xf32> to vector<16xf32>
      %swap3A_666 = vector.shape_cast %mul3A_661 : vector<16xf32> to vector<1x16xf32>
      tpu.vector_store %arg9[%swap3A_662, %swap3A_663], %swap3A_666 {strides = array<i32>} : memref<128x128xf32, #tpu.memory_space<vmem>>, vector<1x16xf32>,
      %get3A_667 = arith.index_cast %scan3A_634 : i32 to index
      %get3A_668 = arith.constant 32 : index
      %get3A_669 = tpu.vector_load %arg9[%get3A_667, %get3A_668] {strides = array<i32>} : memref<128x128xf32, #tpu.memory_space<vmem>>, vector<1x16xf32>,
      %get3A_670 = vector.shape_cast %get3A_669 : vector<1x16xf32> to vector<16xf32>
      %get3A_671 = arith.index_cast %scan3A_634 : i32 to index
      %get3A_672 = arith.constant 32 : index
      %get3A_673 = tpu.vector_load %arg12[%get3A_671, %get3A_672] {strides = array<i32>} : memref<128x128xf32, #tpu.memory_space<vmem>>, vector<1x16xf32>,
      %get3A_674 = vector.shape_cast %get3A_673 : vector<1x16xf32> to vector<16xf32>
      %add3A_675 = arith.addf %get3A_670, %get3A_674 : vector<16xf32>
      %mul3A_676 = arith.constant 5.000000e-01 : f32
      %mul3A_677 = vector.broadcast %mul3A_676 : f32 to vector<16xf32>
      %mul3A_678 = arith.mulf %add3A_675, %mul3A_677 : vector<16xf32>
      %swap3A_679 = arith.index_cast %scan3A_634 : i32 to index
      %swap3A_680 = arith.constant 32 : index
      %swap3A_681 = tpu.vector_load %arg9[%swap3A_679, %swap3A_680] {strides = array<i32>} : memref<128x128xf32, #tpu.memory_space<vmem>>, vector<1x16xf32>,
      %swap3A_682 = vector.shape_cast %swap3A_681 : vector<1x16xf32> to vector<16xf32>
      %swap3A_683 = vector.shape_cast %mul3A_678 : vector<16xf32> to vector<1x16xf32>
      tpu.vector_store %arg9[%swap3A_679, %swap3A_680], %swap3A_683 {strides = array<i32>} : memref<128x128xf32, #tpu.memory_space<vmem>>, vector<1x16xf32>,
      %get3A_684 = arith.index_cast %scan3A_634 : i32 to index
      %get3A_685 = arith.constant 48 : index
      %get3A_686 = tpu.vector_load %arg9[%get3A_684, %get3A_685] {strides = array<i32>} : memref<128x128xf32, #tpu.memory_space<vmem>>, vector<1x16xf32>,
      %get3A_687 = vector.shape_cast %get3A_686 : vector<1x16xf32> to vector<16xf32>
      %get3A_688 = arith.index_cast %scan3A_634 : i32 to index
      %get3A_689 = arith.constant 48 : index
      %get3A_690 = tpu.vector_load %arg12[%get3A_688, %get3A_689] {strides = array<i32>} : memref<128x128xf32, #tpu.memory_space<vmem>>, vector<1x16xf32>,
      %get3A_691 = vector.shape_cast %get3A_690 : vector<1x16xf32> to vector<16xf32>
      %add3A_692 = arith.addf %get3A_687, %get3A_691 : vector<16xf32>
      %mul3A_693 = arith.constant 5.000000e-01 : f32
      %mul3A_694 = vector.broadcast %mul3A_693 : f32 to vector<16xf32>
      %mul3A_695 = arith.mulf %add3A_692, %mul3A_694 : vector<16xf32>
      %swap3A_696 = arith.index_cast %scan3A_634 : i32 to index
      %swap3A_697 = arith.constant 48 : index
      %swap3A_698 = tpu.vector_load %arg9[%swap3A_696, %swap3A_697] {strides = array<i32>} : memref<128x128xf32, #tpu.memory_space<vmem>>, vector<1x16xf32>,
      %swap3A_699 = vector.shape_cast %swap3A_698 : vector<1x16xf32> to vector<16xf32>
      %swap3A_700 = vector.shape_cast %mul3A_695 : vector<16xf32> to vector<1x16xf32>
      tpu.vector_store %arg9[%swap3A_696, %swap3A_697], %swap3A_700 {strides = array<i32>} : memref<128x128xf32, #tpu.memory_space<vmem>>, vector<1x16xf32>,
      %get3A_701 = arith.index_cast %scan3A_634 : i32 to index
      %get3A_702 = arith.constant 64 : index
      %get3A_703 = tpu.vector_load %arg9[%get3A_701, %get3A_702] {strides = array<i32>} : memref<128x128xf32, #tpu.memory_space<vmem>>, vector<1x16xf32>,
      %get3A_704 = vector.shape_cast %get3A_703 : vector<1x16xf32> to vector<16xf32>
      %get3A_705 = arith.index_cast %scan3A_634 : i32 to index
      %get3A_706 = arith.constant 64 : index
      %get3A_707 = tpu.vector_load %arg12[%get3A_705, %get3A_706] {strides = array<i32>} : memref<128x128xf32, #tpu.memory_space<vmem>>, vector<1x16xf32>,
      %get3A_708 = vector.shape_cast %get3A_707 : vector<1x16xf32> to vector<16xf32>
      %add3A_709 = arith.addf %get3A_704, %get3A_708 : vector<16xf32>
      %mul3A_710 = arith.constant 5.000000e-01 : f32
      %mul3A_711 = vector.broadcast %mul3A_710 : f32 to vector<16xf32>
      %mul3A_712 = arith.mulf %add3A_709, %mul3A_711 : vector<16xf32>
      %swap3A_713 = arith.index_cast %scan3A_634 : i32 to index
      %swap3A_714 = arith.constant 64 : index
      %swap3A_715 = tpu.vector_load %arg9[%swap3A_713, %swap3A_714] {strides = array<i32>} : memref<128x128xf32, #tpu.memory_space<vmem>>, vector<1x16xf32>,
      %swap3A_716 = vector.shape_cast %swap3A_715 : vector<1x16xf32> to vector<16xf32>
      %swap3A_717 = vector.shape_cast %mul3A_712 : vector<16xf32> to vector<1x16xf32>
      tpu.vector_store %arg9[%swap3A_713, %swap3A_714], %swap3A_717 {strides = array<i32>} : memref<128x128xf32, #tpu.memory_space<vmem>>, vector<1x16xf32>,
      %get3A_718 = arith.index_cast %scan3A_634 : i32 to index
      %get3A_719 = arith.constant 80 : index
      %get3A_720 = tpu.vector_load %arg9[%get3A_718, %get3A_719] {strides = array<i32>} : memref<128x128xf32, #tpu.memory_space<vmem>>, vector<1x16xf32>,
      %get3A_721 = vector.shape_cast %get3A_720 : vector<1x16xf32> to vector<16xf32>
      %get3A_722 = arith.index_cast %scan3A_634 : i32 to index
      %get3A_723 = arith.constant 80 : index
      %get3A_724 = tpu.vector_load %arg12[%get3A_722, %get3A_723] {strides = array<i32>} : memref<128x128xf32, #tpu.memory_space<vmem>>, vector<1x16xf32>,
      %get3A_725 = vector.shape_cast %get3A_724 : vector<1x16xf32> to vector<16xf32>
      %add3A_726 = arith.addf %get3A_721, %get3A_725 : vector<16xf32>
      %mul3A_727 = arith.constant 5.000000e-01 : f32
      %mul3A_728 = vector.broadcast %mul3A_727 : f32 to vector<16xf32>
      %mul3A_729 = arith.mulf %add3A_726, %mul3A_728 : vector<16xf32>
      %swap3A_730 = arith.index_cast %scan3A_634 : i32 to index
      %swap3A_731 = arith.constant 80 : index
      %swap3A_732 = tpu.vector_load %arg9[%swap3A_730, %swap3A_731] {strides = array<i32>} : memref<128x128xf32, #tpu.memory_space<vmem>>, vector<1x16xf32>,
      %swap3A_733 = vector.shape_cast %swap3A_732 : vector<1x16xf32> to vector<16xf32>
      %swap3A_734 = vector.shape_cast %mul3A_729 : vector<16xf32> to vector<1x16xf32>
      tpu.vector_store %arg9[%swap3A_730, %swap3A_731], %swap3A_734 {strides = array<i32>} : memref<128x128xf32, #tpu.memory_space<vmem>>, vector<1x16xf32>,
      %get3A_735 = arith.index_cast %scan3A_634 : i32 to index
      %get3A_736 = arith.constant 96 : index
      %get3A_737 = tpu.vector_load %arg9[%get3A_735, %get3A_736] {strides = array<i32>} : memref<128x128xf32, #tpu.memory_space<vmem>>, vector<1x16xf32>,
      %get3A_738 = vector.shape_cast %get3A_737 : vector<1x16xf32> to vector<16xf32>
      %get3A_739 = arith.index_cast %scan3A_634 : i32 to index
      %get3A_740 = arith.constant 96 : index
      %get3A_741 = tpu.vector_load %arg12[%get3A_739, %get3A_740] {strides = array<i32>} : memref<128x128xf32, #tpu.memory_space<vmem>>, vector<1x16xf32>,
      %get3A_742 = vector.shape_cast %get3A_741 : vector<1x16xf32> to vector<16xf32>
      %add3A_743 = arith.addf %get3A_738, %get3A_742 : vector<16xf32>
      %mul3A_744 = arith.constant 5.000000e-01 : f32
      %mul3A_745 = vector.broadcast %mul3A_744 : f32 to vector<16xf32>
      %mul3A_746 = arith.mulf %add3A_743, %mul3A_745 : vector<16xf32>
      %swap3A_747 = arith.index_cast %scan3A_634 : i32 to index
      %swap3A_748 = arith.constant 96 : index
      %swap3A_749 = tpu.vector_load %arg9[%swap3A_747, %swap3A_748] {strides = array<i32>} : memref<128x128xf32, #tpu.memory_space<vmem>>, vector<1x16xf32>,
      %swap3A_750 = vector.shape_cast %swap3A_749 : vector<1x16xf32> to vector<16xf32>
      %swap3A_751 = vector.shape_cast %mul3A_746 : vector<16xf32> to vector<1x16xf32>
      tpu.vector_store %arg9[%swap3A_747, %swap3A_748], %swap3A_751 {strides = array<i32>} : memref<128x128xf32, #tpu.memory_space<vmem>>, vector<1x16xf32>,
      %get3A_752 = arith.index_cast %scan3A_634 : i32 to index
      %get3A_753 = arith.constant 112 : index
      %get3A_754 = tpu.vector_load %arg9[%get3A_752, %get3A_753] {strides = array<i32>} : memref<128x128xf32, #tpu.memory_space<vmem>>, vector<1x16xf32>,
      %get3A_755 = vector.shape_cast %get3A_754 : vector<1x16xf32> to vector<16xf32>
      %get3A_756 = arith.index_cast %scan3A_634 : i32 to index
      %get3A_757 = arith.constant 112 : index
      %get3A_758 = tpu.vector_load %arg12[%get3A_756, %get3A_757] {strides = array<i32>} : memref<128x128xf32, #tpu.memory_space<vmem>>, vector<1x16xf32>,
      %get3A_759 = vector.shape_cast %get3A_758 : vector<1x16xf32> to vector<16xf32>
      %add3A_760 = arith.addf %get3A_755, %get3A_759 : vector<16xf32>
      %mul3A_761 = arith.constant 5.000000e-01 : f32
      %mul3A_762 = vector.broadcast %mul3A_761 : f32 to vector<16xf32>
      %mul3A_763 = arith.mulf %add3A_760, %mul3A_762 : vector<16xf32>
      %swap3A_764 = arith.index_cast %scan3A_634 : i32 to index
      %swap3A_765 = arith.constant 112 : index
      %swap3A_766 = tpu.vector_load %arg9[%swap3A_764, %swap3A_765] {strides = array<i32>} : memref<128x128xf32, #tpu.memory_space<vmem>>, vector<1x16xf32>,
      %swap3A_767 = vector.shape_cast %swap3A_766 : vector<1x16xf32> to vector<16xf32>
      %swap3A_768 = vector.shape_cast %mul3A_763 : vector<16xf32> to vector<1x16xf32>
      tpu.vector_store %arg9[%swap3A_764, %swap3A_765], %swap3A_768 {strides = array<i32>} : memref<128x128xf32, #tpu.memory_space<vmem>>, vector<1x16xf32>,
    }
    %scan3A_613 = arith.constant 128 : i32
    %add3A_614 = arith.constant 65536 : i32
    %add3A_615 = arith.addi %add3A_614, %mul3A_2 : i32
    %add3A_616 = arith.constant 896 : i32
    %add3A_617 = arith.addi %add3A_615, %add3A_616 : i32
    %dma_start3A_618 = arith.constant 0 : i32
    %dma_start3A_619 = tpu.memref_slice %arg5[%add3A_617, %dma_start3A_618] : memref<98304x128xf32, #tpu.memory_space<hbm>> -> memref<128x128xf32, #tpu.memory_space<hbm>>
    %dma_start3A_620 = arith.constant 0 : i32
    %dma_start3A_621 = tpu.memref_slice %arg5[%add3A_617, %dma_start3A_620] : memref<98304x128xf32, #tpu.memory_space<hbm>> -> memref<128x128xf32, #tpu.memory_space<hbm>>
    tpu.enqueue_dma source(%arg9 : memref<128x128xf32, #tpu.memory_space<vmem>>) target(%dma_start3A_621 : memref<128x128xf32, #tpu.memory_space<hbm>>) target_semaphore(%arg18 : memref<!tpu.dma_semaphore, #tpu.memory_space<semaphore_mem>>)
    %dma_wait3A_622 = arith.constant 0 : i32
    %dma_wait3A_623 = tpu.memref_slice %arg5[%add3A_593, %dma_wait3A_622] : memref<98304x128xf32, #tpu.memory_space<hbm>> -> memref<128x128xf32, #tpu.memory_space<hbm>>
    %dma_wait3A_624 = arith.constant 0 : i32
    %dma_wait3A_625 = tpu.memref_slice %arg5[%add3A_593, %dma_wait3A_624] : memref<98304x128xf32, #tpu.memory_space<hbm>> -> memref<128x128xf32, #tpu.memory_space<hbm>>
    tpu.wait_dma2 semaphore(%arg17 : memref<!tpu.dma_semaphore, #tpu.memory_space<semaphore_mem>>) src(%arg8 : memref<128x128xf32, #tpu.memory_space<vmem>>) dst(%dma_wait3A_625 : memref<128x128xf32, #tpu.memory_space<hbm>>)
    %dma_wait3A_626 = arith.constant 0 : i32
    %dma_wait3A_627 = tpu.memref_slice %arg5[%add3A_617, %dma_wait3A_626] : memref<98304x128xf32, #tpu.memory_space<hbm>> -> memref<128x128xf32, #tpu.memory_space<hbm>>
    %dma_wait3A_628 = arith.constant 0 : i32
    %dma_wait3A_629 = tpu.memref_slice %arg5[%add3A_617, %dma_wait3A_628] : memref<98304x128xf32, #tpu.memory_space<hbm>> -> memref<128x128xf32, #tpu.memory_space<hbm>>
    tpu.wait_dma2 semaphore(%arg18 : memref<!tpu.dma_semaphore, #tpu.memory_space<semaphore_mem>>) src(%arg9 : memref<128x128xf32, #tpu.memory_space<vmem>>) dst(%dma_wait3A_629 : memref<128x128xf32, #tpu.memory_space<hbm>>)
    %dma_wait3A_630 = arith.constant 0 : i32
    %dma_wait3A_631 = tpu.memref_slice %arg5[%add3A_569, %dma_wait3A_630] : memref<98304x128xf32, #tpu.memory_space<hbm>> -> memref<128x128xf32, #tpu.memory_space<hbm>>
    %dma_wait3A_632 = arith.constant 0 : i32
    %dma_wait3A_633 = tpu.memref_slice %arg5[%add3A_569, %dma_wait3A_632] : memref<98304x128xf32, #tpu.memory_space<hbm>> -> memref<128x128xf32, #tpu.memory_space<hbm>>
    tpu.wait_dma2 semaphore(%arg19 : memref<!tpu.dma_semaphore, #tpu.memory_space<semaphore_mem>>) src(%arg10 : memref<128x128xf32, #tpu.memory_space<vmem>>) dst(%dma_wait3A_633 : memref<128x128xf32, #tpu.memory_space<hbm>>)
    return
  }
}

</mosaic_0001>

<sc_bundles>
// kernel: kernel.3.cloned.1.call-start
scs
__scs_entry_jumppad:
0x0: {  	(pc) =	sbr.rel $0x88, $3  }
0x1: {  	(tag) =	ssettag $0x0;
	lr =	simm.s32 $0x1  }
0x2: {  	[smem:$0x3F9F] =	sst lr;
	_ =	strace $0xD0000000  }
0x3: {  	_ = 	snop  }
0x4: {  	_ = 	snop  }
0x5: {  	_ = 	snop  }
0x6: {  	_ = 	snop  }
0x7: {  	_ = 	snop  }
__scs_overlays_trampoline_lowered:
0x8: {  	[smem:$0x3FAE] =	sst s0  }
0x9: {  	[smem:$0x3FAF] =	sst s1  }
0xa: {  	[smem:$0x3FB0] =	sst s2  }
0xb: {  	[smem:$0x3FB1] =	sst s3  }
0xc: {  	[smem:$0x3FB2] =	sst s4  }
0xd: {  	[smem:$0x3FB3] =	sst s5  }
0xe: {  	[smem:$0x3FB4] =	sst s6  }
0xf: {  	[smem:$0x3FB5] =	sst s7  }
0x10: {  	[smem:$0x3FB6] =	sst s8  }
0x11: {  	[smem:$0x3FB7] =	sst s9;
	s0 =	simm.s32 @!p0 $0x0  }
0x12: {  	s1 =	sld [smem:$0x3F9D];
	s0 =	simm.s32 @p0 $0x1  }
0x13: {  	[smem:$0x3FB8] =	sst s0;
	s0 =	simm.s32 @!p1 $0x0  }
0x14: {  	s2 =	sld [smem:$0x3F9C];
	s0 =	simm.s32 @p1 $0x1  }
0x15: {  	[smem:$0x3FB9] =	sst s0;
	s0 =	simm.s32 @!p2 $0x0  }
0x16: {  	s3 =	sld [smem:$0x3FDB];
	s0 =	simm.s32 @p2 $0x1  }
0x17: {  	s4 =	simm.s32 $0x1BF5;
	[smem:$0x3FBB] =	sst s0  }
0x18: {  	s0 =	sld [smem:$0x3F9E];
	_ =	swait.ge [sflag:s4], $0x0  }
0x19: {  	s7 =	sld [smem:$0x3F9F]  }
0x1a: {  	s8 =	sadd.s32 $0xFFFFE003, lr  }
0x1b: {  	s9 =	sadd.s32 $0xFFFFFEF7, lr;
	s5 =	simm.s32 $0xFFFFFFFF;
	p2 =	slt.u32 s8, $0xFFFFF086  }
0x1c: {  	p1 =	slt.u32 s9, $0xF7A;
	s5 =	simm.s32 @!p2 $0x0  }
0x1d: {  	s5 =	simm.s32 @p1 $0x1;
	p0 =	seq.s32 s7, s2  }
0x1e: {  	s7 =	smul.u32 @!p0 $0xF7A, s2;
	p2 =	seq.s32 @!p0 s5, $0x0  }
0x1f: {  	s9 =	smul.u32 $0xF7A, s1;
	s8 =	simm.s32 @!p0 $0x1BF5;
	p2 =	por !p2, p0  }
0x20: {  	[sflag:s8] =	ssyncset.s32 @!p0 $0xFFFFF086;
	s6 =	sadd.s32 @!p0 s3, s7;
	s7 =	simm.s32 @!p0 $0x108  }
0x21: {  	s3 =	sadd.s32 s3, s9;
	s6 =	sadd.s32 @!p0 $0x88, s6;
	s7 =	simm.s32 @p2 $0x1082  }
0x22: {  	[simem:s7], [sflag:s8] =	dma.local @!p0 [hbm:s6], $0xF7A  }
0x23: {  	s9 =	sor.u32 $0xD0000000, s2;
	s6 =	simm.s32 $0x108;
	_ =	swait.ge @!p0 [sflag:s8], $0x0  }
0x24: {  	s3 =	sadd.s32 $0x88, s3;
	s6 =	simm.s32 @!p1 $0x1082;
	[sflag:s4] =	ssyncset.s32 $0xFFFFF086  }
0x25: {  	[simem:s6], [sflag:s4] =	dma.local [hbm:s3], $0xF7A  }
0x26: {  	[smem:$0x3F9F] =	sst s1;
	(tag) =	ssettag s2;
	_ =	strace s9  }
0x27: {  	s1 =	sld [smem:$0x3FAF]  }
0x28: {  	s2 =	sld [smem:$0x3FB0]  }
0x29: {  	s4 =	sld [smem:$0x3FB2]  }
0x2a: {  	p0 =	seq.s32 s5, $0x0;
	s5 =	sld [smem:$0x3FB3]  }
0x2b: {  	s6 =	sld [smem:$0x3FB4]  }
0x2c: {  	s7 =	sld [smem:$0x3FB5]  }
0x2d: {  	s3 =	simm.s32 $0x108;
	s8 =	sld [smem:$0x3FB6]  }
0x2e: {  	s3 =	simm.s32 @!p0 $0x1082;
	s9 =	sld [smem:$0x3FB7]  }
0x2f: {  	lr =	sadd.s32 s0, s3;
	s0 =	sld [smem:$0x3FAE]  }
0x30: {  	s3 =	sld [smem:$0x3FB1]  }
0x31: {  	[smem:$0x3FBA] =	sst s10  }
0x32: {  	s10 =	sld [smem:$0x3FB8];
	_ =	sdelay $0x3  }
0x33: {  	p0 =	seq.s32 s10, $0x1;
	s10 =	sld [smem:$0x3FBA];
	_ =	sdelay $0x3  }
0x34: {  	[smem:$0x3FBA] =	sst s10  }
0x35: {  	s10 =	sld [smem:$0x3FB9];
	_ =	sdelay $0x3  }
0x36: {  	p1 =	seq.s32 s10, $0x1;
	s10 =	sld [smem:$0x3FBA];
	_ =	sdelay $0x3  }
0x37: {  	[smem:$0x3FBA] =	sst s10  }
0x38: {  	s10 =	sld [smem:$0x3FBB]  }
0x39: {  	_ = 	snop;
	(pc) =	sbr.ind lr, $3  }
0x3a: {  	_ = 	snop  }
0x3b: {  	_ = 	snop  }
0x3c: {  	p2 =	seq.s32 s10, $0x1;
	s10 =	sld [smem:$0x3FBA]  }
0x3d: {  	_ =	shalt  }
0x3e: {  	_ =	shalt  }
0x3f: {  	_ =	shalt  }
0x40: {  	_ =	shalt  }
0x41: {  	_ =	shalt  }
0x42: {  	_ =	shalt  }
0x43: {  	_ =	shalt  }
0x44: {  	_ =	shalt  }
0x45: {  	_ =	shalt  }
0x46: {  	_ =	shalt  }
0x47: {  	_ =	shalt  }
0x48: {  	_ =	shalt  }
0x49: {  	_ =	shalt  }
0x4a: {  	_ =	shalt  }
0x4b: {  	_ =	shalt  }
0x4c: {  	_ =	shalt  }
0x4d: {  	_ =	shalt  }
0x4e: {  	_ =	shalt  }
0x4f: {  	_ =	shalt  }
0x50: {  	_ =	shalt  }
0x51: {  	_ =	shalt  }
0x52: {  	_ =	shalt  }
0x53: {  	_ =	shalt  }
0x54: {  	_ =	shalt  }
0x55: {  	_ =	shalt  }
0x56: {  	_ =	shalt  }
0x57: {  	_ =	shalt  }
0x58: {  	_ =	shalt  }
0x59: {  	_ =	shalt  }
0x5a: {  	_ =	shalt  }
0x5b: {  	_ =	shalt  }
0x5c: {  	_ =	shalt  }
0x5d: {  	_ =	shalt  }
0x5e: {  	_ =	shalt  }
0x5f: {  	_ =	shalt  }
0x60: {  	_ =	shalt  }
0x61: {  	_ =	shalt  }
0x62: {  	_ =	shalt  }
0x63: {  	_ =	shalt  }
0x64: {  	_ =	shalt  }
0x65: {  	_ =	shalt  }
0x66: {  	_ =	shalt  }
0x67: {  	_ =	shalt  }
0x68: {  	_ =	shalt  }
0x69: {  	_ =	shalt  }
0x6a: {  	_ =	shalt  }
0x6b: {  	_ =	shalt  }
0x6c: {  	_ =	shalt  }
0x6d: {  	_ =	shalt  }
0x6e: {  	_ =	shalt  }
0x6f: {  	_ =	shalt  }
0x70: {  	_ =	shalt  }
0x71: {  	_ =	shalt  }
0x72: {  	_ =	shalt  }
0x73: {  	_ =	shalt  }
0x74: {  	_ =	shalt  }
0x75: {  	_ =	shalt  }
0x76: {  	_ =	shalt  }
0x77: {  	_ =	shalt  }
0x78: {  	_ =	shalt  }
0x79: {  	_ =	shalt  }
0x7a: {  	_ =	shalt  }
0x7b: {  	_ =	shalt  }
0x7c: {  	_ =	shalt  }
0x7d: {  	_ =	shalt  }
0x7e: {  	_ =	shalt  }
0x7f: {  	_ =	shalt  }
0x80: {  	_ =	shalt  }
0x81: {  	_ =	shalt  }
0x82: {  	_ =	shalt  }
0x83: {  	_ =	shalt  }
0x84: {  	_ =	shalt  }
0x85: {  	_ =	shalt  }
0x86: {  	_ =	shalt  }
0x87: {  	_ =	shalt  }
.Lfunc_end0:
.L_simem_size_0:
called_computation_lowered:
.L_overlay_start_0:
0x88: {  	s2 =	sld [smem:$0x3FD9]  }
0x89: {  	s3 =	sld [smem:$0x3FFE];
	_ =	sdelay $0x1  }
0x8a: {  	s1 =	srdreg.scid  }
0x8b: {  	s0 =	sand.u32 $0x1, s1  }
0x8c: {  	s17 =	sshll.u32 s0, $0xA;
	s2 =	sadd.s32 s3, s2  }
0x8d: {  	s2 =	sadd.s32 s2, s17  }
0x8e: {  	[smem:$0x3FC6] =	sst s2  }
0x8f: {  	_ = 	snop  }
0x90: {  	s2 =	sld [smem:$0x3FC9]  }
0x91: {  	s18 =	sld [smem:$0x3FD0];
	(tm) =	ssettm $0x1  }
0x92: {  	s4 =	sld [smem:$0x3FFB];
	_ =	sdelay $0x3  }
0x93: {  	_ =	strace s4  }
0x94: {  	s4 =	sld [smem:$0x3FFC];
	_ =	sdelay $0x3  }
0x95: {  	_ =	strace s4  }
0x96: {  	s4 =	sld [smem:$0x3FFD];
	_ =	sdelay $0x3  }
0x97: {  	_ =	strace s4  }
0x98: {  	_ =	strace $0x8FFFFFFF  }
0x99: {  	s19 =	sld [smem:$0x3FDB];
	_ =	sdelay $0x1  }
0x9a: {  	s5 =	simm.s32 $_scs_section_size  }
0x9b: {  	s6 =	simm.s32 $_size__tile_overlayer_lowered;
	s7 =	simm.s32 $_tile_overlayer_lowered  }
0x9c: {  	s22 =	simm.s32 $0x1BFF;
	s21 =	sshll.u32 s7, $0x1;
	s4 =	sadd.s32 s5, s19  }
0x9d: {  	s8 =	simm.s32 $0x0;
	s20 =	sshll.u32 s6, $0x1;
	s6 =	sadd.s32 s21, s4  }
0x9e: {  	[timem:s8], [sflag:s22] =	dma.local [hbm:s6], s20  }
0x9f: {  	_ =	swait.ge [sflag:s22], s20  }
0xa0: {  	s5 =	ssub.s32 $0x0, s20;
	[sflag:s22] =	ssyncset.done $0x0  }
0xa1: {  	[sflag:s22] =	ssyncadd.s32 s5;
	_ =	sdelay $0x1  }
0xa2: {  	s23 =	simm.s32 $0x1B8B  }
0xa3: {  	_ =	swait.ge [sflag:s23], $0x1  }
0xa4: {  	[sflag:s23] =	ssyncset.done $0x0  }
0xa5: {  	s25 =	simm.s32 $0x1B8E;
	s24 =	sld [smem:$0x3FFE];
	[sflag:s23] =	ssyncadd.s32 $0xFFFFFFFF  }
0xa6: {  	s26 =	simm.s32 $execute0_lowered;
	[smem:$0x3FD2] =	sst s25  }
0xa7: {  	s6 =	sshll.u32 s26, $0x1;
	_ =	strace $0x80000046;
	[dreg:$0x1] =	wrdreg $0xFFFFFFFF  }
0xa8: {  	s28 =	simm.s32 $_size_execute0_lowered;
	s4 =	sadd.s32 s4, s6;
	[dreg:$0x0] =	wrdreg $0x0  }
0xa9: {  	s6 =	sshll.u32 s28, $0x1;
	[dreg:$0x2] =	wrdreg s4  }
0xaa: {  	[dreg:$0x3] =	wrdreg s6  }
0xab: {  	[dreg:$0x4] =	wrdreg $0xC0  }
0xac: {  	_ =	task [dreg:s8], $0x5FFFF  }
0xad: {  	[dreg:$0x1] =	wrdreg $0xFFFFFFFF  }
0xae: {  	[dreg:$0x0] =	wrdreg $0x60  }
0xaf: {  	[dreg:$0x2] =	wrdreg s2  }
0xb0: {  	[dreg:$0x3] =	wrdreg s24  }
0xb1: {  	[dreg:$0x4] =	wrdreg s18  }
0xb2: {  	[dreg:$0x5] =	wrdreg $0x9  }
0xb3: {  	_ =	task.clear_ibuf [dreg:s8], $0x6FFFF;
	_ =	strace $0x90000046  }
0xb4: {  	s29 =	simm.s32 $0x9;
	_ =	strace $0x80000048  }
0xb5: {  	_ =	swait.ge [sflag:s29], $0x1  }
0xb6: {  	[sflag:s29] =	ssyncadd.s32 $0xFFFFFFFF  }
0xb7: {  	_ =	strace $0x90000048  }
0xb8: {  	_ =	sfence  }
0xb9: {  	s30 =	sld [smem:$0x0];
	_ =	sdelay $0x2  }
0xba: {  	s31 =	sshll.u32 s1, $0xD;
	s1 =	sshrl.u32 s1, $0x2  }
0xbb: {  	s3 =	sand.u32 $0x4000, s31;
	s1 =	sadd.s32 s1, s30  }
0xbc: {  	s0 =	sor.u32 s3, s0;
	s1 =	sshll.u32 s1, $0x11  }
0xbd: {  	s0 =	sor.u32 s1, s0  }
0xbe: {  	s0 =	sadd.s32 $0x8F2B, s0  }
0xbf: {  	[sflag:s0] =	ssyncadd.remote.s32 $0x1  }
0xc0: {  	_ =	sfence.sel $0xFFFF  }
0xc1: {  	[dreg:$0x0] =	wrdreg $0xFFFFFFFF;
	(pc) =	sbr.abs _section_cstart, $3  }
0xc2: {  	[dreg:$0x1] =	wrdreg $0xFFFFFFFF  }
0xc3: {  	_ =	task.clear_ibuf [dreg:s8], $0x2FFFF;
	_ =	strace $0x9FFFFFFF  }
0xc4: {  	(tm) =	ssettm $0x7FFFFFFF  }
0xc5: {  	_ =	shalt  }
tec
execute0_lowered:
.L_overlay_start_1:
0x0: {  	(tag) =	ssettag $0x1  }
0x1: {  	s1 =	rddreg [dreg:$0x0]  }
0x2: {  	s2 =	rddreg [dreg:$0x1]  }
0x3: {  	s4 =	srdreg.scid;
	s5 =	stileid.u32  }
0x4: {  	s0 =	rddreg [dreg:$0x2];
	s4 =	sand.u32 $0x1, s4;
	s5 =	sshll.u32 s5, $0x1  }
0x5: {  	s3 =	simm.s32 $0x0;
	s28 =	simm.s32 $0x3;
	s5 =	sor.u32 s4, s5  }
0x6: {  	s29 =	simm.s32 $0x4;
	[smem:$0x7FF] =	sst s3;
	s6 =	sshll.u32 s5, $0x7  }
0x7: {  	_ =	strace $0x80000047;
	s4 =	ssub.s32 $0x2, s4;
	s2 =	sadd.s32 s6, s2  }
0x8: {  	s11 =	sshrl.u32 s4, $0x1;
	s7 =	sshll.u32 s5, $0xF;
	s12 =	sadd.s32 $0x1600, s2  }
0x9: {  	s13 =	sor.u32 $0x800, s7;
	s2 =	sadd.s32 $0x600, s2;
	[dreg:$0x4] =	wrdreg s12  }
0xa: {  	s15 =	sor.u32 $0x1000, s7;
	s14 =	sadd.s32 s1, s13;
	[dreg:$0x5] =	wrdreg s2  }
0xb: {  	s16 =	sor.u32 $0x1800, s7;
	s8 =	sadd.s32 s1, s15;
	[dreg:$0x6] =	wrdreg s14  }
0xc: {  	s9 =	sor.u32 $0x2000, s7;
	s10 =	sadd.s32 s1, s16;
	[dreg:$0x7] =	wrdreg s8  }
0xd: {  	s18 =	sor.u32 $0x2800, s7;
	s17 =	sadd.s32 s1, s9;
	[dreg:$0x8] =	wrdreg s10  }
0xe: {  	s4 =	ssub.s32 s4, s11;
	s11 =	sadd.s32 s1, s18;
	[dreg:$0x9] =	wrdreg s17  }
0xf: {  	s30 =	simm.s32 $0x5;
	s6 =	sadd.s32 s0, s13;
	[dreg:$0xa] =	wrdreg s11  }
0x10: {  	s31 =	simm.s32 $0x6;
	s19 =	sadd.s32 s0, s16;
	[dreg:$0xb] =	wrdreg s6  }
0x11: {  	s21 =	sor.u32 $0x3000, s7;
	s20 =	sadd.s32 s0, s9;
	[dreg:$0xd] =	wrdreg s19  }
0x12: {  	s5 =	sshll.u32 s5, $0xE;
	s22 =	sadd.s32 s1, s21;
	[dreg:$0xe] =	wrdreg s20  }
0x13: {  	s24 =	sor.u32 $0x3800, s7;
	s23 =	sadd.s32 s0, s18;
	[dreg:$0xf] =	wrdreg s22  }
0x14: {  	s26 =	sor.u32 $0x4000, s7;
	s25 =	sadd.s32 s1, s24;
	[dreg:$0x10] =	wrdreg s23  }
0x15: {  	s9 =	sadd.s32 s1, s26;
	s16 =	sor.u32 $0x6000, s7;
	[dreg:$0x11] =	wrdreg s25  }
0x16: {  	s18 =	sor.u32 $0x6800, s7;
	s2 =	sadd.s32 s0, s15;
	[dreg:$0x13] =	wrdreg s9  }
0x17: {  	s6 =	sadd.s32 s0, s24;
	s10 =	sor.u32 $0x4800, s7;
	[dreg:$0xc] =	wrdreg s2  }
0x18: {  	s12 =	sor.u32 $0x5000, s7;
	s17 =	sadd.s32 s1, s16;
	[dreg:$0x14] =	wrdreg s6  }
0x19: {  	s14 =	sor.u32 $0x5800, s7;
	s19 =	sadd.s32 s1, s18;
	[dreg:$0x1c] =	wrdreg s17  }
0x1a: {  	s20 =	sadd.s32 s0, s18;
	s22 =	sadd.s32 s0, s7;
	[dreg:$0x1e] =	wrdreg s19  }
0x1b: {  	s23 =	sor.u32 $0x7000, s7;
	s24 =	sor.u32 $0x7800, s7;
	[dreg:$0x1f] =	wrdreg s20  }
0x1c: {  	s2 =	sadd.s32 s0, s21;
	s11 =	sadd.s32 s1, s10;
	[smem:$0x7FB] =	sst s22  }
0x1d: {  	s6 =	sadd.s32 s0, s10;
	s13 =	sadd.s32 s1, s12;
	[dreg:$0x12] =	wrdreg s2  }
0x1e: {  	s15 =	sadd.s32 s1, s14;
	s21 =	sadd.s32 s1, s7;
	[dreg:$0x16] =	wrdreg s11  }
0x1f: {  	s25 =	sadd.s32 s1, s23;
	s7 =	sadd.s32 s0, s24;
	[dreg:$0x17] =	wrdreg s6  }
0x20: {  	s17 =	smax.u32 s4, $0x1;
	s19 =	simm.s32 $0x800;
	[dreg:$0x18] =	wrdreg s13  }
0x21: {  	s20 =	simm.s32 $0x4800;
	s22 =	simm.s32 $0xC800;
	[dreg:$0x1a] =	wrdreg s15  }
0x22: {  	s4 =	simm.s32 $0x0;
	s2 =	sadd.s32 s0, s26;
	[smem:$0x7FA] =	sst s21  }
0x23: {  	s6 =	sadd.s32 s0, s14;
	[smem:$0x7FC] =	sst s25;
	s26 =	sadd.s32 s5, s0  }
0x24: {  	s11 =	sadd.s32 s1, s24;
	s21 =	simm.s32 $0x8800;
	s24 =	simm.s32 $0x14800  }
0x25: {  	s25 =	simm.s32 $0x1;
	[dreg:$0x15] =	wrdreg s2;
	s2 =	sadd.s32 s0, s12  }
0x26: {  	s8 =	sadd.s32 $0x100000, s26;
	s9 =	sadd.s32 $0x100800, s26;
	s10 =	sadd.s32 $0x101000, s26  }
0x27: {  	[dreg:$0x1b] =	wrdreg s6;
	s12 =	sadd.s32 $0x101800, s26;
	s13 =	sadd.s32 $0x102800, s26  }
0x28: {  	s14 =	sadd.s32 $0x102000, s26;
	s15 =	sadd.s32 $0x103000, s26;
	[dreg:$0x19] =	wrdreg s2  }
0x29: {  	s2 =	sadd.s32 s0, s16;
	s16 =	sadd.s32 $0x103800, s26;
	s26 =	simm.s32 $0x2  }
0x2a: {  	[dreg:$0x1d] =	wrdreg s2;
	s2 =	sadd.s32 s0, s23;
	s23 =	simm.s32 $0x10800  }
0x2b: {  	s0 =	simm.s32 $0x7;
	[smem:$0x7FD] =	sst s2;
	s2 =	simm.s32 $0x80  }
.LBB2_1:
0x2c: {  	s5 =	rddreg [dreg:$0x4]  }
0x2d: {  	[tilespmem:s3], [sflag:$0x7] =	stream.linear.gather [hbm4b:s5+s3], $0x400, $0x38;
	[tilespmem:$0x18800] =	vst v63  }
0x2e: {  	s18 =	rddreg [dreg:$0x5];
	s6 =	simm.s32 $0x400  }
0x2f: {  	[tilespmem:s6], [sflag:$0x7] =	stream.linear.gather [hbm4b:s18+s3], $0x400, $0x38;
	[tilespmem:$0x18800] =	vst v63  }
0x30: {  	s18 =	sld [smem:$0x7FA];
	_ =	sdelay $0x2  }
0x31: {  	[tilespmem:s19], [sflag:$0x1] =	stream.linear.gather [hbm4b:s18+s3], $0x4000, $0x38;
	[tilespmem:$0x18800] =	vst v63  }
0x32: {  	s18 =	rddreg [dreg:$0x6]  }
0x33: {  	[tilespmem:s20], [sflag:$0x2] =	stream.linear.gather [hbm4b:s18+s3], $0x4000, $0x38;
	[tilespmem:$0x18800] =	vst v63  }
0x34: {  	s18 =	rddreg [dreg:$0x7]  }
0x35: {  	[tilespmem:s21], [sflag:$0x3] =	stream.linear.gather [hbm4b:s18+s3], $0x4000, $0x38;
	[tilespmem:$0x18800] =	vst v63  }
0x36: {  	s18 =	rddreg [dreg:$0x8]  }
0x37: {  	[tilespmem:s22], [sflag:$0x4] =	stream.linear.gather [hbm4b:s18+s3], $0x4000, $0x38;
	[tilespmem:$0x18800] =	vst v63  }
0x38: {  	s18 =	rddreg [dreg:$0x9]  }
0x39: {  	[tilespmem:s23], [sflag:$0x5] =	stream.linear.gather [hbm4b:s18+s3], $0x4000, $0x38;
	[tilespmem:$0x18800] =	vst v63  }
0x3a: {  	s18 =	rddreg [dreg:$0xa]  }
0x3b: {  	[tilespmem:s24], [sflag:$0x6] =	stream.linear.gather [hbm4b:s18+s3], $0x4000, $0x38;
	[tilespmem:$0x18800] =	vst v63  }
0x3c: {  	_ =	swait.ge [sflag:s25], $0x4000  }
0x3d: {  	s18 =	sld [smem:$0x7FB]  }
0x3e: {  	[sflag:s25] =	ssyncset.done $0x0  }
0x3f: {  	[sflag:s25] =	ssyncadd.s32 $0xFFFFC000  }
0x40: {  	[hbm4b:s18+s3] =	stream.linear.scatter [tilespmem:s19], [sflag:$0x1], $0x4000, $0x38;
	[tilespmem:$0x18800] =	vst v63  }
0x41: {  	_ =	swait.ge [sflag:s26], $0x4000  }
0x42: {  	[sflag:s26] =	ssyncset.done $0x0  }
0x43: {  	s18 =	rddreg [dreg:$0xb];
	[sflag:s26] =	ssyncadd.s32 $0xFFFFC000  }
0x44: {  	[hbm4b:s18+s3] =	stream.linear.scatter [tilespmem:s20], [sflag:$0x2], $0x4000, $0x38;
	[tilespmem:$0x18800] =	vst v63  }
0x45: {  	_ =	swait.ge [sflag:s28], $0x4000  }
0x46: {  	[sflag:s28] =	ssyncset.done $0x0  }
0x47: {  	s18 =	rddreg [dreg:$0xc];
	[sflag:s28] =	ssyncadd.s32 $0xFFFFC000  }
0x48: {  	[hbm4b:s18+s3] =	stream.linear.scatter [tilespmem:s21], [sflag:$0x3], $0x4000, $0x38;
	[tilespmem:$0x18800] =	vst v63  }
0x49: {  	_ =	swait.ge [sflag:s29], $0x4000  }
0x4a: {  	[sflag:s29] =	ssyncset.done $0x0  }
0x4b: {  	s18 =	rddreg [dreg:$0xd];
	[sflag:s29] =	ssyncadd.s32 $0xFFFFC000  }
0x4c: {  	[hbm4b:s18+s3] =	stream.linear.scatter [tilespmem:s22], [sflag:$0x4], $0x4000, $0x38;
	[tilespmem:$0x18800] =	vst v63  }
0x4d: {  	_ =	swait.ge [sflag:s30], $0x4000  }
0x4e: {  	[sflag:s30] =	ssyncset.done $0x0  }
0x4f: {  	s18 =	rddreg [dreg:$0xe];
	[sflag:s30] =	ssyncadd.s32 $0xFFFFC000  }
0x50: {  	[hbm4b:s18+s3] =	stream.linear.scatter [tilespmem:s23], [sflag:$0x5], $0x4000, $0x38;
	[tilespmem:$0x18800] =	vst v63  }
0x51: {  	_ =	swait.ge [sflag:s25], $0x4000  }
0x52: {  	[sflag:s25] =	ssyncset.done $0x0  }
0x53: {  	s18 =	rddreg [dreg:$0xf];
	[sflag:s25] =	ssyncadd.s32 $0xFFFFC000  }
0x54: {  	[tilespmem:s19], [sflag:$0x1] =	stream.linear.gather [hbm4b:s18+s3], $0x4000, $0x38;
	[tilespmem:$0x18800] =	vst v63  }
0x55: {  	_ =	swait.ge [sflag:s31], $0x4000  }
0x56: {  	[sflag:s31] =	ssyncset.done $0x0  }
0x57: {  	s18 =	rddreg [dreg:$0x10];
	[sflag:s31] =	ssyncadd.s32 $0xFFFFC000  }
0x58: {  	[hbm4b:s18+s3] =	stream.linear.scatter [tilespmem:s24], [sflag:$0x6], $0x4000, $0x38;
	[tilespmem:$0x18800] =	vst v63  }
0x59: {  	_ =	swait.ge [sflag:s26], $0x4000  }
0x5a: {  	[sflag:s26] =	ssyncset.done $0x0  }
0x5b: {  	s18 =	rddreg [dreg:$0x11];
	[sflag:s26] =	ssyncadd.s32 $0xFFFFC000  }
0x5c: {  	[tilespmem:s20], [sflag:$0x2] =	stream.linear.gather [hbm4b:s18+s3], $0x4000, $0x38;
	[tilespmem:$0x18800] =	vst v63  }
0x5d: {  	_ =	swait.ge [sflag:s25], $0x4000  }
0x5e: {  	[sflag:s25] =	ssyncset.done $0x0  }
0x5f: {  	s18 =	rddreg [dreg:$0x12];
	[sflag:s25] =	ssyncadd.s32 $0xFFFFC000  }
0x60: {  	[hbm4b:s18+s3] =	stream.linear.scatter [tilespmem:s19], [sflag:$0x1], $0x4000, $0x38;
	[tilespmem:$0x18800] =	vst v63  }
0x61: {  	_ =	swait.ge [sflag:s28], $0x4000  }
0x62: {  	[sflag:s28] =	ssyncset.done $0x0  }
0x63: {  	s18 =	rddreg [dreg:$0x13];
	[sflag:s28] =	ssyncadd.s32 $0xFFFFC000  }
0x64: {  	[tilespmem:s21], [sflag:$0x3] =	stream.linear.gather [hbm4b:s18+s3], $0x4000, $0x38;
	[tilespmem:$0x18800] =	vst v63  }
0x65: {  	_ =	swait.ge [sflag:s26], $0x4000  }
0x66: {  	[sflag:s26] =	ssyncset.done $0x0  }
0x67: {  	s18 =	rddreg [dreg:$0x14];
	[sflag:s26] =	ssyncadd.s32 $0xFFFFC000  }
0x68: {  	[hbm4b:s18+s3] =	stream.linear.scatter [tilespmem:s20], [sflag:$0x2], $0x4000, $0x38;
	[tilespmem:$0x18800] =	vst v63  }
0x69: {  	_ =	swait.ge [sflag:s29], $0x4000  }
0x6a: {  	[sflag:s29] =	ssyncset.done $0x0  }
0x6b: {  	s18 =	rddreg [dreg:$0x16];
	[sflag:s29] =	ssyncadd.s32 $0xFFFFC000  }
0x6c: {  	[tilespmem:s22], [sflag:$0x4] =	stream.linear.gather [hbm4b:s18+s3], $0x4000, $0x38;
	[tilespmem:$0x18800] =	vst v63  }
0x6d: {  	_ =	swait.ge [sflag:s28], $0x4000  }
0x6e: {  	[sflag:s28] =	ssyncset.done $0x0  }
0x6f: {  	s18 =	rddreg [dreg:$0x15];
	[sflag:s28] =	ssyncadd.s32 $0xFFFFC000  }
0x70: {  	[hbm4b:s18+s3] =	stream.linear.scatter [tilespmem:s21], [sflag:$0x3], $0x4000, $0x38;
	[tilespmem:$0x18800] =	vst v63  }
0x71: {  	_ =	swait.ge [sflag:s30], $0x4000  }
0x72: {  	[sflag:s30] =	ssyncset.done $0x0  }
0x73: {  	s18 =	rddreg [dreg:$0x18];
	[sflag:s30] =	ssyncadd.s32 $0xFFFFC000  }
0x74: {  	[tilespmem:s23], [sflag:$0x5] =	stream.linear.gather [hbm4b:s18+s3], $0x4000, $0x38;
	[tilespmem:$0x18800] =	vst v63  }
0x75: {  	_ =	swait.ge [sflag:s29], $0x4000  }
0x76: {  	[sflag:s29] =	ssyncset.done $0x0  }
0x77: {  	s18 =	rddreg [dreg:$0x17];
	[sflag:s29] =	ssyncadd.s32 $0xFFFFC000  }
0x78: {  	[hbm4b:s18+s3] =	stream.linear.scatter [tilespmem:s22], [sflag:$0x4], $0x4000, $0x38;
	[tilespmem:$0x18800] =	vst v63  }
0x79: {  	_ =	swait.ge [sflag:s31], $0x4000  }
0x7a: {  	[sflag:s31] =	ssyncset.done $0x0  }
0x7b: {  	s18 =	rddreg [dreg:$0x1a];
	[sflag:s31] =	ssyncadd.s32 $0xFFFFC000  }
0x7c: {  	[tilespmem:s24], [sflag:$0x6] =	stream.linear.gather [hbm4b:s18+s3], $0x4000, $0x38;
	[tilespmem:$0x18800] =	vst v63  }
0x7d: {  	_ =	swait.ge [sflag:s30], $0x4000  }
0x7e: {  	[sflag:s30] =	ssyncset.done $0x0  }
0x7f: {  	s18 =	rddreg [dreg:$0x19];
	[sflag:s30] =	ssyncadd.s32 $0xFFFFC000  }
0x80: {  	[hbm4b:s18+s3] =	stream.linear.scatter [tilespmem:s23], [sflag:$0x5], $0x4000, $0x38;
	[tilespmem:$0x18800] =	vst v63  }
0x81: {  	_ =	swait.ge [sflag:s25], $0x4000  }
0x82: {  	[sflag:s25] =	ssyncset.done $0x0  }
0x83: {  	s18 =	rddreg [dreg:$0x1c];
	[sflag:s25] =	ssyncadd.s32 $0xFFFFC000  }
0x84: {  	[tilespmem:s19], [sflag:$0x1] =	stream.linear.gather [hbm4b:s18+s3], $0x4000, $0x38;
	[tilespmem:$0x18800] =	vst v63  }
0x85: {  	_ =	swait.ge [sflag:s31], $0x4000  }
0x86: {  	[sflag:s31] =	ssyncset.done $0x0  }
0x87: {  	s18 =	rddreg [dreg:$0x1b];
	[sflag:s31] =	ssyncadd.s32 $0xFFFFC000  }
0x88: {  	[hbm4b:s18+s3] =	stream.linear.scatter [tilespmem:s24], [sflag:$0x6], $0x4000, $0x38;
	[tilespmem:$0x18800] =	vst v63  }
0x89: {  	_ =	swait.ge [sflag:s26], $0x4000  }
0x8a: {  	[sflag:s26] =	ssyncset.done $0x0  }
0x8b: {  	s18 =	rddreg [dreg:$0x1e];
	[sflag:s26] =	ssyncadd.s32 $0xFFFFC000  }
0x8c: {  	[tilespmem:s20], [sflag:$0x2] =	stream.linear.gather [hbm4b:s18+s3], $0x4000, $0x38;
	[tilespmem:$0x18800] =	vst v63  }
0x8d: {  	_ =	swait.ge [sflag:s25], $0x4000  }
0x8e: {  	[sflag:s25] =	ssyncset.done $0x0  }
0x8f: {  	s18 =	rddreg [dreg:$0x1d];
	[sflag:s25] =	ssyncadd.s32 $0xFFFFC000  }
0x90: {  	[hbm4b:s18+s3] =	stream.linear.scatter [tilespmem:s19], [sflag:$0x1], $0x4000, $0x38;
	[tilespmem:$0x18800] =	vst v63  }
0x91: {  	_ =	swait.ge [sflag:s28], $0x4000  }
0x92: {  	s18 =	sld [smem:$0x7FC]  }
0x93: {  	[sflag:s28] =	ssyncset.done $0x0  }
0x94: {  	[sflag:s28] =	ssyncadd.s32 $0xFFFFC000  }
0x95: {  	[tilespmem:s21], [sflag:$0x3] =	stream.linear.gather [hbm4b:s18+s3], $0x4000, $0x38;
	[tilespmem:$0x18800] =	vst v63  }
0x96: {  	_ =	swait.ge [sflag:s26], $0x4000  }
0x97: {  	[sflag:s26] =	ssyncset.done $0x0  }
0x98: {  	s18 =	rddreg [dreg:$0x1f];
	[sflag:s26] =	ssyncadd.s32 $0xFFFFC000  }
0x99: {  	[hbm4b:s18+s3] =	stream.linear.scatter [tilespmem:s20], [sflag:$0x2], $0x4000, $0x38;
	[tilespmem:$0x18800] =	vst v63  }
0x9a: {  	_ =	swait.ge [sflag:s29], $0x4000  }
0x9b: {  	[sflag:s29] =	ssyncset.done $0x0  }
0x9c: {  	[sflag:s29] =	ssyncadd.s32 $0xFFFFC000  }
0x9d: {  	[tilespmem:s22], [sflag:$0x4] =	stream.linear.gather [hbm4b:s11+s3], $0x4000, $0x38;
	[tilespmem:$0x18800] =	vst v63  }
0x9e: {  	_ =	swait.ge [sflag:s28], $0x4000  }
0x9f: {  	s18 =	sld [smem:$0x7FD]  }
0xa0: {  	[sflag:s28] =	ssyncset.done $0x0  }
0xa1: {  	[sflag:s28] =	ssyncadd.s32 $0xFFFFC000  }
0xa2: {  	[hbm4b:s18+s3] =	stream.linear.scatter [tilespmem:s21], [sflag:$0x3], $0x4000, $0x38;
	[tilespmem:$0x18800] =	vst v63  }
0xa3: {  	_ =	swait.ge [sflag:s29], $0x4000  }
0xa4: {  	[sflag:s29] =	ssyncset.done $0x0  }
0xa5: {  	[sflag:s29] =	ssyncadd.s32 $0xFFFFC000  }
0xa6: {  	[hbm4b:s7+s3] =	stream.linear.scatter [tilespmem:s22], [sflag:$0x4], $0x4000, $0x38;
	[tilespmem:$0x18800] =	vst v63  }
0xa7: {  	_ =	swait.ge [sflag:s25], $0x4000  }
0xa8: {  	[sflag:s25] =	ssyncset.done $0x0  }
0xa9: {  	[sflag:s25] =	ssyncadd.s32 $0xFFFFC000  }
0xaa: {  	_ =	swait.ge [sflag:s26], $0x4000  }
0xab: {  	[sflag:s26] =	ssyncset.done $0x0  }
0xac: {  	[sflag:s26] =	ssyncadd.s32 $0xFFFFC000  }
0xad: {  	_ =	swait.ge [sflag:s28], $0x4000  }
0xae: {  	[sflag:s28] =	ssyncset.done $0x0  }
0xaf: {  	[sflag:s28] =	ssyncadd.s32 $0xFFFFC000  }
0xb0: {  	_ =	swait.ge [sflag:s29], $0x4000  }
0xb1: {  	[sflag:s29] =	ssyncset.done $0x0  }
0xb2: {  	[sflag:s29] =	ssyncadd.s32 $0xFFFFC000  }
0xb3: {  	_ =	swait.ge [sflag:s30], $0x4000  }
0xb4: {  	[sflag:s30] =	ssyncset.done $0x0  }
0xb5: {  	[sflag:s30] =	ssyncadd.s32 $0xFFFFC000  }
0xb6: {  	_ =	swait.ge [sflag:s31], $0x4000  }
0xb7: {  	[sflag:s31] =	ssyncset.done $0x0  }
0xb8: {  	[sflag:s31] =	ssyncadd.s32 $0xFFFFC000  }
0xb9: {  	_ =	swait.ge [sflag:s0], $0x400  }
0xba: {  	[sflag:s0] =	ssyncset.done $0x0  }
0xbb: {  	[sflag:s0] =	ssyncadd.s32 $0xFFFFFC00  }
0xbc: {  	_ =	swait.ge [sflag:s0], $0x400  }
0xbd: {  	[sflag:s0] =	ssyncset.done $0x0  }
0xbe: {  	[sflag:s0] =	ssyncadd.s32 $0xFFFFFC00  }
0xbf: {  	[tilespmem:s19], [sflag:$0x1] =	stream.indirect.gather [hbm4b:s1+s2], $0x80, s3, s2, $0xb8;
	[tilespmem:$0x18800] =	vst v63  }
0xc0: {  	_ = 	snop  }
0xc1: {  	[tilespmem:s22], [sflag:$0x1] =	stream.indirect.gather [hbm4b:s1+s2], $0x80, s6, s2, $0xb8;
	[tilespmem:$0x18800] =	vst v63  }
0xc2: {  	_ = 	snop  }
0xc3: {  	[tilespmem:s20], [sflag:$0x2] =	stream.indirect.gather [hbm4b:s1+s2], $0x80, s2, s2, $0xb8;
	[tilespmem:$0x18800] =	vst v63  }
0xc4: {  	s18 =	simm.s32 $0x480  }
0xc5: {  	[tilespmem:s23], [sflag:$0x2] =	stream.indirect.gather [hbm4b:s1+s2], $0x80, s18, s2, $0xb8;
	[tilespmem:$0x18800] =	vst v63  }
0xc6: {  	s6 =	simm.s32 $0x100  }
0xc7: {  	[tilespmem:s21], [sflag:$0x3] =	stream.indirect.gather [hbm4b:s1+s2], $0x80, s6, s2, $0xb8;
	[tilespmem:$0x18800] =	vst v63  }
0xc8: {  	s18 =	simm.s32 $0x500  }
0xc9: {  	[tilespmem:s24], [sflag:$0x3] =	stream.indirect.gather [hbm4b:s1+s2], $0x80, s18, s2, $0xb8;
	[tilespmem:$0x18800] =	vst v63  }
0xca: {  	_ =	swait.ge [sflag:s25], $0x4000  }
0xcb: {  	[sflag:s25] =	ssyncset.done $0x0  }
0xcc: {  	[sflag:s25] =	ssyncadd.s32 $0xFFFFC000  }
0xcd: {  	_ =	swait.ge [sflag:s25], $0x4000  }
0xce: {  	[sflag:s25] =	ssyncset.done $0x0  }
0xcf: {  	s18 =	simm.s32 $0x0;
	[sflag:s25] =	ssyncadd.s32 $0xFFFFC000  }
0xd0: {  	v6 =	vld [tilespmem:s18+$0xC800]  }
0xd1: {  	v11 =	vld [tilespmem:s18+$0xC810]  }
0xd2: {  	v5 =	vld [tilespmem:s18+$0xC820]  }
0xd3: {  	v4 =	vld [tilespmem:s18+$0xC830]  }
0xd4: {  	v3 =	vld [tilespmem:s18+$0xC840]  }
0xd5: {  	v2 =	vld [tilespmem:s18+$0xC850]  }
0xd6: {  	v1 =	vld [tilespmem:s18+$0xC860]  }
0xd7: {  	v0 =	vld [tilespmem:s18+$0xC870]  }
0xd8: {  	v12 =	vld [tilespmem:s18+$0x800]  }
0xd9: {  	v13 =	vld [tilespmem:s18+$0x810]  }
0xda: {  	v10 =	vld [tilespmem:s18+$0x820]  }
0xdb: {  	v9 =	vld [tilespmem:s18+$0x830]  }
0xdc: {  	v8 =	vld [tilespmem:s18+$0x840]  }
0xdd: {  	v7 =	vld [tilespmem:s18+$0x850];
	v12 =	vadd.f32 v6, v12  }
0xde: {  	s5 =	simm.s32 $0x200;
	v11 =	vadd.f32 v11, v13;
	v6 =	vld [tilespmem:s18+$0x860]  }
.LBB2_2:
0xdf: {  	s6 =	sshra.s32 s5, $0x2;
	p0 =	sne.s32 s5, $0xFE00;
	v12 =	vmul.f32 $5.000000000e-01, v12;
	v5 =	vadd.f32 v5, v10;
	v10 =	vld [tilespmem:s18+$0x870]  }
0xe0: {  	v13 =	vld [tilespmem:s6+$0xC800];
	v11 =	vmul.f32 $5.000000000e-01, v11;
	v4 =	vadd.f32 v4, v9  }
0xe1: {  	v14 =	vld [tilespmem:s6+$0xC810];
	[tilespmem:s18+$0x800] =	vst v12;
	v9 =	vmul.f32 $5.000000000e-01, v5;
	v3 =	vadd.f32 v3, v8  }
0xe2: {  	v5 =	vld [tilespmem:s6+$0xC820];
	[tilespmem:s18+$0x810] =	vst v11;
	v8 =	vmul.f32 $5.000000000e-01, v4;
	v2 =	vadd.f32 v2, v7  }
0xe3: {  	v4 =	vld [tilespmem:s6+$0xC830];
	[tilespmem:s18+$0x820] =	vst v9;
	v7 =	vmul.f32 $5.000000000e-01, v3;
	v1 =	vadd.f32 v1, v6  }
0xe4: {  	v3 =	vld [tilespmem:s6+$0xC840];
	[tilespmem:s18+$0x830] =	vst v8;
	v6 =	vmul.f32 $5.000000000e-01, v2;
	v0 =	vadd.f32 v0, v10  }
0xe5: {  	v2 =	vld [tilespmem:s6+$0xC850];
	[tilespmem:s18+$0x840] =	vst v7;
	v7 =	vmul.f32 $5.000000000e-01, v1  }
0xe6: {  	v1 =	vld [tilespmem:s6+$0xC860];
	[tilespmem:s18+$0x850] =	vst v6;
	v6 =	vmul.f32 $5.000000000e-01, v0  }
0xe7: {  	v0 =	vld [tilespmem:s6+$0xC870];
	[tilespmem:s18+$0x860] =	vst v7  }
0xe8: {  	v7 =	vld [tilespmem:s6+$0x800];
	[tilespmem:s18+$0x870] =	vst v6;
	s18 =	smov.u32 s6  }
0xe9: {  	v6 =	vld [tilespmem:s18+$0x810]  }
.Ltmp0:
0xea: {  	v10 =	vld [tilespmem:s18+$0x820];
	(pc) =	sbr.rel @p0 .LBB2_2-.Ltmp0, $4  }
0xeb: {  	v9 =	vld [tilespmem:s18+$0x830]  }
0xec: {  	v8 =	vld [tilespmem:s18+$0x840]  }
0xed: {  	v12 =	vadd.f32 v13, v7;
	v7 =	vld [tilespmem:s18+$0x850]  }
0xee: {  	s5 =	sadd.s32 $0x200, s5;
	v11 =	vadd.f32 v14, v6;
	v6 =	vld [tilespmem:s18+$0x860]  }
0xef: {  	v12 =	vmul.f32 $5.000000000e-01, v12;
	v5 =	vadd.f32 v5, v10;
	v10 =	vld [tilespmem:s18+$0x870]  }
0xf0: {  	v11 =	vmul.f32 $5.000000000e-01, v11;
	v4 =	vadd.f32 v4, v9  }
0xf1: {  	[tilespmem:s18+$0x800] =	vst v12;
	v5 =	vmul.f32 $5.000000000e-01, v5;
	v3 =	vadd.f32 v3, v8  }
0xf2: {  	[tilespmem:s18+$0x810] =	vst v11;
	v4 =	vmul.f32 $5.000000000e-01, v4;
	v2 =	vadd.f32 v2, v7  }
0xf3: {  	[tilespmem:s18+$0x820] =	vst v5;
	v3 =	vmul.f32 $5.000000000e-01, v3;
	v1 =	vadd.f32 v1, v6  }
0xf4: {  	[tilespmem:s18+$0x830] =	vst v4;
	v2 =	vmul.f32 $5.000000000e-01, v2;
	v0 =	vadd.f32 v0, v10  }
0xf5: {  	[tilespmem:s18+$0x840] =	vst v3;
	v1 =	vmul.f32 $5.000000000e-01, v1  }
0xf6: {  	[tilespmem:s18+$0x850] =	vst v2;
	v0 =	vmul.f32 $5.000000000e-01, v0  }
0xf7: {  	[tilespmem:s18+$0x860] =	vst v1  }
0xf8: {  	s5 =	simm.s32 $0x0;
	[tilespmem:s18+$0x870] =	vst v0  }
0xf9: {  	[hbm4b:s8+s5] =	stream.linear.scatter [tilespmem:s19], [sflag:$0x4], $0x4000, $0x38;
	[tilespmem:$0x18800] =	vst v63  }
0xfa: {  	_ =	swait.ge [sflag:s29], $0x4000  }
0xfb: {  	[sflag:s29] =	ssyncset.done $0x0  }
0xfc: {  	s6 =	simm.s32 $0x180;
	[sflag:s29] =	ssyncadd.s32 $0xFFFFC000  }
0xfd: {  	[tilespmem:s19], [sflag:$0x1] =	stream.indirect.gather [hbm4b:s1+s2], $0x80, s6, s2, $0xb8;
	[tilespmem:$0x18800] =	vst v63  }
0xfe: {  	s18 =	simm.s32 $0x580  }
0xff: {  	[tilespmem:s22], [sflag:$0x1] =	stream.indirect.gather [hbm4b:s1+s2], $0x80, s18, s2, $0xb8;
	[tilespmem:$0x18800] =	vst v63  }
0x100: {  	_ =	swait.ge [sflag:s26], $0x4000  }
0x101: {  	[sflag:s26] =	ssyncset.done $0x0  }
0x102: {  	[sflag:s26] =	ssyncadd.s32 $0xFFFFC000  }
0x103: {  	_ =	swait.ge [sflag:s26], $0x4000  }
0x104: {  	[sflag:s26] =	ssyncset.done $0x0  }
0x105: {  	s18 =	simm.s32 $0x0;
	[sflag:s26] =	ssyncadd.s32 $0xFFFFC000  }
0x106: {  	v6 =	vld [tilespmem:s18+$0x10800]  }
0x107: {  	v11 =	vld [tilespmem:s18+$0x10810]  }
0x108: {  	v5 =	vld [tilespmem:s18+$0x10820]  }
0x109: {  	v4 =	vld [tilespmem:s18+$0x10830]  }
0x10a: {  	v3 =	vld [tilespmem:s18+$0x10840]  }
0x10b: {  	v2 =	vld [tilespmem:s18+$0x10850]  }
0x10c: {  	v1 =	vld [tilespmem:s18+$0x10860]  }
0x10d: {  	v0 =	vld [tilespmem:s18+$0x10870]  }
0x10e: {  	v12 =	vld [tilespmem:s18+$0x4800]  }
0x10f: {  	v13 =	vld [tilespmem:s18+$0x4810]  }
0x110: {  	v10 =	vld [tilespmem:s18+$0x4820]  }
0x111: {  	v9 =	vld [tilespmem:s18+$0x4830]  }
0x112: {  	v8 =	vld [tilespmem:s18+$0x4840]  }
0x113: {  	v7 =	vld [tilespmem:s18+$0x4850];
	v12 =	vadd.f32 v6, v12  }
0x114: {  	s5 =	simm.s32 $0x200;
	v11 =	vadd.f32 v11, v13;
	v6 =	vld [tilespmem:s18+$0x4860]  }
.LBB2_4:
0x115: {  	s6 =	sshra.s32 s5, $0x2;
	p0 =	sne.s32 s5, $0xFE00;
	v12 =	vmul.f32 $5.000000000e-01, v12;
	v5 =	vadd.f32 v5, v10;
	v10 =	vld [tilespmem:s18+$0x4870]  }
0x116: {  	v13 =	vld [tilespmem:s6+$0x10800];
	v11 =	vmul.f32 $5.000000000e-01, v11;
	v4 =	vadd.f32 v4, v9  }
0x117: {  	v14 =	vld [tilespmem:s6+$0x10810];
	[tilespmem:s18+$0x4800] =	vst v12;
	v9 =	vmul.f32 $5.000000000e-01, v5;
	v3 =	vadd.f32 v3, v8  }
0x118: {  	v5 =	vld [tilespmem:s6+$0x10820];
	[tilespmem:s18+$0x4810] =	vst v11;
	v8 =	vmul.f32 $5.000000000e-01, v4;
	v2 =	vadd.f32 v2, v7  }
0x119: {  	v4 =	vld [tilespmem:s6+$0x10830];
	[tilespmem:s18+$0x4820] =	vst v9;
	v7 =	vmul.f32 $5.000000000e-01, v3;
	v1 =	vadd.f32 v1, v6  }
0x11a: {  	v3 =	vld [tilespmem:s6+$0x10840];
	[tilespmem:s18+$0x4830] =	vst v8;
	v6 =	vmul.f32 $5.000000000e-01, v2;
	v0 =	vadd.f32 v0, v10  }
0x11b: {  	v2 =	vld [tilespmem:s6+$0x10850];
	[tilespmem:s18+$0x4840] =	vst v7;
	v7 =	vmul.f32 $5.000000000e-01, v1  }
0x11c: {  	v1 =	vld [tilespmem:s6+$0x10860];
	[tilespmem:s18+$0x4850] =	vst v6;
	v6 =	vmul.f32 $5.000000000e-01, v0  }
0x11d: {  	v0 =	vld [tilespmem:s6+$0x10870];
	[tilespmem:s18+$0x4860] =	vst v7  }
0x11e: {  	v7 =	vld [tilespmem:s6+$0x4800];
	[tilespmem:s18+$0x4870] =	vst v6;
	s18 =	smov.u32 s6  }
0x11f: {  	v6 =	vld [tilespmem:s18+$0x4810]  }
.Ltmp1:
0x120: {  	v10 =	vld [tilespmem:s18+$0x4820];
	(pc) =	sbr.rel @p0 .LBB2_4-.Ltmp1, $4  }
0x121: {  	v9 =	vld [tilespmem:s18+$0x4830]  }
0x122: {  	v8 =	vld [tilespmem:s18+$0x4840]  }
0x123: {  	v12 =	vadd.f32 v13, v7;
	v7 =	vld [tilespmem:s18+$0x4850]  }
0x124: {  	s5 =	sadd.s32 $0x200, s5;
	v11 =	vadd.f32 v14, v6;
	v6 =	vld [tilespmem:s18+$0x4860]  }
0x125: {  	v12 =	vmul.f32 $5.000000000e-01, v12;
	v5 =	vadd.f32 v5, v10;
	v10 =	vld [tilespmem:s18+$0x4870]  }
0x126: {  	v11 =	vmul.f32 $5.000000000e-01, v11;
	v4 =	vadd.f32 v4, v9  }
0x127: {  	[tilespmem:s18+$0x4800] =	vst v12;
	v5 =	vmul.f32 $5.000000000e-01, v5;
	v3 =	vadd.f32 v3, v8  }
0x128: {  	[tilespmem:s18+$0x4810] =	vst v11;
	v4 =	vmul.f32 $5.000000000e-01, v4;
	v2 =	vadd.f32 v2, v7  }
0x129: {  	[tilespmem:s18+$0x4820] =	vst v5;
	v3 =	vmul.f32 $5.000000000e-01, v3;
	v1 =	vadd.f32 v1, v6  }
0x12a: {  	[tilespmem:s18+$0x4830] =	vst v4;
	v2 =	vmul.f32 $5.000000000e-01, v2;
	v0 =	vadd.f32 v0, v10  }
0x12b: {  	[tilespmem:s18+$0x4840] =	vst v3;
	v1 =	vmul.f32 $5.000000000e-01, v1  }
0x12c: {  	[tilespmem:s18+$0x4850] =	vst v2;
	v0 =	vmul.f32 $5.000000000e-01, v0  }
0x12d: {  	[tilespmem:s18+$0x4860] =	vst v1  }
0x12e: {  	s5 =	simm.s32 $0x0;
	[tilespmem:s18+$0x4870] =	vst v0  }
0x12f: {  	[hbm4b:s9+s5] =	stream.linear.scatter [tilespmem:s20], [sflag:$0x5], $0x4000, $0x38;
	[tilespmem:$0x18800] =	vst v63  }
0x130: {  	_ =	swait.ge [sflag:s30], $0x4000  }
0x131: {  	[sflag:s30] =	ssyncset.done $0x0  }
0x132: {  	s6 =	simm.s32 $0x200;
	[sflag:s30] =	ssyncadd.s32 $0xFFFFC000  }
0x133: {  	[tilespmem:s20], [sflag:$0x2] =	stream.indirect.gather [hbm4b:s1+s2], $0x80, s6, s2, $0xb8;
	[tilespmem:$0x18800] =	vst v63  }
0x134: {  	s18 =	simm.s32 $0x600  }
0x135: {  	[tilespmem:s23], [sflag:$0x2] =	stream.indirect.gather [hbm4b:s1+s2], $0x80, s18, s2, $0xb8;
	[tilespmem:$0x18800] =	vst v63  }
0x136: {  	_ =	swait.ge [sflag:s28], $0x4000  }
0x137: {  	[sflag:s28] =	ssyncset.done $0x0  }
0x138: {  	[sflag:s28] =	ssyncadd.s32 $0xFFFFC000  }
0x139: {  	_ =	swait.ge [sflag:s28], $0x4000  }
0x13a: {  	[sflag:s28] =	ssyncset.done $0x0  }
0x13b: {  	s18 =	simm.s32 $0x0;
	[sflag:s28] =	ssyncadd.s32 $0xFFFFC000  }
0x13c: {  	v6 =	vld [tilespmem:s18+$0x14800]  }
0x13d: {  	v11 =	vld [tilespmem:s18+$0x14810]  }
0x13e: {  	v5 =	vld [tilespmem:s18+$0x14820]  }
0x13f: {  	v4 =	vld [tilespmem:s18+$0x14830]  }
0x140: {  	v3 =	vld [tilespmem:s18+$0x14840]  }
0x141: {  	v2 =	vld [tilespmem:s18+$0x14850]  }
0x142: {  	v1 =	vld [tilespmem:s18+$0x14860]  }
0x143: {  	v0 =	vld [tilespmem:s18+$0x14870]  }
0x144: {  	v12 =	vld [tilespmem:s18+$0x8800]  }
0x145: {  	v13 =	vld [tilespmem:s18+$0x8810]  }
0x146: {  	v10 =	vld [tilespmem:s18+$0x8820]  }
0x147: {  	v9 =	vld [tilespmem:s18+$0x8830]  }
0x148: {  	v8 =	vld [tilespmem:s18+$0x8840]  }
0x149: {  	v7 =	vld [tilespmem:s18+$0x8850];
	v12 =	vadd.f32 v6, v12  }
0x14a: {  	s5 =	simm.s32 $0x200;
	v11 =	vadd.f32 v11, v13;
	v6 =	vld [tilespmem:s18+$0x8860]  }
.LBB2_6:
0x14b: {  	s6 =	sshra.s32 s5, $0x2;
	p0 =	sne.s32 s5, $0xFE00;
	v12 =	vmul.f32 $5.000000000e-01, v12;
	v5 =	vadd.f32 v5, v10;
	v10 =	vld [tilespmem:s18+$0x8870]  }
0x14c: {  	v13 =	vld [tilespmem:s6+$0x14800];
	v11 =	vmul.f32 $5.000000000e-01, v11;
	v4 =	vadd.f32 v4, v9  }
0x14d: {  	v14 =	vld [tilespmem:s6+$0x14810];
	[tilespmem:s18+$0x8800] =	vst v12;
	v9 =	vmul.f32 $5.000000000e-01, v5;
	v3 =	vadd.f32 v3, v8  }
0x14e: {  	v5 =	vld [tilespmem:s6+$0x14820];
	[tilespmem:s18+$0x8810] =	vst v11;
	v8 =	vmul.f32 $5.000000000e-01, v4;
	v2 =	vadd.f32 v2, v7  }
0x14f: {  	v4 =	vld [tilespmem:s6+$0x14830];
	[tilespmem:s18+$0x8820] =	vst v9;
	v7 =	vmul.f32 $5.000000000e-01, v3;
	v1 =	vadd.f32 v1, v6  }
0x150: {  	v3 =	vld [tilespmem:s6+$0x14840];
	[tilespmem:s18+$0x8830] =	vst v8;
	v6 =	vmul.f32 $5.000000000e-01, v2;
	v0 =	vadd.f32 v0, v10  }
0x151: {  	v2 =	vld [tilespmem:s6+$0x14850];
	[tilespmem:s18+$0x8840] =	vst v7;
	v7 =	vmul.f32 $5.000000000e-01, v1  }
0x152: {  	v1 =	vld [tilespmem:s6+$0x14860];
	[tilespmem:s18+$0x8850] =	vst v6;
	v6 =	vmul.f32 $5.000000000e-01, v0  }
0x153: {  	v0 =	vld [tilespmem:s6+$0x14870];
	[tilespmem:s18+$0x8860] =	vst v7  }
0x154: {  	v7 =	vld [tilespmem:s6+$0x8800];
	[tilespmem:s18+$0x8870] =	vst v6;
	s18 =	smov.u32 s6  }
0x155: {  	v6 =	vld [tilespmem:s18+$0x8810]  }
.Ltmp2:
0x156: {  	v10 =	vld [tilespmem:s18+$0x8820];
	(pc) =	sbr.rel @p0 .LBB2_6-.Ltmp2, $4  }
0x157: {  	v9 =	vld [tilespmem:s18+$0x8830]  }
0x158: {  	v8 =	vld [tilespmem:s18+$0x8840]  }
0x159: {  	v12 =	vadd.f32 v13, v7;
	v7 =	vld [tilespmem:s18+$0x8850]  }
0x15a: {  	s5 =	sadd.s32 $0x200, s5;
	v11 =	vadd.f32 v14, v6;
	v6 =	vld [tilespmem:s18+$0x8860]  }
0x15b: {  	v12 =	vmul.f32 $5.000000000e-01, v12;
	v5 =	vadd.f32 v5, v10;
	v10 =	vld [tilespmem:s18+$0x8870]  }
0x15c: {  	v11 =	vmul.f32 $5.000000000e-01, v11;
	v4 =	vadd.f32 v4, v9  }
0x15d: {  	[tilespmem:s18+$0x8800] =	vst v12;
	v5 =	vmul.f32 $5.000000000e-01, v5;
	v3 =	vadd.f32 v3, v8  }
0x15e: {  	[tilespmem:s18+$0x8810] =	vst v11;
	v4 =	vmul.f32 $5.000000000e-01, v4;
	v2 =	vadd.f32 v2, v7  }
0x15f: {  	[tilespmem:s18+$0x8820] =	vst v5;
	v3 =	vmul.f32 $5.000000000e-01, v3;
	v1 =	vadd.f32 v1, v6  }
0x160: {  	[tilespmem:s18+$0x8830] =	vst v4;
	v2 =	vmul.f32 $5.000000000e-01, v2;
	v0 =	vadd.f32 v0, v10  }
0x161: {  	[tilespmem:s18+$0x8840] =	vst v3;
	v1 =	vmul.f32 $5.000000000e-01, v1  }
0x162: {  	[tilespmem:s18+$0x8850] =	vst v2;
	v0 =	vmul.f32 $5.000000000e-01, v0  }
0x163: {  	[tilespmem:s18+$0x8860] =	vst v1  }
0x164: {  	s5 =	simm.s32 $0x0;
	[tilespmem:s18+$0x8870] =	vst v0  }
0x165: {  	[hbm4b:s10+s5] =	stream.linear.scatter [tilespmem:s21], [sflag:$0x6], $0x4000, $0x38;
	[tilespmem:$0x18800] =	vst v63  }
0x166: {  	_ =	swait.ge [sflag:s31], $0x4000  }
0x167: {  	[sflag:s31] =	ssyncset.done $0x0  }
0x168: {  	s6 =	simm.s32 $0x280;
	[sflag:s31] =	ssyncadd.s32 $0xFFFFC000  }
0x169: {  	[tilespmem:s21], [sflag:$0x3] =	stream.indirect.gather [hbm4b:s1+s2], $0x80, s6, s2, $0xb8;
	[tilespmem:$0x18800] =	vst v63  }
0x16a: {  	s18 =	simm.s32 $0x680  }
0x16b: {  	[tilespmem:s24], [sflag:$0x3] =	stream.indirect.gather [hbm4b:s1+s2], $0x80, s18, s2, $0xb8;
	[tilespmem:$0x18800] =	vst v63  }
0x16c: {  	_ =	swait.ge [sflag:s25], $0x4000  }
0x16d: {  	[sflag:s25] =	ssyncset.done $0x0  }
0x16e: {  	[sflag:s25] =	ssyncadd.s32 $0xFFFFC000  }
0x16f: {  	_ =	swait.ge [sflag:s25], $0x4000  }
0x170: {  	[sflag:s25] =	ssyncset.done $0x0  }
0x171: {  	s18 =	simm.s32 $0x0;
	[sflag:s25] =	ssyncadd.s32 $0xFFFFC000  }
0x172: {  	v6 =	vld [tilespmem:s18+$0xC800]  }
0x173: {  	v11 =	vld [tilespmem:s18+$0xC810]  }
0x174: {  	v5 =	vld [tilespmem:s18+$0xC820]  }
0x175: {  	v4 =	vld [tilespmem:s18+$0xC830]  }
0x176: {  	v3 =	vld [tilespmem:s18+$0xC840]  }
0x177: {  	v2 =	vld [tilespmem:s18+$0xC850]  }
0x178: {  	v1 =	vld [tilespmem:s18+$0xC860]  }
0x179: {  	v0 =	vld [tilespmem:s18+$0xC870]  }
0x17a: {  	v12 =	vld [tilespmem:s18+$0x800]  }
0x17b: {  	v13 =	vld [tilespmem:s18+$0x810]  }
0x17c: {  	v10 =	vld [tilespmem:s18+$0x820]  }
0x17d: {  	v9 =	vld [tilespmem:s18+$0x830]  }
0x17e: {  	v8 =	vld [tilespmem:s18+$0x840]  }
0x17f: {  	v7 =	vld [tilespmem:s18+$0x850];
	v12 =	vadd.f32 v6, v12  }
0x180: {  	s5 =	simm.s32 $0x200;
	v11 =	vadd.f32 v11, v13;
	v6 =	vld [tilespmem:s18+$0x860]  }
.LBB2_8:
0x181: {  	s6 =	sshra.s32 s5, $0x2;
	p0 =	sne.s32 s5, $0xFE00;
	v12 =	vmul.f32 $5.000000000e-01, v12;
	v5 =	vadd.f32 v5, v10;
	v10 =	vld [tilespmem:s18+$0x870]  }
0x182: {  	v13 =	vld [tilespmem:s6+$0xC800];
	v11 =	vmul.f32 $5.000000000e-01, v11;
	v4 =	vadd.f32 v4, v9  }
0x183: {  	v14 =	vld [tilespmem:s6+$0xC810];
	[tilespmem:s18+$0x800] =	vst v12;
	v9 =	vmul.f32 $5.000000000e-01, v5;
	v3 =	vadd.f32 v3, v8  }
0x184: {  	v5 =	vld [tilespmem:s6+$0xC820];
	[tilespmem:s18+$0x810] =	vst v11;
	v8 =	vmul.f32 $5.000000000e-01, v4;
	v2 =	vadd.f32 v2, v7  }
0x185: {  	v4 =	vld [tilespmem:s6+$0xC830];
	[tilespmem:s18+$0x820] =	vst v9;
	v7 =	vmul.f32 $5.000000000e-01, v3;
	v1 =	vadd.f32 v1, v6  }
0x186: {  	v3 =	vld [tilespmem:s6+$0xC840];
	[tilespmem:s18+$0x830] =	vst v8;
	v6 =	vmul.f32 $5.000000000e-01, v2;
	v0 =	vadd.f32 v0, v10  }
0x187: {  	v2 =	vld [tilespmem:s6+$0xC850];
	[tilespmem:s18+$0x840] =	vst v7;
	v7 =	vmul.f32 $5.000000000e-01, v1  }
0x188: {  	v1 =	vld [tilespmem:s6+$0xC860];
	[tilespmem:s18+$0x850] =	vst v6;
	v6 =	vmul.f32 $5.000000000e-01, v0  }
0x189: {  	v0 =	vld [tilespmem:s6+$0xC870];
	[tilespmem:s18+$0x860] =	vst v7  }
0x18a: {  	v7 =	vld [tilespmem:s6+$0x800];
	[tilespmem:s18+$0x870] =	vst v6;
	s18 =	smov.u32 s6  }
0x18b: {  	v6 =	vld [tilespmem:s18+$0x810]  }
.Ltmp3:
0x18c: {  	v10 =	vld [tilespmem:s18+$0x820];
	(pc) =	sbr.rel @p0 .LBB2_8-.Ltmp3, $4  }
0x18d: {  	v9 =	vld [tilespmem:s18+$0x830]  }
0x18e: {  	v8 =	vld [tilespmem:s18+$0x840]  }
0x18f: {  	v12 =	vadd.f32 v13, v7;
	v7 =	vld [tilespmem:s18+$0x850]  }
0x190: {  	s5 =	sadd.s32 $0x200, s5;
	v11 =	vadd.f32 v14, v6;
	v6 =	vld [tilespmem:s18+$0x860]  }
0x191: {  	v12 =	vmul.f32 $5.000000000e-01, v12;
	v5 =	vadd.f32 v5, v10;
	v10 =	vld [tilespmem:s18+$0x870]  }
0x192: {  	v11 =	vmul.f32 $5.000000000e-01, v11;
	v4 =	vadd.f32 v4, v9  }
0x193: {  	[tilespmem:s18+$0x800] =	vst v12;
	v5 =	vmul.f32 $5.000000000e-01, v5;
	v3 =	vadd.f32 v3, v8  }
0x194: {  	[tilespmem:s18+$0x810] =	vst v11;
	v4 =	vmul.f32 $5.000000000e-01, v4;
	v2 =	vadd.f32 v2, v7  }
0x195: {  	[tilespmem:s18+$0x820] =	vst v5;
	v3 =	vmul.f32 $5.000000000e-01, v3;
	v1 =	vadd.f32 v1, v6  }
0x196: {  	[tilespmem:s18+$0x830] =	vst v4;
	v2 =	vmul.f32 $5.000000000e-01, v2;
	v0 =	vadd.f32 v0, v10  }
0x197: {  	[tilespmem:s18+$0x840] =	vst v3;
	v1 =	vmul.f32 $5.000000000e-01, v1  }
0x198: {  	[tilespmem:s18+$0x850] =	vst v2;
	v0 =	vmul.f32 $5.000000000e-01, v0  }
0x199: {  	[tilespmem:s18+$0x860] =	vst v1  }
0x19a: {  	s5 =	simm.s32 $0x0;
	[tilespmem:s18+$0x870] =	vst v0  }
0x19b: {  	[hbm4b:s12+s5] =	stream.linear.scatter [tilespmem:s19], [sflag:$0x4], $0x4000, $0x38;
	[tilespmem:$0x18800] =	vst v63  }
0x19c: {  	_ =	swait.ge [sflag:s29], $0x4000  }
0x19d: {  	[sflag:s29] =	ssyncset.done $0x0  }
0x19e: {  	s6 =	simm.s32 $0x300;
	[sflag:s29] =	ssyncadd.s32 $0xFFFFC000  }
0x19f: {  	[tilespmem:s19], [sflag:$0x1] =	stream.indirect.gather [hbm4b:s1+s2], $0x80, s6, s2, $0xb8;
	[tilespmem:$0x18800] =	vst v63  }
0x1a0: {  	s18 =	simm.s32 $0x700  }
0x1a1: {  	[tilespmem:s22], [sflag:$0x1] =	stream.indirect.gather [hbm4b:s1+s2], $0x80, s18, s2, $0xb8;
	[tilespmem:$0x18800] =	vst v63  }
0x1a2: {  	_ =	swait.ge [sflag:s26], $0x4000  }
0x1a3: {  	[sflag:s26] =	ssyncset.done $0x0  }
0x1a4: {  	[sflag:s26] =	ssyncadd.s32 $0xFFFFC000  }
0x1a5: {  	_ =	swait.ge [sflag:s26], $0x4000  }
0x1a6: {  	[sflag:s26] =	ssyncset.done $0x0  }
0x1a7: {  	s18 =	simm.s32 $0x0;
	[sflag:s26] =	ssyncadd.s32 $0xFFFFC000  }
0x1a8: {  	v6 =	vld [tilespmem:s18+$0x10800]  }
0x1a9: {  	v11 =	vld [tilespmem:s18+$0x10810]  }
0x1aa: {  	v5 =	vld [tilespmem:s18+$0x10820]  }
0x1ab: {  	v4 =	vld [tilespmem:s18+$0x10830]  }
0x1ac: {  	v3 =	vld [tilespmem:s18+$0x10840]  }
0x1ad: {  	v2 =	vld [tilespmem:s18+$0x10850]  }
0x1ae: {  	v1 =	vld [tilespmem:s18+$0x10860]  }
0x1af: {  	v0 =	vld [tilespmem:s18+$0x10870]  }
0x1b0: {  	v12 =	vld [tilespmem:s18+$0x4800]  }
0x1b1: {  	v13 =	vld [tilespmem:s18+$0x4810]  }
0x1b2: {  	v10 =	vld [tilespmem:s18+$0x4820]  }
0x1b3: {  	v9 =	vld [tilespmem:s18+$0x4830]  }
0x1b4: {  	v8 =	vld [tilespmem:s18+$0x4840]  }
0x1b5: {  	v7 =	vld [tilespmem:s18+$0x4850];
	v12 =	vadd.f32 v6, v12  }
0x1b6: {  	s5 =	simm.s32 $0x200;
	v11 =	vadd.f32 v11, v13;
	v6 =	vld [tilespmem:s18+$0x4860]  }
.LBB2_10:
0x1b7: {  	s6 =	sshra.s32 s5, $0x2;
	p0 =	sne.s32 s5, $0xFE00;
	v12 =	vmul.f32 $5.000000000e-01, v12;
	v5 =	vadd.f32 v5, v10;
	v10 =	vld [tilespmem:s18+$0x4870]  }
0x1b8: {  	v13 =	vld [tilespmem:s6+$0x10800];
	v11 =	vmul.f32 $5.000000000e-01, v11;
	v4 =	vadd.f32 v4, v9  }
0x1b9: {  	v14 =	vld [tilespmem:s6+$0x10810];
	[tilespmem:s18+$0x4800] =	vst v12;
	v9 =	vmul.f32 $5.000000000e-01, v5;
	v3 =	vadd.f32 v3, v8  }
0x1ba: {  	v5 =	vld [tilespmem:s6+$0x10820];
	[tilespmem:s18+$0x4810] =	vst v11;
	v8 =	vmul.f32 $5.000000000e-01, v4;
	v2 =	vadd.f32 v2, v7  }
0x1bb: {  	v4 =	vld [tilespmem:s6+$0x10830];
	[tilespmem:s18+$0x4820] =	vst v9;
	v7 =	vmul.f32 $5.000000000e-01, v3;
	v1 =	vadd.f32 v1, v6  }
0x1bc: {  	v3 =	vld [tilespmem:s6+$0x10840];
	[tilespmem:s18+$0x4830] =	vst v8;
	v6 =	vmul.f32 $5.000000000e-01, v2;
	v0 =	vadd.f32 v0, v10  }
0x1bd: {  	v2 =	vld [tilespmem:s6+$0x10850];
	[tilespmem:s18+$0x4840] =	vst v7;
	v7 =	vmul.f32 $5.000000000e-01, v1  }
0x1be: {  	v1 =	vld [tilespmem:s6+$0x10860];
	[tilespmem:s18+$0x4850] =	vst v6;
	v6 =	vmul.f32 $5.000000000e-01, v0  }
0x1bf: {  	v0 =	vld [tilespmem:s6+$0x10870];
	[tilespmem:s18+$0x4860] =	vst v7  }
0x1c0: {  	v7 =	vld [tilespmem:s6+$0x4800];
	[tilespmem:s18+$0x4870] =	vst v6;
	s18 =	smov.u32 s6  }
0x1c1: {  	v6 =	vld [tilespmem:s18+$0x4810]  }
.Ltmp4:
0x1c2: {  	v10 =	vld [tilespmem:s18+$0x4820];
	(pc) =	sbr.rel @p0 .LBB2_10-.Ltmp4, $4  }
0x1c3: {  	v9 =	vld [tilespmem:s18+$0x4830]  }
0x1c4: {  	v8 =	vld [tilespmem:s18+$0x4840]  }
0x1c5: {  	v12 =	vadd.f32 v13, v7;
	v7 =	vld [tilespmem:s18+$0x4850]  }
0x1c6: {  	s5 =	sadd.s32 $0x200, s5;
	v11 =	vadd.f32 v14, v6;
	v6 =	vld [tilespmem:s18+$0x4860]  }
0x1c7: {  	v12 =	vmul.f32 $5.000000000e-01, v12;
	v5 =	vadd.f32 v5, v10;
	v10 =	vld [tilespmem:s18+$0x4870]  }
0x1c8: {  	v11 =	vmul.f32 $5.000000000e-01, v11;
	v4 =	vadd.f32 v4, v9  }
0x1c9: {  	[tilespmem:s18+$0x4800] =	vst v12;
	v5 =	vmul.f32 $5.000000000e-01, v5;
	v3 =	vadd.f32 v3, v8  }
0x1ca: {  	[tilespmem:s18+$0x4810] =	vst v11;
	v4 =	vmul.f32 $5.000000000e-01, v4;
	v2 =	vadd.f32 v2, v7  }
0x1cb: {  	[tilespmem:s18+$0x4820] =	vst v5;
	v3 =	vmul.f32 $5.000000000e-01, v3;
	v1 =	vadd.f32 v1, v6  }
0x1cc: {  	[tilespmem:s18+$0x4830] =	vst v4;
	v2 =	vmul.f32 $5.000000000e-01, v2;
	v0 =	vadd.f32 v0, v10  }
0x1cd: {  	[tilespmem:s18+$0x4840] =	vst v3;
	v1 =	vmul.f32 $5.000000000e-01, v1  }
0x1ce: {  	[tilespmem:s18+$0x4850] =	vst v2;
	v0 =	vmul.f32 $5.000000000e-01, v0  }
0x1cf: {  	[tilespmem:s18+$0x4860] =	vst v1  }
0x1d0: {  	s5 =	simm.s32 $0x0;
	[tilespmem:s18+$0x4870] =	vst v0  }
0x1d1: {  	[hbm4b:s14+s5] =	stream.linear.scatter [tilespmem:s20], [sflag:$0x5], $0x4000, $0x38;
	[tilespmem:$0x18800] =	vst v63  }
0x1d2: {  	_ =	swait.ge [sflag:s30], $0x4000  }
0x1d3: {  	[sflag:s30] =	ssyncset.done $0x0  }
0x1d4: {  	s6 =	simm.s32 $0x380;
	[sflag:s30] =	ssyncadd.s32 $0xFFFFC000  }
0x1d5: {  	[tilespmem:s20], [sflag:$0x2] =	stream.indirect.gather [hbm4b:s1+s2], $0x80, s6, s2, $0xb8;
	[tilespmem:$0x18800] =	vst v63  }
0x1d6: {  	s18 =	simm.s32 $0x780  }
0x1d7: {  	[tilespmem:s23], [sflag:$0x2] =	stream.indirect.gather [hbm4b:s1+s2], $0x80, s18, s2, $0xb8;
	[tilespmem:$0x18800] =	vst v63  }
0x1d8: {  	_ =	swait.ge [sflag:s28], $0x4000  }
0x1d9: {  	[sflag:s28] =	ssyncset.done $0x0  }
0x1da: {  	[sflag:s28] =	ssyncadd.s32 $0xFFFFC000  }
0x1db: {  	_ =	swait.ge [sflag:s28], $0x4000  }
0x1dc: {  	[sflag:s28] =	ssyncset.done $0x0  }
0x1dd: {  	s18 =	simm.s32 $0x0;
	[sflag:s28] =	ssyncadd.s32 $0xFFFFC000  }
0x1de: {  	v6 =	vld [tilespmem:s18+$0x14800]  }
0x1df: {  	v11 =	vld [tilespmem:s18+$0x14810]  }
0x1e0: {  	v5 =	vld [tilespmem:s18+$0x14820]  }
0x1e1: {  	v4 =	vld [tilespmem:s18+$0x14830]  }
0x1e2: {  	v3 =	vld [tilespmem:s18+$0x14840]  }
0x1e3: {  	v2 =	vld [tilespmem:s18+$0x14850]  }
0x1e4: {  	v1 =	vld [tilespmem:s18+$0x14860]  }
0x1e5: {  	v0 =	vld [tilespmem:s18+$0x14870]  }
0x1e6: {  	v12 =	vld [tilespmem:s18+$0x8800]  }
0x1e7: {  	v13 =	vld [tilespmem:s18+$0x8810]  }
0x1e8: {  	v10 =	vld [tilespmem:s18+$0x8820]  }
0x1e9: {  	v9 =	vld [tilespmem:s18+$0x8830]  }
0x1ea: {  	v8 =	vld [tilespmem:s18+$0x8840]  }
0x1eb: {  	v7 =	vld [tilespmem:s18+$0x8850];
	v12 =	vadd.f32 v6, v12  }
0x1ec: {  	s5 =	simm.s32 $0x200;
	v11 =	vadd.f32 v11, v13;
	v6 =	vld [tilespmem:s18+$0x8860]  }
.LBB2_12:
0x1ed: {  	s6 =	sshra.s32 s5, $0x2;
	p0 =	sne.s32 s5, $0xFE00;
	v12 =	vmul.f32 $5.000000000e-01, v12;
	v5 =	vadd.f32 v5, v10;
	v10 =	vld [tilespmem:s18+$0x8870]  }
0x1ee: {  	v13 =	vld [tilespmem:s6+$0x14800];
	v11 =	vmul.f32 $5.000000000e-01, v11;
	v4 =	vadd.f32 v4, v9  }
0x1ef: {  	v14 =	vld [tilespmem:s6+$0x14810];
	[tilespmem:s18+$0x8800] =	vst v12;
	v9 =	vmul.f32 $5.000000000e-01, v5;
	v3 =	vadd.f32 v3, v8  }
0x1f0: {  	v5 =	vld [tilespmem:s6+$0x14820];
	[tilespmem:s18+$0x8810] =	vst v11;
	v8 =	vmul.f32 $5.000000000e-01, v4;
	v2 =	vadd.f32 v2, v7  }
0x1f1: {  	v4 =	vld [tilespmem:s6+$0x14830];
	[tilespmem:s18+$0x8820] =	vst v9;
	v7 =	vmul.f32 $5.000000000e-01, v3;
	v1 =	vadd.f32 v1, v6  }
0x1f2: {  	v3 =	vld [tilespmem:s6+$0x14840];
	[tilespmem:s18+$0x8830] =	vst v8;
	v6 =	vmul.f32 $5.000000000e-01, v2;
	v0 =	vadd.f32 v0, v10  }
0x1f3: {  	v2 =	vld [tilespmem:s6+$0x14850];
	[tilespmem:s18+$0x8840] =	vst v7;
	v7 =	vmul.f32 $5.000000000e-01, v1  }
0x1f4: {  	v1 =	vld [tilespmem:s6+$0x14860];
	[tilespmem:s18+$0x8850] =	vst v6;
	v6 =	vmul.f32 $5.000000000e-01, v0  }
0x1f5: {  	v0 =	vld [tilespmem:s6+$0x14870];
	[tilespmem:s18+$0x8860] =	vst v7  }
0x1f6: {  	v7 =	vld [tilespmem:s6+$0x8800];
	[tilespmem:s18+$0x8870] =	vst v6;
	s18 =	smov.u32 s6  }
0x1f7: {  	v6 =	vld [tilespmem:s18+$0x8810]  }
.Ltmp5:
0x1f8: {  	v10 =	vld [tilespmem:s18+$0x8820];
	(pc) =	sbr.rel @p0 .LBB2_12-.Ltmp5, $4  }
0x1f9: {  	v9 =	vld [tilespmem:s18+$0x8830]  }
0x1fa: {  	v8 =	vld [tilespmem:s18+$0x8840]  }
0x1fb: {  	v12 =	vadd.f32 v13, v7;
	v7 =	vld [tilespmem:s18+$0x8850]  }
0x1fc: {  	s5 =	sadd.s32 $0x200, s5;
	v11 =	vadd.f32 v14, v6;
	v6 =	vld [tilespmem:s18+$0x8860]  }
0x1fd: {  	v12 =	vmul.f32 $5.000000000e-01, v12;
	v5 =	vadd.f32 v5, v10;
	v10 =	vld [tilespmem:s18+$0x8870]  }
0x1fe: {  	v11 =	vmul.f32 $5.000000000e-01, v11;
	v4 =	vadd.f32 v4, v9  }
0x1ff: {  	[tilespmem:s18+$0x8800] =	vst v12;
	v5 =	vmul.f32 $5.000000000e-01, v5;
	v3 =	vadd.f32 v3, v8  }
0x200: {  	[tilespmem:s18+$0x8810] =	vst v11;
	v4 =	vmul.f32 $5.000000000e-01, v4;
	v2 =	vadd.f32 v2, v7  }
0x201: {  	[tilespmem:s18+$0x8820] =	vst v5;
	v3 =	vmul.f32 $5.000000000e-01, v3;
	v1 =	vadd.f32 v1, v6  }
0x202: {  	[tilespmem:s18+$0x8830] =	vst v4;
	v2 =	vmul.f32 $5.000000000e-01, v2;
	v0 =	vadd.f32 v0, v10  }
0x203: {  	[tilespmem:s18+$0x8840] =	vst v3;
	v1 =	vmul.f32 $5.000000000e-01, v1  }
0x204: {  	[tilespmem:s18+$0x8850] =	vst v2;
	v0 =	vmul.f32 $5.000000000e-01, v0  }
0x205: {  	[tilespmem:s18+$0x8860] =	vst v1  }
0x206: {  	s5 =	simm.s32 $0x0;
	[tilespmem:s18+$0x8870] =	vst v0  }
0x207: {  	[hbm4b:s13+s5] =	stream.linear.scatter [tilespmem:s21], [sflag:$0x6], $0x4000, $0x38;
	[tilespmem:$0x18800] =	vst v63  }
0x208: {  	_ =	swait.ge [sflag:s25], $0x4000  }
0x209: {  	[sflag:s25] =	ssyncset.done $0x0  }
0x20a: {  	[sflag:s25] =	ssyncadd.s32 $0xFFFFC000  }
0x20b: {  	_ =	swait.ge [sflag:s25], $0x4000  }
0x20c: {  	[sflag:s25] =	ssyncset.done $0x0  }
0x20d: {  	s18 =	simm.s32 $0x0;
	[sflag:s25] =	ssyncadd.s32 $0xFFFFC000  }
0x20e: {  	v6 =	vld [tilespmem:s18+$0xC800]  }
0x20f: {  	v11 =	vld [tilespmem:s18+$0xC810]  }
0x210: {  	v5 =	vld [tilespmem:s18+$0xC820]  }
0x211: {  	v4 =	vld [tilespmem:s18+$0xC830]  }
0x212: {  	v3 =	vld [tilespmem:s18+$0xC840]  }
0x213: {  	v2 =	vld [tilespmem:s18+$0xC850]  }
0x214: {  	v1 =	vld [tilespmem:s18+$0xC860]  }
0x215: {  	v0 =	vld [tilespmem:s18+$0xC870]  }
0x216: {  	v12 =	vld [tilespmem:s18+$0x800]  }
0x217: {  	v13 =	vld [tilespmem:s18+$0x810]  }
0x218: {  	v10 =	vld [tilespmem:s18+$0x820]  }
0x219: {  	v9 =	vld [tilespmem:s18+$0x830]  }
0x21a: {  	v8 =	vld [tilespmem:s18+$0x840]  }
0x21b: {  	v7 =	vld [tilespmem:s18+$0x850];
	v12 =	vadd.f32 v6, v12  }
0x21c: {  	s5 =	simm.s32 $0x200;
	v11 =	vadd.f32 v11, v13;
	v6 =	vld [tilespmem:s18+$0x860]  }
.LBB2_14:
0x21d: {  	s6 =	sshra.s32 s5, $0x2;
	p0 =	sne.s32 s5, $0xFE00;
	v12 =	vmul.f32 $5.000000000e-01, v12;
	v5 =	vadd.f32 v5, v10;
	v10 =	vld [tilespmem:s18+$0x870]  }
0x21e: {  	v13 =	vld [tilespmem:s6+$0xC800];
	v11 =	vmul.f32 $5.000000000e-01, v11;
	v4 =	vadd.f32 v4, v9  }
0x21f: {  	v14 =	vld [tilespmem:s6+$0xC810];
	[tilespmem:s18+$0x800] =	vst v12;
	v9 =	vmul.f32 $5.000000000e-01, v5;
	v3 =	vadd.f32 v3, v8  }
0x220: {  	v5 =	vld [tilespmem:s6+$0xC820];
	[tilespmem:s18+$0x810] =	vst v11;
	v8 =	vmul.f32 $5.000000000e-01, v4;
	v2 =	vadd.f32 v2, v7  }
0x221: {  	v4 =	vld [tilespmem:s6+$0xC830];
	[tilespmem:s18+$0x820] =	vst v9;
	v7 =	vmul.f32 $5.000000000e-01, v3;
	v1 =	vadd.f32 v1, v6  }
0x222: {  	v3 =	vld [tilespmem:s6+$0xC840];
	[tilespmem:s18+$0x830] =	vst v8;
	v6 =	vmul.f32 $5.000000000e-01, v2;
	v0 =	vadd.f32 v0, v10  }
0x223: {  	v2 =	vld [tilespmem:s6+$0xC850];
	[tilespmem:s18+$0x840] =	vst v7;
	v7 =	vmul.f32 $5.000000000e-01, v1  }
0x224: {  	v1 =	vld [tilespmem:s6+$0xC860];
	[tilespmem:s18+$0x850] =	vst v6;
	v6 =	vmul.f32 $5.000000000e-01, v0  }
0x225: {  	v0 =	vld [tilespmem:s6+$0xC870];
	[tilespmem:s18+$0x860] =	vst v7  }
0x226: {  	v7 =	vld [tilespmem:s6+$0x800];
	[tilespmem:s18+$0x870] =	vst v6;
	s18 =	smov.u32 s6  }
0x227: {  	v6 =	vld [tilespmem:s18+$0x810]  }
.Ltmp6:
0x228: {  	v10 =	vld [tilespmem:s18+$0x820];
	(pc) =	sbr.rel @p0 .LBB2_14-.Ltmp6, $4  }
0x229: {  	v9 =	vld [tilespmem:s18+$0x830]  }
0x22a: {  	v8 =	vld [tilespmem:s18+$0x840]  }
0x22b: {  	v12 =	vadd.f32 v13, v7;
	v7 =	vld [tilespmem:s18+$0x850]  }
0x22c: {  	s5 =	sadd.s32 $0x200, s5;
	v11 =	vadd.f32 v14, v6;
	v6 =	vld [tilespmem:s18+$0x860]  }
0x22d: {  	v12 =	vmul.f32 $5.000000000e-01, v12;
	v5 =	vadd.f32 v5, v10;
	v10 =	vld [tilespmem:s18+$0x870]  }
0x22e: {  	v11 =	vmul.f32 $5.000000000e-01, v11;
	v4 =	vadd.f32 v4, v9  }
0x22f: {  	[tilespmem:s18+$0x800] =	vst v12;
	v5 =	vmul.f32 $5.000000000e-01, v5;
	v3 =	vadd.f32 v3, v8  }
0x230: {  	[tilespmem:s18+$0x810] =	vst v11;
	v4 =	vmul.f32 $5.000000000e-01, v4;
	v2 =	vadd.f32 v2, v7  }
0x231: {  	[tilespmem:s18+$0x820] =	vst v5;
	v3 =	vmul.f32 $5.000000000e-01, v3;
	v1 =	vadd.f32 v1, v6  }
0x232: {  	[tilespmem:s18+$0x830] =	vst v4;
	v2 =	vmul.f32 $5.000000000e-01, v2;
	v0 =	vadd.f32 v0, v10  }
0x233: {  	[tilespmem:s18+$0x840] =	vst v3;
	v1 =	vmul.f32 $5.000000000e-01, v1  }
0x234: {  	[tilespmem:s18+$0x850] =	vst v2;
	v0 =	vmul.f32 $5.000000000e-01, v0  }
0x235: {  	[tilespmem:s18+$0x860] =	vst v1  }
0x236: {  	s5 =	simm.s32 $0x0;
	[tilespmem:s18+$0x870] =	vst v0  }
0x237: {  	[hbm4b:s15+s5] =	stream.linear.scatter [tilespmem:s19], [sflag:$0x4], $0x4000, $0x38;
	[tilespmem:$0x18800] =	vst v63  }
0x238: {  	_ =	swait.ge [sflag:s26], $0x4000  }
0x239: {  	[sflag:s26] =	ssyncset.done $0x0  }
0x23a: {  	[sflag:s26] =	ssyncadd.s32 $0xFFFFC000  }
0x23b: {  	_ =	swait.ge [sflag:s26], $0x4000  }
0x23c: {  	[sflag:s26] =	ssyncset.done $0x0  }
0x23d: {  	s18 =	simm.s32 $0x0;
	[sflag:s26] =	ssyncadd.s32 $0xFFFFC000  }
0x23e: {  	v6 =	vld [tilespmem:s18+$0x10800]  }
0x23f: {  	v11 =	vld [tilespmem:s18+$0x10810]  }
0x240: {  	v5 =	vld [tilespmem:s18+$0x10820]  }
0x241: {  	v4 =	vld [tilespmem:s18+$0x10830]  }
0x242: {  	v3 =	vld [tilespmem:s18+$0x10840]  }
0x243: {  	v2 =	vld [tilespmem:s18+$0x10850]  }
0x244: {  	v1 =	vld [tilespmem:s18+$0x10860]  }
0x245: {  	v0 =	vld [tilespmem:s18+$0x10870]  }
0x246: {  	v12 =	vld [tilespmem:s18+$0x4800]  }
0x247: {  	v13 =	vld [tilespmem:s18+$0x4810]  }
0x248: {  	v10 =	vld [tilespmem:s18+$0x4820]  }
0x249: {  	v9 =	vld [tilespmem:s18+$0x4830]  }
0x24a: {  	v8 =	vld [tilespmem:s18+$0x4840]  }
0x24b: {  	v7 =	vld [tilespmem:s18+$0x4850];
	v12 =	vadd.f32 v6, v12  }
0x24c: {  	s5 =	simm.s32 $0x200;
	v11 =	vadd.f32 v11, v13;
	v6 =	vld [tilespmem:s18+$0x4860]  }
.LBB2_16:
0x24d: {  	s6 =	sshra.s32 s5, $0x2;
	p0 =	sne.s32 s5, $0xFE00;
	v12 =	vmul.f32 $5.000000000e-01, v12;
	v5 =	vadd.f32 v5, v10;
	v10 =	vld [tilespmem:s18+$0x4870]  }
0x24e: {  	v13 =	vld [tilespmem:s6+$0x10800];
	v11 =	vmul.f32 $5.000000000e-01, v11;
	v4 =	vadd.f32 v4, v9  }
0x24f: {  	v14 =	vld [tilespmem:s6+$0x10810];
	[tilespmem:s18+$0x4800] =	vst v12;
	v9 =	vmul.f32 $5.000000000e-01, v5;
	v3 =	vadd.f32 v3, v8  }
0x250: {  	v5 =	vld [tilespmem:s6+$0x10820];
	[tilespmem:s18+$0x4810] =	vst v11;
	v8 =	vmul.f32 $5.000000000e-01, v4;
	v2 =	vadd.f32 v2, v7  }
0x251: {  	v4 =	vld [tilespmem:s6+$0x10830];
	[tilespmem:s18+$0x4820] =	vst v9;
	v7 =	vmul.f32 $5.000000000e-01, v3;
	v1 =	vadd.f32 v1, v6  }
0x252: {  	v3 =	vld [tilespmem:s6+$0x10840];
	[tilespmem:s18+$0x4830] =	vst v8;
	v6 =	vmul.f32 $5.000000000e-01, v2;
	v0 =	vadd.f32 v0, v10  }
0x253: {  	v2 =	vld [tilespmem:s6+$0x10850];
	[tilespmem:s18+$0x4840] =	vst v7;
	v7 =	vmul.f32 $5.000000000e-01, v1  }
0x254: {  	v1 =	vld [tilespmem:s6+$0x10860];
	[tilespmem:s18+$0x4850] =	vst v6;
	v6 =	vmul.f32 $5.000000000e-01, v0  }
0x255: {  	v0 =	vld [tilespmem:s6+$0x10870];
	[tilespmem:s18+$0x4860] =	vst v7  }
0x256: {  	v7 =	vld [tilespmem:s6+$0x4800];
	[tilespmem:s18+$0x4870] =	vst v6;
	s18 =	smov.u32 s6  }
0x257: {  	v6 =	vld [tilespmem:s18+$0x4810]  }
.Ltmp7:
0x258: {  	v10 =	vld [tilespmem:s18+$0x4820];
	(pc) =	sbr.rel @p0 .LBB2_16-.Ltmp7, $4  }
0x259: {  	v9 =	vld [tilespmem:s18+$0x4830]  }
0x25a: {  	v8 =	vld [tilespmem:s18+$0x4840]  }
0x25b: {  	v12 =	vadd.f32 v13, v7;
	v7 =	vld [tilespmem:s18+$0x4850]  }
0x25c: {  	s5 =	sadd.s32 $0x200, s5;
	v11 =	vadd.f32 v14, v6;
	v6 =	vld [tilespmem:s18+$0x4860]  }
0x25d: {  	v12 =	vmul.f32 $5.000000000e-01, v12;
	v5 =	vadd.f32 v5, v10;
	v63 =	vld [tilespmem:s18+$0x4870]  }
0x25e: {  	v11 =	vmul.f32 $5.000000000e-01, v11;
	v4 =	vadd.f32 v4, v9  }
0x25f: {  	[tilespmem:s18+$0x4800] =	vst v12;
	v5 =	vmul.f32 $5.000000000e-01, v5;
	v3 =	vadd.f32 v3, v8  }
0x260: {  	[tilespmem:s18+$0x4810] =	vst v11;
	v4 =	vmul.f32 $5.000000000e-01, v4;
	v2 =	vadd.f32 v2, v7  }
0x261: {  	[tilespmem:s18+$0x4820] =	vst v5;
	v3 =	vmul.f32 $5.000000000e-01, v3;
	v1 =	vadd.f32 v1, v6  }
0x262: {  	[tilespmem:s18+$0x4830] =	vst v4;
	v2 =	vmul.f32 $5.000000000e-01, v2;
	v0 =	vadd.f32 v0, v63  }
0x263: {  	[tilespmem:s18+$0x4840] =	vst v3;
	v1 =	vmul.f32 $5.000000000e-01, v1  }
0x264: {  	[tilespmem:s18+$0x4850] =	vst v2;
	v0 =	vmul.f32 $5.000000000e-01, v0  }
0x265: {  	[tilespmem:s18+$0x4860] =	vst v1  }
0x266: {  	[tilespmem:s18+$0x4870] =	vst v0  }
0x267: {  	[hbm4b:s16+s3] =	stream.linear.scatter [tilespmem:s20], [sflag:$0x5], $0x4000, $0x38;
	[tilespmem:$0x18800] =	vst v63  }
0x268: {  	_ =	swait.ge [sflag:s29], $0x4000  }
0x269: {  	[sflag:s29] =	ssyncset.done $0x0  }
0x26a: {  	s4 =	sadd.s32 $0x1, s4;
	[sflag:s29] =	ssyncadd.s32 $0xFFFFC000  }
0x26b: {  	p0 =	sne.s32 s4, s17;
	_ =	swait.ge [sflag:s30], $0x4000  }
.Ltmp8:
0x26c: {  	[sflag:s30] =	ssyncset.done $0x0;
	(pc) =	sbr.rel @p0 .LBB2_1-.Ltmp8, $4  }
0x26d: {  	[sflag:s30] =	ssyncadd.s32 $0xFFFFC000  }
0x26e: {  	_ =	swait.ge [sflag:s31], $0x4000  }
0x26f: {  	[sflag:s31] =	ssyncset.done $0x0  }
0x270: {  	[sflag:s31] =	ssyncadd.s32 $0xFFFFC000  }
0x271: {  	_ =	sfence.sel $0x180000  }
0x272: {  	[bflag:$0x0] =	sbarrier.arrive $0xFFFF  }
0x273: {  	_ =	strace $0x90000047  }
0x274: {  	s0 =	stileid.u32;
	[bflag:$0x2] =	sbarrier.arrive $0xFFFF  }
0x275: {  	p0 =	sne.s32 s0, $0x0;
	s0 =	rddreg [dreg:$0x3]  }
0x276: {  	s0 =	sadd.s32 @!p0 $0x100000, s0  }
0x277: {  	[sflag:s0] =	ssyncadd.tile.s32 @!p0 $0x1;
	_ =	shalt  }
.Lfunc_end2:
_tile_overlayer_lowered:
.L_overlay_start_2:
0x278: {  	(tag) =	ssettag $0x2  }
0x279: {  	s0 =	rddreg [dreg:$0x0];
	s2 =	stileid.u32  }
0x27a: {  	s1 =	rddreg [dreg:$0x1];
	p0 =	sne.s32 s2, $0x0  }
0x27b: {  	s3 =	rddreg [dreg:$0x2];
	[bflag:$0x3] =	sbarrier.arrive $0xFFFF;
	s2 =	simm.s32 @!p0 $0x1C08  }
0x27c: {  	[timem:s3], [sflag:s2] =	dma.local @!p0 [hbm:s0], s1  }
0x27d: {  	s0 =	simm.s32 @!p0 $0x8  }
0x27e: {  	_ =	swait.ge @!p0 [sflag:s0], s1  }
0x27f: {  	s1 =	ssub.s32 @!p0 $0x0, s1;
	[sflag:s0] =	ssyncset.done @!p0 $0x0  }
0x280: {  	[sflag:s0] =	ssyncadd.s32 @!p0 s1  }
0x281: {  	[bflag:$0x3] =	sbarrier.arrive $0xFFFF  }
0x282: {  	_ =	shalt  }

</sc_bundles>
